<compile_context>
chip_gen: v7x
topology: tpu7x:2x2x1
jax: 0.10.2.dev20260603
libtpu: 0.0.44.dev20260713+nightly
codegen_flags: <defaults>
</compile_context>

<pallas_src>
import functools

import jax
import jax.numpy as jnp
from jax import lax
from jax.experimental import pallas as pl
from jax.experimental.pallas import tpu as pltpu
from jax.experimental.pallas import tpu_sc as plsc

N = 10000
D = 128
DL = 64
NC = 2
NS = 16
NW = NC * NS
NB = 80
BATCH = 128
EPW = NB * BATCH
EP = NW * EPW
NP = 10240
RPT = NP // NS
BLK = 1024
GRID = NP // BLK


def _sc_mesh():
    return plsc.VectorSubcoreMesh(
        core_axis_name="c", subcore_axis_name="s",
        num_cores=NC, num_subcores=NS)


def _deg_body(dst_hbm, out0, out1, dst_v, zbuf, ones_v, acc):
    c = lax.axis_index("c")
    s = lax.axis_index("s")
    wid = c * jnp.int32(NS) + s

    def fill_z(i, carry):
        zbuf[pl.ds(i * jnp.int32(16), 16)] = jnp.zeros((16,), jnp.float32)
        return carry

    lax.fori_loop(jnp.int32(0), jnp.int32(RPT // 16), fill_z, 0)

    def fill_o(i, carry):
        ones_v[pl.ds(i * jnp.int32(16), 16)] = jnp.ones((16,), jnp.float32)
        return carry

    lax.fori_loop(jnp.int32(0), jnp.int32(BATCH // 16), fill_o, 0)

    rows = pl.ds(s * jnp.int32(RPT), RPT)
    pltpu.sync_copy(dst_hbm.at[pl.ds(wid * jnp.int32(NB), NB)], dst_v)
    pltpu.sync_copy(zbuf, acc.at[rows])
    plsc.subcore_barrier()

    def body(j, carry):
        pltpu.sync_copy(ones_v, acc.at[dst_v.at[j]], add=True)
        return carry

    lax.fori_loop(jnp.int32(0), jnp.int32(NB), body, 0)
    plsc.subcore_barrier()

    @pl.when(c == 0)
    def _():
        pltpu.sync_copy(acc.at[rows], out0.at[rows])

    @pl.when(c == 1)
    def _():
        pltpu.sync_copy(acc.at[rows], out1.at[rows])


_deg_call = functools.partial(
    pl.kernel,
    out_type=(
        jax.ShapeDtypeStruct((NP,), jnp.float32),
        jax.ShapeDtypeStruct((NP,), jnp.float32),
    ),
    mesh=_sc_mesh(),
    scratch_types=[
        pltpu.VMEM((NB, BATCH), jnp.int32),
        pltpu.VMEM((RPT,), jnp.float32),
        pltpu.VMEM((BATCH,), jnp.float32),
        pltpu.VMEM_SHARED((NP,), jnp.float32),
    ],
)(_deg_body)


CH = 16
TB = EP // BATCH
NBPT = TB // NW


def _emit_chunks(h_hbm, src_hbm, dst_hbm, acc, src_v, dst_v, buf,
                 gsem, isem, base, nchunk):
    i32 = jnp.int32

    def chunk_body(k, carry):
        pk = lax.rem(k, i32(2))
        pn = lax.rem(k + i32(1), i32(2))
        more = k + i32(1) < i32(nchunk)

        @pl.when(more)
        def _():
            pltpu.async_copy(
                src_hbm.at[pl.ds(base + (k + i32(1)) * i32(CH), CH)],
                src_v.at[pn], isem)
            pltpu.async_copy(
                dst_hbm.at[pl.ds(base + (k + i32(1)) * i32(CH), CH)],
                dst_v.at[pn], isem)

        def inner(jj, icarry):
            p = lax.rem(jj, i32(2))
            pnx = lax.rem(jj + i32(1), i32(2))

            @pl.when(jj < i32(CH - 1))
            def _():
                pltpu.async_copy(h_hbm.at[src_v.at[pk, jj + i32(1)]],
                                 buf.at[pnx], gsem.at[pnx])

            pltpu.make_async_copy(h_hbm.at[src_v.at[pk, jj]],
                                  buf.at[p], gsem.at[p]).wait()
            pltpu.sync_copy(buf.at[p], acc.at[dst_v.at[pk, jj]], add=True)
            return icarry

        lax.fori_loop(i32(0), i32(CH), inner, 0)

        @pl.when(more)
        def _():
            pltpu.make_async_copy(
                src_hbm.at[pl.ds(base + (k + i32(1)) * i32(CH), CH)],
                src_v.at[pn], isem).wait()
            pltpu.make_async_copy(
                dst_hbm.at[pl.ds(base + (k + i32(1)) * i32(CH), CH)],
                dst_v.at[pn], isem).wait()
            pltpu.async_copy(h_hbm.at[src_v.at[pn, i32(0)]],
                             buf.at[i32(0)], gsem.at[i32(0)])

        return carry

    lax.fori_loop(i32(0), i32(nchunk), chunk_body, 0)


def _agg_body(h_hbm, src_hbm, dst_hbm, out0, out1,
              src_v, dst_v, buf, acc, gsem, isem):
    c = lax.axis_index("c")
    s = lax.axis_index("s")
    i32 = jnp.int32

    base = (c * i32(NS) + s) * i32(NBPT)
    rows = pl.ds(s * i32(RPT), RPT)

    @pl.when(c == 0)
    def _():
        pltpu.sync_copy(h_hbm.at[rows], acc.at[rows])

    @pl.when(c == 1)
    def _():
        def fill_z(i, carry):
            for k in range(D // 16):
                buf[i32(0), i, pl.ds(i32(16 * k), 16)] = jnp.zeros(
                    (16,), jnp.float32)
            return carry

        lax.fori_loop(i32(0), i32(BATCH), fill_z, 0)
        for r in range(RPT // BATCH):
            pltpu.sync_copy(
                buf.at[i32(0)],
                acc.at[pl.ds(s * i32(RPT) + i32(BATCH * r), BATCH)])

    pltpu.sync_copy(src_hbm.at[pl.ds(base, CH)], src_v.at[i32(0)])
    pltpu.sync_copy(dst_hbm.at[pl.ds(base, CH)], dst_v.at[i32(0)])
    pltpu.async_copy(h_hbm.at[src_v.at[i32(0), i32(0)]],
                     buf.at[i32(0)], gsem.at[i32(0)])
    plsc.subcore_barrier()
    _emit_chunks(h_hbm, src_hbm, dst_hbm, acc, src_v, dst_v, buf,
                 gsem, isem, base, NBPT // CH)
    plsc.subcore_barrier()

    @pl.when(c == 0)
    def _():
        pltpu.sync_copy(acc.at[rows], out0.at[rows])

    @pl.when(c == 1)
    def _():
        pltpu.sync_copy(acc.at[rows], out1.at[rows])


_agg_call = functools.partial(
    pl.kernel,
    out_type=(
        jax.ShapeDtypeStruct((NP, D), jnp.float32),
        jax.ShapeDtypeStruct((NP, D), jnp.float32),
    ),
    mesh=_sc_mesh(),
    scratch_types=[
        pltpu.VMEM((2, CH, BATCH), jnp.int32),
        pltpu.VMEM((2, CH, BATCH), jnp.int32),
        pltpu.VMEM((2, BATCH, D), jnp.float32),
        pltpu.VMEM_SHARED((NP, D), jnp.float32),
        pltpu.SemaphoreType.DMA((2,)),
        pltpu.SemaphoreType.DMA,
    ],
)(_agg_body)


def _tc1_body(deg0_ref, deg1_ref, x_ref, w_ref, h_ref, dinv_ref):
    d = deg0_ref[0, 0, :] + deg1_ref[0, 0, :] + 1.0
    di = lax.rsqrt(d)
    h = jnp.dot(x_ref[...], w_ref[...], preferred_element_type=jnp.float32,
                precision=lax.Precision.HIGHEST)
    h_ref[...] = di[:, None] * h
    dinv_ref[0, 0, :] = di


def _tc2_body(s0_ref, s1_ref, dinv_ref, b_ref, out_ref):
    di = dinv_ref[0, 0, :][:, None]
    s = s0_ref[...] + s1_ref[...]
    h = jnp.maximum(di * s + b_ref[...][None, :], 0.0)
    out_ref[...] = di * h


def _tc3_body(s0_ref, s1_ref, dinv_ref, w_ref, b_ref, mu_ref, lv_ref):
    di = dinv_ref[0, 0, :][:, None]
    a = di * (s0_ref[...] + s1_ref[...])
    y = (
        jnp.dot(a, w_ref[...], preferred_element_type=jnp.float32,
                precision=lax.Precision.HIGHEST)
        + b_ref[...][None, :]
    )
    mu_ref[...] = y[:, :DL]
    lv_ref[...] = y[:, DL:]


def _row_spec(width):
    return pl.BlockSpec((BLK, width), lambda i: (i, 0))


def _vec_spec():
    return pl.BlockSpec((1, 1, BLK), lambda i: (i, 0, 0))


def _full_spec(r, c):
    return pl.BlockSpec((r, c), lambda i: (0, 0))


_tc1_call = pl.pallas_call(
    _tc1_body,
    grid=(GRID,),
    in_specs=[_vec_spec(), _vec_spec(), _row_spec(D), _full_spec(D, D)],
    out_specs=[_row_spec(D), _vec_spec()],
    out_shape=[
        jax.ShapeDtypeStruct((NP, D), jnp.float32),
        jax.ShapeDtypeStruct((GRID, 1, BLK), jnp.float32),
    ],
)

_tc2_call = pl.pallas_call(
    _tc2_body,
    grid=(GRID,),
    in_specs=[
        _row_spec(D),
        _row_spec(D),
        _vec_spec(),
        pl.BlockSpec((D,), lambda i: (0,)),
    ],
    out_specs=_row_spec(D),
    out_shape=jax.ShapeDtypeStruct((NP, D), jnp.float32),
)

_tc3_call = pl.pallas_call(
    _tc3_body,
    grid=(GRID,),
    in_specs=[
        _row_spec(D),
        _row_spec(D),
        _vec_spec(),
        _full_spec(D, D),
        pl.BlockSpec((D,), lambda i: (0,)),
    ],
    out_specs=[_row_spec(DL), _row_spec(DL)],
    out_shape=[
        jax.ShapeDtypeStruct((NP, DL), jnp.float32),
        jax.ShapeDtypeStruct((NP, DL), jnp.float32),
    ],
)


@jax.jit
def _full(x, edge_index, W1, b1, W_mu, b_mu, W_var, b_var):
    with jax.enable_x64(False):
        src = edge_index[0].astype(jnp.int32)
        dst = edge_index[1].astype(jnp.int32)
        W_cat = jnp.concatenate([W_mu, W_var], axis=1).astype(jnp.float32)
        b_cat = jnp.concatenate([b_mu, b_var], axis=0).astype(jnp.float32)
        x32 = x.astype(jnp.float32)
        W1c = W1.astype(jnp.float32)
        b1c = b1.astype(jnp.float32)

        pad = EP - src.shape[0]
        src_p = jnp.concatenate(
            [src, jnp.arange(pad, dtype=jnp.int32) % N]).reshape(TB, BATCH)
        dst_p = jnp.concatenate(
            [dst, N + jnp.arange(pad, dtype=jnp.int32) % (NP - N)],
        ).reshape(TB, BATCH)
        xp = jnp.zeros((NP, D), jnp.float32).at[:N].set(x32)

        deg0, deg1 = _deg_call(dst_p)
        hp, dinv = _tc1_call(
            deg0.reshape(GRID, 1, BLK), deg1.reshape(GRID, 1, BLK), xp, W1c)
        s1a, s1b = _agg_call(hp, src_p, dst_p)
        hp2 = _tc2_call(s1a, s1b, dinv, b1c)
        s2a, s2b = _agg_call(hp2, src_p, dst_p)
        mu32, lv32 = _tc3_call(s2a, s2b, dinv, W_cat, b_cat)

    return mu32[:N].astype(jnp.float64), lv32[:N].astype(jnp.float64)


def kernel(x, edge_index, W1, b1, W_mu, b_mu, W_var, b_var):
    return _full(x, edge_index, W1, b1, W_mu, b_mu, W_var, b_var)

# --- scband reference (transcript-rebuilt; emitter-appended) ---
"""Pipeline reference for scband-gcnencoder-61710090109081 (READ-ONLY COPY).

The authoritative reference and input builder live on the scoring server;
editing this copy changes nothing except your own understanding.
"""

import jax, jax.numpy as jnp
import numpy as np
jax.config.update("jax_enable_x64", True)

N = 10000
E = 320000
D_IN = 128
D_H = 128
D_L = 64


def setup_inputs(seed: int = 0) -> dict:
    key = jax.random.key(seed)
    ks = jax.random.split(key, 9)
    x = jax.random.normal(ks[0], (N, D_IN), dtype=jnp.float32)
    edge_index = jax.random.randint(ks[1], (2, E), 0, N, dtype=jnp.int64)
    W1 = jax.random.normal(ks[2], (D_IN, D_H), dtype=jnp.float32) * (1.0 / np.sqrt(D_IN))
    b1 = jnp.zeros((D_H,), dtype=jnp.float32)
    W_mu = jax.random.normal(ks[3], (D_H, D_L), dtype=jnp.float32) * (1.0 / np.sqrt(D_H))
    b_mu = jnp.zeros((D_L,), dtype=jnp.float32)
    W_var = jax.random.normal(ks[4], (D_H, D_L), dtype=jnp.float32) * (1.0 / np.sqrt(D_H))
    b_var = jnp.zeros((D_L,), dtype=jnp.float32)
    return {"x": x, "edge_index": edge_index, "W1": W1, "b1": b1,
            "W_mu": W_mu, "b_mu": b_mu, "W_var": W_var, "b_var": b_var}


def _gcn_conv(x, edge_index, W, b):
    # Faithful PyG GCNConv: add self-loops, symmetric normalization D^-1/2 A D^-1/2,
    # linear transform, gather messages along src, scatter-add to dst, add bias.
    n = x.shape[0]
    loop = jnp.arange(n, dtype=edge_index.dtype)
    src = jnp.concatenate([edge_index[0], loop])
    dst = jnp.concatenate([edge_index[1], loop])
    deg = jnp.zeros((n,), dtype=x.dtype).at[dst].add(1.0)
    dinv = jnp.where(deg > 0, jax.lax.rsqrt(jnp.maximum(deg, 1e-12)), 0.0)
    norm = dinv[src] * dinv[dst]
    h = x @ W
    msg = jnp.take(h, src, axis=0) * norm[:, None]
    out = jax.ops.segment_sum(msg, dst, num_segments=n)
    return out + b


def reference(x, edge_index, W1, b1, W_mu, b_mu, W_var, b_var):
    h = jax.nn.relu(_gcn_conv(x, edge_index, W1, b1))
    mu = _gcn_conv(h, edge_index, W_mu, b_mu)
    log_var = _gcn_conv(h, edge_index, W_var, b_var)
    return (mu, log_var)

if __name__ == "__main__":
    import jax
    _d = setup_inputs()
    print(jax.jit(kernel)(*tuple(_d.values())))

</pallas_src>

<mosaic_0001>
#map = affine_map<(d0, d1) -> (0, 0)>
module attributes {stable_mosaic.version = 14 : i64} {
  func.func @_agg_body(%arg0: i32, %arg1: i32, %arg2: memref<10240x128xf32, #tpu.memory_space<hbm>>, %arg3: memref<2560x128xi32, #tpu.memory_space<hbm>>, %arg4: memref<2560x128xi32, #tpu.memory_space<hbm>>, %arg5: memref<10240x128xf32, #tpu.memory_space<hbm>>, %arg6: memref<10240x128xf32, #tpu.memory_space<hbm>>, %arg7: memref<2x16x128xi32, #tpu.memory_space<vmem>>, %arg8: memref<2x16x128xi32, #tpu.memory_space<vmem>>, %arg9: memref<2x128x128xf32, #tpu.memory_space<vmem>>, %arg10: memref<10240x128xf32, #tpu.memory_space<vmem_shared>>, %arg11: memref<2x!tpu.dma_semaphore, #tpu.memory_space<semaphore_mem>>, %arg12: memref<!tpu.dma_semaphore, #tpu.memory_space<semaphore_mem>>) attributes {dimension_semantics = [#tpu.dimension_semantics<core_parallel>, #tpu.dimension_semantics<subcore_parallel>], iteration_bounds = array<i64: 2, 16>, scalar_prefetch = 0 : i64, scratch_operands = 6 : i64, tpu.core_type = #tpu.core_type<sc_vector_subcore>, window_params = [{transform_indices = #map}, {transform_indices = #map}, {transform_indices = #map}, {transform_indices = #map}, {transform_indices = #map}]} {
    %mul3A = arith.constant 16 : i32
    %mul3A_0 = arith.muli %arg0, %mul3A : i32
    %add3A = arith.addi %mul3A_0, %arg1 : i32
    %mul3A_1 = arith.constant 80 : i32
    %mul3A_2 = arith.muli %add3A, %mul3A_1 : i32
    %mul3A_3 = arith.constant 640 : i32
    %mul3A_4 = arith.muli %arg1, %mul3A_3 : i32
    %eq3A = arith.constant 0 : i32
    %eq3A_5 = arith.cmpi eq, %arg0, %eq3A : i32
    %convert_element_type3A = arith.extui %eq3A_5 : i1 to i32
    %cond3A = arith.constant 0 : i32
    %cond3A_6 = arith.cmpi ne, %convert_element_type3A, %cond3A : i32
    scf.if %cond3A_6 {
      "tpu.region"() ({
        %run_scoped3A_49 = tpu.sem_alloc : memref<!tpu.dma_semaphore, #tpu.memory_space<semaphore_mem>>
        %dma_start3A_50 = arith.constant 0 : i32
        %dma_start3A_51 = tpu.memref_slice %arg10[%mul3A_4, %dma_start3A_50] : memref<10240x128xf32, #tpu.memory_space<vmem_shared>> -> memref<640x128xf32, #tpu.memory_space<vmem_shared>>
        %dma_start3A_52 = arith.constant 0 : i32
        %dma_start3A_53 = tpu.memref_slice %arg2[%mul3A_4, %dma_start3A_52] : memref<10240x128xf32, #tpu.memory_space<hbm>> -> memref<640x128xf32, #tpu.memory_space<hbm>>
        tpu.enqueue_dma source(%dma_start3A_53 : memref<640x128xf32, #tpu.memory_space<hbm>>) target(%dma_start3A_51 : memref<640x128xf32, #tpu.memory_space<vmem_shared>>) target_semaphore(%run_scoped3A_49 : memref<!tpu.dma_semaphore, #tpu.memory_space<semaphore_mem>>)
        %dma_wait3A = arith.constant 0 : i32
        %dma_wait3A_54 = tpu.memref_slice %arg10[%mul3A_4, %dma_wait3A] : memref<10240x128xf32, #tpu.memory_space<vmem_shared>> -> memref<640x128xf32, #tpu.memory_space<vmem_shared>>
        %dma_wait3A_55 = arith.constant 0 : i32
        %dma_wait3A_56 = tpu.memref_slice %arg2[%mul3A_4, %dma_wait3A_55] : memref<10240x128xf32, #tpu.memory_space<hbm>> -> memref<640x128xf32, #tpu.memory_space<hbm>>
        tpu.wait_dma2 semaphore(%run_scoped3A_49 : memref<!tpu.dma_semaphore, #tpu.memory_space<semaphore_mem>>) src(%dma_wait3A_56 : memref<640x128xf32, #tpu.memory_space<hbm>>) dst(%dma_wait3A_54 : memref<640x128xf32, #tpu.memory_space<vmem_shared>>)
        tpu.yield
      }) : () -> ()
    } else {
    }
    %eq3A_7 = arith.constant 1 : i32
    %eq3A_8 = arith.cmpi eq, %arg0, %eq3A_7 : i32
    %convert_element_type3A_9 = arith.extui %eq3A_8 : i1 to i32
    %cond3A_10 = arith.constant 0 : i32
    %cond3A_11 = arith.cmpi ne, %convert_element_type3A_9, %cond3A_10 : i32
    scf.if %cond3A_11 {
      %while3A_49 = arith.constant 0 : i32
      %while3A_50 = arith.constant 0 : i32
      %while3A_51 = arith.constant 128 : i32
      %while3A_52 = arith.subi %while3A_51, %while3A_50 : i32
      %while3A_53 = arith.addi %while3A_50, %while3A_52 : i32
      %while3A_54 = arith.constant 1 : i32
      %while3A_55 = arith.divsi %while3A_52, %while3A_54 : i32
      %while3A_56 = arith.muli %while3A_55, %while3A_54 : i32
      %while3A_57 = arith.addi %while3A_50, %while3A_56 : i32
      %while3A_58 = arith.constant 1 : i32
      scf.for %while3A_85 = %while3A_50 to %while3A_57 step %while3A_58  : i32 {
        %broadcast_in_dim3A = arith.constant 0.000000e+00 : f32
        %broadcast_in_dim3A_86 = vector.broadcast %broadcast_in_dim3A : f32 to vector<16xf32>
        %swap3A = arith.constant 0 : i32
        %swap3A_87 = arith.constant 0 : i32
        %swap3A_88 = arith.index_cast %swap3A : i32 to index
        %swap3A_89 = arith.index_cast %while3A_85 : i32 to index
        %swap3A_90 = arith.index_cast %swap3A_87 : i32 to index
        %swap3A_91 = tpu.vector_load %arg9[%swap3A_88, %swap3A_89, %swap3A_90] {strides = array<i32>} : memref<2x128x128xf32, #tpu.memory_space<vmem>>, vector<1x1x16xf32>,
        %swap3A_92 = vector.shape_cast %swap3A_91 : vector<1x1x16xf32> to vector<16xf32>
        %swap3A_93 = vector.shape_cast %broadcast_in_dim3A_86 : vector<16xf32> to vector<1x1x16xf32>
        tpu.vector_store %arg9[%swap3A_88, %swap3A_89, %swap3A_90], %swap3A_93 {strides = array<i32>} : memref<2x128x128xf32, #tpu.memory_space<vmem>>, vector<1x1x16xf32>,
        %broadcast_in_dim3A_94 = arith.constant 0.000000e+00 : f32
        %broadcast_in_dim3A_95 = vector.broadcast %broadcast_in_dim3A_94 : f32 to vector<16xf32>
        %swap3A_96 = arith.constant 0 : i32
        %swap3A_97 = arith.constant 16 : i32
        %swap3A_98 = arith.index_cast %swap3A_96 : i32 to index
        %swap3A_99 = arith.index_cast %while3A_85 : i32 to index
        %swap3A_100 = arith.index_cast %swap3A_97 : i32 to index
        %swap3A_101 = tpu.vector_load %arg9[%swap3A_98, %swap3A_99, %swap3A_100] {strides = array<i32>} : memref<2x128x128xf32, #tpu.memory_space<vmem>>, vector<1x1x16xf32>,
        %swap3A_102 = vector.shape_cast %swap3A_101 : vector<1x1x16xf32> to vector<16xf32>
        %swap3A_103 = vector.shape_cast %broadcast_in_dim3A_95 : vector<16xf32> to vector<1x1x16xf32>
        tpu.vector_store %arg9[%swap3A_98, %swap3A_99, %swap3A_100], %swap3A_103 {strides = array<i32>} : memref<2x128x128xf32, #tpu.memory_space<vmem>>, vector<1x1x16xf32>,
        %broadcast_in_dim3A_104 = arith.constant 0.000000e+00 : f32
        %broadcast_in_dim3A_105 = vector.broadcast %broadcast_in_dim3A_104 : f32 to vector<16xf32>
        %swap3A_106 = arith.constant 0 : i32
        %swap3A_107 = arith.constant 32 : i32
        %swap3A_108 = arith.index_cast %swap3A_106 : i32 to index
        %swap3A_109 = arith.index_cast %while3A_85 : i32 to index
        %swap3A_110 = arith.index_cast %swap3A_107 : i32 to index
        %swap3A_111 = tpu.vector_load %arg9[%swap3A_108, %swap3A_109, %swap3A_110] {strides = array<i32>} : memref<2x128x128xf32, #tpu.memory_space<vmem>>, vector<1x1x16xf32>,
        %swap3A_112 = vector.shape_cast %swap3A_111 : vector<1x1x16xf32> to vector<16xf32>
        %swap3A_113 = vector.shape_cast %broadcast_in_dim3A_105 : vector<16xf32> to vector<1x1x16xf32>
        tpu.vector_store %arg9[%swap3A_108, %swap3A_109, %swap3A_110], %swap3A_113 {strides = array<i32>} : memref<2x128x128xf32, #tpu.memory_space<vmem>>, vector<1x1x16xf32>,
        %broadcast_in_dim3A_114 = arith.constant 0.000000e+00 : f32
        %broadcast_in_dim3A_115 = vector.broadcast %broadcast_in_dim3A_114 : f32 to vector<16xf32>
        %swap3A_116 = arith.constant 0 : i32
        %swap3A_117 = arith.constant 48 : i32
        %swap3A_118 = arith.index_cast %swap3A_116 : i32 to index
        %swap3A_119 = arith.index_cast %while3A_85 : i32 to index
        %swap3A_120 = arith.index_cast %swap3A_117 : i32 to index
        %swap3A_121 = tpu.vector_load %arg9[%swap3A_118, %swap3A_119, %swap3A_120] {strides = array<i32>} : memref<2x128x128xf32, #tpu.memory_space<vmem>>, vector<1x1x16xf32>,
        %swap3A_122 = vector.shape_cast %swap3A_121 : vector<1x1x16xf32> to vector<16xf32>
        %swap3A_123 = vector.shape_cast %broadcast_in_dim3A_115 : vector<16xf32> to vector<1x1x16xf32>
        tpu.vector_store %arg9[%swap3A_118, %swap3A_119, %swap3A_120], %swap3A_123 {strides = array<i32>} : memref<2x128x128xf32, #tpu.memory_space<vmem>>, vector<1x1x16xf32>,
        %broadcast_in_dim3A_124 = arith.constant 0.000000e+00 : f32
        %broadcast_in_dim3A_125 = vector.broadcast %broadcast_in_dim3A_124 : f32 to vector<16xf32>
        %swap3A_126 = arith.constant 0 : i32
        %swap3A_127 = arith.constant 64 : i32
        %swap3A_128 = arith.index_cast %swap3A_126 : i32 to index
        %swap3A_129 = arith.index_cast %while3A_85 : i32 to index
        %swap3A_130 = arith.index_cast %swap3A_127 : i32 to index
        %swap3A_131 = tpu.vector_load %arg9[%swap3A_128, %swap3A_129, %swap3A_130] {strides = array<i32>} : memref<2x128x128xf32, #tpu.memory_space<vmem>>, vector<1x1x16xf32>,
        %swap3A_132 = vector.shape_cast %swap3A_131 : vector<1x1x16xf32> to vector<16xf32>
        %swap3A_133 = vector.shape_cast %broadcast_in_dim3A_125 : vector<16xf32> to vector<1x1x16xf32>
        tpu.vector_store %arg9[%swap3A_128, %swap3A_129, %swap3A_130], %swap3A_133 {strides = array<i32>} : memref<2x128x128xf32, #tpu.memory_space<vmem>>, vector<1x1x16xf32>,
        %broadcast_in_dim3A_134 = arith.constant 0.000000e+00 : f32
        %broadcast_in_dim3A_135 = vector.broadcast %broadcast_in_dim3A_134 : f32 to vector<16xf32>
        %swap3A_136 = arith.constant 0 : i32
        %swap3A_137 = arith.constant 80 : i32
        %swap3A_138 = arith.index_cast %swap3A_136 : i32 to index
        %swap3A_139 = arith.index_cast %while3A_85 : i32 to index
        %swap3A_140 = arith.index_cast %swap3A_137 : i32 to index
        %swap3A_141 = tpu.vector_load %arg9[%swap3A_138, %swap3A_139, %swap3A_140] {strides = array<i32>} : memref<2x128x128xf32, #tpu.memory_space<vmem>>, vector<1x1x16xf32>,
        %swap3A_142 = vector.shape_cast %swap3A_141 : vector<1x1x16xf32> to vector<16xf32>
        %swap3A_143 = vector.shape_cast %broadcast_in_dim3A_135 : vector<16xf32> to vector<1x1x16xf32>
        tpu.vector_store %arg9[%swap3A_138, %swap3A_139, %swap3A_140], %swap3A_143 {strides = array<i32>} : memref<2x128x128xf32, #tpu.memory_space<vmem>>, vector<1x1x16xf32>,
        %broadcast_in_dim3A_144 = arith.constant 0.000000e+00 : f32
        %broadcast_in_dim3A_145 = vector.broadcast %broadcast_in_dim3A_144 : f32 to vector<16xf32>
        %swap3A_146 = arith.constant 0 : i32
        %swap3A_147 = arith.constant 96 : i32
        %swap3A_148 = arith.index_cast %swap3A_146 : i32 to index
        %swap3A_149 = arith.index_cast %while3A_85 : i32 to index
        %swap3A_150 = arith.index_cast %swap3A_147 : i32 to index
        %swap3A_151 = tpu.vector_load %arg9[%swap3A_148, %swap3A_149, %swap3A_150] {strides = array<i32>} : memref<2x128x128xf32, #tpu.memory_space<vmem>>, vector<1x1x16xf32>,
        %swap3A_152 = vector.shape_cast %swap3A_151 : vector<1x1x16xf32> to vector<16xf32>
        %swap3A_153 = vector.shape_cast %broadcast_in_dim3A_145 : vector<16xf32> to vector<1x1x16xf32>
        tpu.vector_store %arg9[%swap3A_148, %swap3A_149, %swap3A_150], %swap3A_153 {strides = array<i32>} : memref<2x128x128xf32, #tpu.memory_space<vmem>>, vector<1x1x16xf32>,
        %broadcast_in_dim3A_154 = arith.constant 0.000000e+00 : f32
        %broadcast_in_dim3A_155 = vector.broadcast %broadcast_in_dim3A_154 : f32 to vector<16xf32>
        %swap3A_156 = arith.constant 0 : i32
        %swap3A_157 = arith.constant 112 : i32
        %swap3A_158 = arith.index_cast %swap3A_156 : i32 to index
        %swap3A_159 = arith.index_cast %while3A_85 : i32 to index
        %swap3A_160 = arith.index_cast %swap3A_157 : i32 to index
        %swap3A_161 = tpu.vector_load %arg9[%swap3A_158, %swap3A_159, %swap3A_160] {strides = array<i32>} : memref<2x128x128xf32, #tpu.memory_space<vmem>>, vector<1x1x16xf32>,
        %swap3A_162 = vector.shape_cast %swap3A_161 : vector<1x1x16xf32> to vector<16xf32>
        %swap3A_163 = vector.shape_cast %broadcast_in_dim3A_155 : vector<16xf32> to vector<1x1x16xf32>
        tpu.vector_store %arg9[%swap3A_158, %swap3A_159, %swap3A_160], %swap3A_163 {strides = array<i32>} : memref<2x128x128xf32, #tpu.memory_space<vmem>>, vector<1x1x16xf32>,
      }
      %while3A_59 = arith.constant 1 : i32
      scf.for %while3A_85 = %while3A_57 to %while3A_53 step %while3A_59  : i32 {
        %broadcast_in_dim3A = arith.constant 0.000000e+00 : f32
        %broadcast_in_dim3A_86 = vector.broadcast %broadcast_in_dim3A : f32 to vector<16xf32>
        %swap3A = arith.constant 0 : i32
        %swap3A_87 = arith.constant 0 : i32
        %swap3A_88 = arith.index_cast %swap3A : i32 to index
        %swap3A_89 = arith.index_cast %while3A_85 : i32 to index
        %swap3A_90 = arith.index_cast %swap3A_87 : i32 to index
        %swap3A_91 = tpu.vector_load %arg9[%swap3A_88, %swap3A_89, %swap3A_90] {strides = array<i32>} : memref<2x128x128xf32, #tpu.memory_space<vmem>>, vector<1x1x16xf32>,
        %swap3A_92 = vector.shape_cast %swap3A_91 : vector<1x1x16xf32> to vector<16xf32>
        %swap3A_93 = vector.shape_cast %broadcast_in_dim3A_86 : vector<16xf32> to vector<1x1x16xf32>
        tpu.vector_store %arg9[%swap3A_88, %swap3A_89, %swap3A_90], %swap3A_93 {strides = array<i32>} : memref<2x128x128xf32, #tpu.memory_space<vmem>>, vector<1x1x16xf32>,
        %broadcast_in_dim3A_94 = arith.constant 0.000000e+00 : f32
        %broadcast_in_dim3A_95 = vector.broadcast %broadcast_in_dim3A_94 : f32 to vector<16xf32>
        %swap3A_96 = arith.constant 0 : i32
        %swap3A_97 = arith.constant 16 : i32
        %swap3A_98 = arith.index_cast %swap3A_96 : i32 to index
        %swap3A_99 = arith.index_cast %while3A_85 : i32 to index
        %swap3A_100 = arith.index_cast %swap3A_97 : i32 to index
        %swap3A_101 = tpu.vector_load %arg9[%swap3A_98, %swap3A_99, %swap3A_100] {strides = array<i32>} : memref<2x128x128xf32, #tpu.memory_space<vmem>>, vector<1x1x16xf32>,
        %swap3A_102 = vector.shape_cast %swap3A_101 : vector<1x1x16xf32> to vector<16xf32>
        %swap3A_103 = vector.shape_cast %broadcast_in_dim3A_95 : vector<16xf32> to vector<1x1x16xf32>
        tpu.vector_store %arg9[%swap3A_98, %swap3A_99, %swap3A_100], %swap3A_103 {strides = array<i32>} : memref<2x128x128xf32, #tpu.memory_space<vmem>>, vector<1x1x16xf32>,
        %broadcast_in_dim3A_104 = arith.constant 0.000000e+00 : f32
        %broadcast_in_dim3A_105 = vector.broadcast %broadcast_in_dim3A_104 : f32 to vector<16xf32>
        %swap3A_106 = arith.constant 0 : i32
        %swap3A_107 = arith.constant 32 : i32
        %swap3A_108 = arith.index_cast %swap3A_106 : i32 to index
        %swap3A_109 = arith.index_cast %while3A_85 : i32 to index
        %swap3A_110 = arith.index_cast %swap3A_107 : i32 to index
        %swap3A_111 = tpu.vector_load %arg9[%swap3A_108, %swap3A_109, %swap3A_110] {strides = array<i32>} : memref<2x128x128xf32, #tpu.memory_space<vmem>>, vector<1x1x16xf32>,
        %swap3A_112 = vector.shape_cast %swap3A_111 : vector<1x1x16xf32> to vector<16xf32>
        %swap3A_113 = vector.shape_cast %broadcast_in_dim3A_105 : vector<16xf32> to vector<1x1x16xf32>
        tpu.vector_store %arg9[%swap3A_108, %swap3A_109, %swap3A_110], %swap3A_113 {strides = array<i32>} : memref<2x128x128xf32, #tpu.memory_space<vmem>>, vector<1x1x16xf32>,
        %broadcast_in_dim3A_114 = arith.constant 0.000000e+00 : f32
        %broadcast_in_dim3A_115 = vector.broadcast %broadcast_in_dim3A_114 : f32 to vector<16xf32>
        %swap3A_116 = arith.constant 0 : i32
        %swap3A_117 = arith.constant 48 : i32
        %swap3A_118 = arith.index_cast %swap3A_116 : i32 to index
        %swap3A_119 = arith.index_cast %while3A_85 : i32 to index
        %swap3A_120 = arith.index_cast %swap3A_117 : i32 to index
        %swap3A_121 = tpu.vector_load %arg9[%swap3A_118, %swap3A_119, %swap3A_120] {strides = array<i32>} : memref<2x128x128xf32, #tpu.memory_space<vmem>>, vector<1x1x16xf32>,
        %swap3A_122 = vector.shape_cast %swap3A_121 : vector<1x1x16xf32> to vector<16xf32>
        %swap3A_123 = vector.shape_cast %broadcast_in_dim3A_115 : vector<16xf32> to vector<1x1x16xf32>
        tpu.vector_store %arg9[%swap3A_118, %swap3A_119, %swap3A_120], %swap3A_123 {strides = array<i32>} : memref<2x128x128xf32, #tpu.memory_space<vmem>>, vector<1x1x16xf32>,
        %broadcast_in_dim3A_124 = arith.constant 0.000000e+00 : f32
        %broadcast_in_dim3A_125 = vector.broadcast %broadcast_in_dim3A_124 : f32 to vector<16xf32>
        %swap3A_126 = arith.constant 0 : i32
        %swap3A_127 = arith.constant 64 : i32
        %swap3A_128 = arith.index_cast %swap3A_126 : i32 to index
        %swap3A_129 = arith.index_cast %while3A_85 : i32 to index
        %swap3A_130 = arith.index_cast %swap3A_127 : i32 to index
        %swap3A_131 = tpu.vector_load %arg9[%swap3A_128, %swap3A_129, %swap3A_130] {strides = array<i32>} : memref<2x128x128xf32, #tpu.memory_space<vmem>>, vector<1x1x16xf32>,
        %swap3A_132 = vector.shape_cast %swap3A_131 : vector<1x1x16xf32> to vector<16xf32>
        %swap3A_133 = vector.shape_cast %broadcast_in_dim3A_125 : vector<16xf32> to vector<1x1x16xf32>
        tpu.vector_store %arg9[%swap3A_128, %swap3A_129, %swap3A_130], %swap3A_133 {strides = array<i32>} : memref<2x128x128xf32, #tpu.memory_space<vmem>>, vector<1x1x16xf32>,
        %broadcast_in_dim3A_134 = arith.constant 0.000000e+00 : f32
        %broadcast_in_dim3A_135 = vector.broadcast %broadcast_in_dim3A_134 : f32 to vector<16xf32>
        %swap3A_136 = arith.constant 0 : i32
        %swap3A_137 = arith.constant 80 : i32
        %swap3A_138 = arith.index_cast %swap3A_136 : i32 to index
        %swap3A_139 = arith.index_cast %while3A_85 : i32 to index
        %swap3A_140 = arith.index_cast %swap3A_137 : i32 to index
        %swap3A_141 = tpu.vector_load %arg9[%swap3A_138, %swap3A_139, %swap3A_140] {strides = array<i32>} : memref<2x128x128xf32, #tpu.memory_space<vmem>>, vector<1x1x16xf32>,
        %swap3A_142 = vector.shape_cast %swap3A_141 : vector<1x1x16xf32> to vector<16xf32>
        %swap3A_143 = vector.shape_cast %broadcast_in_dim3A_135 : vector<16xf32> to vector<1x1x16xf32>
        tpu.vector_store %arg9[%swap3A_138, %swap3A_139, %swap3A_140], %swap3A_143 {strides = array<i32>} : memref<2x128x128xf32, #tpu.memory_space<vmem>>, vector<1x1x16xf32>,
        %broadcast_in_dim3A_144 = arith.constant 0.000000e+00 : f32
        %broadcast_in_dim3A_145 = vector.broadcast %broadcast_in_dim3A_144 : f32 to vector<16xf32>
        %swap3A_146 = arith.constant 0 : i32
        %swap3A_147 = arith.constant 96 : i32
        %swap3A_148 = arith.index_cast %swap3A_146 : i32 to index
        %swap3A_149 = arith.index_cast %while3A_85 : i32 to index
        %swap3A_150 = arith.index_cast %swap3A_147 : i32 to index
        %swap3A_151 = tpu.vector_load %arg9[%swap3A_148, %swap3A_149, %swap3A_150] {strides = array<i32>} : memref<2x128x128xf32, #tpu.memory_space<vmem>>, vector<1x1x16xf32>,
        %swap3A_152 = vector.shape_cast %swap3A_151 : vector<1x1x16xf32> to vector<16xf32>
        %swap3A_153 = vector.shape_cast %broadcast_in_dim3A_145 : vector<16xf32> to vector<1x1x16xf32>
        tpu.vector_store %arg9[%swap3A_148, %swap3A_149, %swap3A_150], %swap3A_153 {strides = array<i32>} : memref<2x128x128xf32, #tpu.memory_space<vmem>>, vector<1x1x16xf32>,
        %broadcast_in_dim3A_154 = arith.constant 0.000000e+00 : f32
        %broadcast_in_dim3A_155 = vector.broadcast %broadcast_in_dim3A_154 : f32 to vector<16xf32>
        %swap3A_156 = arith.constant 0 : i32
        %swap3A_157 = arith.constant 112 : i32
        %swap3A_158 = arith.index_cast %swap3A_156 : i32 to index
        %swap3A_159 = arith.index_cast %while3A_85 : i32 to index
        %swap3A_160 = arith.index_cast %swap3A_157 : i32 to index
        %swap3A_161 = tpu.vector_load %arg9[%swap3A_158, %swap3A_159, %swap3A_160] {strides = array<i32>} : memref<2x128x128xf32, #tpu.memory_space<vmem>>, vector<1x1x16xf32>,
        %swap3A_162 = vector.shape_cast %swap3A_161 : vector<1x1x16xf32> to vector<16xf32>
        %swap3A_163 = vector.shape_cast %broadcast_in_dim3A_155 : vector<16xf32> to vector<1x1x16xf32>
        tpu.vector_store %arg9[%swap3A_158, %swap3A_159, %swap3A_160], %swap3A_163 {strides = array<i32>} : memref<2x128x128xf32, #tpu.memory_space<vmem>>, vector<1x1x16xf32>,
      }
      %mul3A_60 = arith.constant 640 : i32
      %mul3A_61 = arith.muli %arg1, %mul3A_60 : i32
      %add3A_62 = arith.constant 0 : i32
      %add3A_63 = arith.addi %mul3A_61, %add3A_62 : i32
      %run_scoped3A_64 = arith.constant 0 : i32
      "tpu.region"() ({
        %run_scoped3A_85 = tpu.sem_alloc : memref<!tpu.dma_semaphore, #tpu.memory_space<semaphore_mem>>
        %dma_start3A_86 = arith.constant 0 : i32
        %dma_start3A_87 = arith.constant 0 : i32
        %dma_start3A_88 = tpu.memref_slice %arg9[%run_scoped3A_64, %dma_start3A_86, %dma_start3A_87] : memref<2x128x128xf32, #tpu.memory_space<vmem>> -> memref<1x128x128xf32, #tpu.memory_space<vmem>>
        %dma_start3A_89 = tpu.memref_squeeze %dma_start3A_88 : memref<1x128x128xf32, #tpu.memory_space<vmem>> -> memref<128x128xf32, #tpu.memory_space<vmem>>
        %dma_start3A_90 = arith.constant 0 : i32
        %dma_start3A_91 = tpu.memref_slice %arg10[%add3A_63, %dma_start3A_90] : memref<10240x128xf32, #tpu.memory_space<vmem_shared>> -> memref<128x128xf32, #tpu.memory_space<vmem_shared>>
        %dma_start3A_92 = arith.constant 0 : i32
        %dma_start3A_93 = tpu.memref_slice %arg10[%add3A_63, %dma_start3A_92] : memref<10240x128xf32, #tpu.memory_space<vmem_shared>> -> memref<128x128xf32, #tpu.memory_space<vmem_shared>>
        %dma_start3A_94 = arith.constant 0 : i32
        %dma_start3A_95 = arith.constant 0 : i32
        %dma_start3A_96 = tpu.memref_slice %arg9[%run_scoped3A_64, %dma_start3A_94, %dma_start3A_95] : memref<2x128x128xf32, #tpu.memory_space<vmem>> -> memref<1x128x128xf32, #tpu.memory_space<vmem>>
        %dma_start3A_97 = tpu.memref_squeeze %dma_start3A_96 : memref<1x128x128xf32, #tpu.memory_space<vmem>> -> memref<128x128xf32, #tpu.memory_space<vmem>>
        tpu.enqueue_dma source(%dma_start3A_97 : memref<128x128xf32, #tpu.memory_space<vmem>>) target(%dma_start3A_93 : memref<128x128xf32, #tpu.memory_space<vmem_shared>>) target_semaphore(%run_scoped3A_85 : memref<!tpu.dma_semaphore, #tpu.memory_space<semaphore_mem>>)
        %dma_wait3A = arith.constant 0 : i32
        %dma_wait3A_98 = arith.constant 0 : i32
        %dma_wait3A_99 = tpu.memref_slice %arg9[%run_scoped3A_64, %dma_wait3A, %dma_wait3A_98] : memref<2x128x128xf32, #tpu.memory_space<vmem>> -> memref<1x128x128xf32, #tpu.memory_space<vmem>>
        %dma_wait3A_100 = tpu.memref_squeeze %dma_wait3A_99 : memref<1x128x128xf32, #tpu.memory_space<vmem>> -> memref<128x128xf32, #tpu.memory_space<vmem>>
        %dma_wait3A_101 = arith.constant 0 : i32
        %dma_wait3A_102 = tpu.memref_slice %arg10[%add3A_63, %dma_wait3A_101] : memref<10240x128xf32, #tpu.memory_space<vmem_shared>> -> memref<128x128xf32, #tpu.memory_space<vmem_shared>>
        %dma_wait3A_103 = arith.constant 0 : i32
        %dma_wait3A_104 = tpu.memref_slice %arg10[%add3A_63, %dma_wait3A_103] : memref<10240x128xf32, #tpu.memory_space<vmem_shared>> -> memref<128x128xf32, #tpu.memory_space<vmem_shared>>
        %dma_wait3A_105 = arith.constant 0 : i32
        %dma_wait3A_106 = arith.constant 0 : i32
        %dma_wait3A_107 = tpu.memref_slice %arg9[%run_scoped3A_64, %dma_wait3A_105, %dma_wait3A_106] : memref<2x128x128xf32, #tpu.memory_space<vmem>> -> memref<1x128x128xf32, #tpu.memory_space<vmem>>
        %dma_wait3A_108 = tpu.memref_squeeze %dma_wait3A_107 : memref<1x128x128xf32, #tpu.memory_space<vmem>> -> memref<128x128xf32, #tpu.memory_space<vmem>>
        tpu.wait_dma2 semaphore(%run_scoped3A_85 : memref<!tpu.dma_semaphore, #tpu.memory_space<semaphore_mem>>) src(%dma_wait3A_108 : memref<128x128xf32, #tpu.memory_space<vmem>>) dst(%dma_wait3A_104 : memref<128x128xf32, #tpu.memory_space<vmem_shared>>)
        tpu.yield
      }) : () -> ()
      %mul3A_65 = arith.constant 640 : i32
      %mul3A_66 = arith.muli %arg1, %mul3A_65 : i32
      %add3A_67 = arith.constant 128 : i32
      %add3A_68 = arith.addi %mul3A_66, %add3A_67 : i32
      %run_scoped3A_69 = arith.constant 0 : i32
      "tpu.region"() ({
        %run_scoped3A_85 = tpu.sem_alloc : memref<!tpu.dma_semaphore, #tpu.memory_space<semaphore_mem>>
        %dma_start3A_86 = arith.constant 0 : i32
        %dma_start3A_87 = arith.constant 0 : i32
        %dma_start3A_88 = tpu.memref_slice %arg9[%run_scoped3A_69, %dma_start3A_86, %dma_start3A_87] : memref<2x128x128xf32, #tpu.memory_space<vmem>> -> memref<1x128x128xf32, #tpu.memory_space<vmem>>
        %dma_start3A_89 = tpu.memref_squeeze %dma_start3A_88 : memref<1x128x128xf32, #tpu.memory_space<vmem>> -> memref<128x128xf32, #tpu.memory_space<vmem>>
        %dma_start3A_90 = arith.constant 0 : i32
        %dma_start3A_91 = tpu.memref_slice %arg10[%add3A_68, %dma_start3A_90] : memref<10240x128xf32, #tpu.memory_space<vmem_shared>> -> memref<128x128xf32, #tpu.memory_space<vmem_shared>>
        %dma_start3A_92 = arith.constant 0 : i32
        %dma_start3A_93 = tpu.memref_slice %arg10[%add3A_68, %dma_start3A_92] : memref<10240x128xf32, #tpu.memory_space<vmem_shared>> -> memref<128x128xf32, #tpu.memory_space<vmem_shared>>
        %dma_start3A_94 = arith.constant 0 : i32
        %dma_start3A_95 = arith.constant 0 : i32
        %dma_start3A_96 = tpu.memref_slice %arg9[%run_scoped3A_69, %dma_start3A_94, %dma_start3A_95] : memref<2x128x128xf32, #tpu.memory_space<vmem>> -> memref<1x128x128xf32, #tpu.memory_space<vmem>>
        %dma_start3A_97 = tpu.memref_squeeze %dma_start3A_96 : memref<1x128x128xf32, #tpu.memory_space<vmem>> -> memref<128x128xf32, #tpu.memory_space<vmem>>
        tpu.enqueue_dma source(%dma_start3A_97 : memref<128x128xf32, #tpu.memory_space<vmem>>) target(%dma_start3A_93 : memref<128x128xf32, #tpu.memory_space<vmem_shared>>) target_semaphore(%run_scoped3A_85 : memref<!tpu.dma_semaphore, #tpu.memory_space<semaphore_mem>>)
        %dma_wait3A = arith.constant 0 : i32
        %dma_wait3A_98 = arith.constant 0 : i32
        %dma_wait3A_99 = tpu.memref_slice %arg9[%run_scoped3A_69, %dma_wait3A, %dma_wait3A_98] : memref<2x128x128xf32, #tpu.memory_space<vmem>> -> memref<1x128x128xf32, #tpu.memory_space<vmem>>
        %dma_wait3A_100 = tpu.memref_squeeze %dma_wait3A_99 : memref<1x128x128xf32, #tpu.memory_space<vmem>> -> memref<128x128xf32, #tpu.memory_space<vmem>>
        %dma_wait3A_101 = arith.constant 0 : i32
        %dma_wait3A_102 = tpu.memref_slice %arg10[%add3A_68, %dma_wait3A_101] : memref<10240x128xf32, #tpu.memory_space<vmem_shared>> -> memref<128x128xf32, #tpu.memory_space<vmem_shared>>
        %dma_wait3A_103 = arith.constant 0 : i32
        %dma_wait3A_104 = tpu.memref_slice %arg10[%add3A_68, %dma_wait3A_103] : memref<10240x128xf32, #tpu.memory_space<vmem_shared>> -> memref<128x128xf32, #tpu.memory_space<vmem_shared>>
        %dma_wait3A_105 = arith.constant 0 : i32
        %dma_wait3A_106 = arith.constant 0 : i32
        %dma_wait3A_107 = tpu.memref_slice %arg9[%run_scoped3A_69, %dma_wait3A_105, %dma_wait3A_106] : memref<2x128x128xf32, #tpu.memory_space<vmem>> -> memref<1x128x128xf32, #tpu.memory_space<vmem>>
        %dma_wait3A_108 = tpu.memref_squeeze %dma_wait3A_107 : memref<1x128x128xf32, #tpu.memory_space<vmem>> -> memref<128x128xf32, #tpu.memory_space<vmem>>
        tpu.wait_dma2 semaphore(%run_scoped3A_85 : memref<!tpu.dma_semaphore, #tpu.memory_space<semaphore_mem>>) src(%dma_wait3A_108 : memref<128x128xf32, #tpu.memory_space<vmem>>) dst(%dma_wait3A_104 : memref<128x128xf32, #tpu.memory_space<vmem_shared>>)
        tpu.yield
      }) : () -> ()
      %mul3A_70 = arith.constant 640 : i32
      %mul3A_71 = arith.muli %arg1, %mul3A_70 : i32
      %add3A_72 = arith.constant 256 : i32
      %add3A_73 = arith.addi %mul3A_71, %add3A_72 : i32
      %run_scoped3A_74 = arith.constant 0 : i32
      "tpu.region"() ({
        %run_scoped3A_85 = tpu.sem_alloc : memref<!tpu.dma_semaphore, #tpu.memory_space<semaphore_mem>>
        %dma_start3A_86 = arith.constant 0 : i32
        %dma_start3A_87 = arith.constant 0 : i32
        %dma_start3A_88 = tpu.memref_slice %arg9[%run_scoped3A_74, %dma_start3A_86, %dma_start3A_87] : memref<2x128x128xf32, #tpu.memory_space<vmem>> -> memref<1x128x128xf32, #tpu.memory_space<vmem>>
        %dma_start3A_89 = tpu.memref_squeeze %dma_start3A_88 : memref<1x128x128xf32, #tpu.memory_space<vmem>> -> memref<128x128xf32, #tpu.memory_space<vmem>>
        %dma_start3A_90 = arith.constant 0 : i32
        %dma_start3A_91 = tpu.memref_slice %arg10[%add3A_73, %dma_start3A_90] : memref<10240x128xf32, #tpu.memory_space<vmem_shared>> -> memref<128x128xf32, #tpu.memory_space<vmem_shared>>
        %dma_start3A_92 = arith.constant 0 : i32
        %dma_start3A_93 = tpu.memref_slice %arg10[%add3A_73, %dma_start3A_92] : memref<10240x128xf32, #tpu.memory_space<vmem_shared>> -> memref<128x128xf32, #tpu.memory_space<vmem_shared>>
        %dma_start3A_94 = arith.constant 0 : i32
        %dma_start3A_95 = arith.constant 0 : i32
        %dma_start3A_96 = tpu.memref_slice %arg9[%run_scoped3A_74, %dma_start3A_94, %dma_start3A_95] : memref<2x128x128xf32, #tpu.memory_space<vmem>> -> memref<1x128x128xf32, #tpu.memory_space<vmem>>
        %dma_start3A_97 = tpu.memref_squeeze %dma_start3A_96 : memref<1x128x128xf32, #tpu.memory_space<vmem>> -> memref<128x128xf32, #tpu.memory_space<vmem>>
        tpu.enqueue_dma source(%dma_start3A_97 : memref<128x128xf32, #tpu.memory_space<vmem>>) target(%dma_start3A_93 : memref<128x128xf32, #tpu.memory_space<vmem_shared>>) target_semaphore(%run_scoped3A_85 : memref<!tpu.dma_semaphore, #tpu.memory_space<semaphore_mem>>)
        %dma_wait3A = arith.constant 0 : i32
        %dma_wait3A_98 = arith.constant 0 : i32
        %dma_wait3A_99 = tpu.memref_slice %arg9[%run_scoped3A_74, %dma_wait3A, %dma_wait3A_98] : memref<2x128x128xf32, #tpu.memory_space<vmem>> -> memref<1x128x128xf32, #tpu.memory_space<vmem>>
        %dma_wait3A_100 = tpu.memref_squeeze %dma_wait3A_99 : memref<1x128x128xf32, #tpu.memory_space<vmem>> -> memref<128x128xf32, #tpu.memory_space<vmem>>
        %dma_wait3A_101 = arith.constant 0 : i32
        %dma_wait3A_102 = tpu.memref_slice %arg10[%add3A_73, %dma_wait3A_101] : memref<10240x128xf32, #tpu.memory_space<vmem_shared>> -> memref<128x128xf32, #tpu.memory_space<vmem_shared>>
        %dma_wait3A_103 = arith.constant 0 : i32
        %dma_wait3A_104 = tpu.memref_slice %arg10[%add3A_73, %dma_wait3A_103] : memref<10240x128xf32, #tpu.memory_space<vmem_shared>> -> memref<128x128xf32, #tpu.memory_space<vmem_shared>>
        %dma_wait3A_105 = arith.constant 0 : i32
        %dma_wait3A_106 = arith.constant 0 : i32
        %dma_wait3A_107 = tpu.memref_slice %arg9[%run_scoped3A_74, %dma_wait3A_105, %dma_wait3A_106] : memref<2x128x128xf32, #tpu.memory_space<vmem>> -> memref<1x128x128xf32, #tpu.memory_space<vmem>>
        %dma_wait3A_108 = tpu.memref_squeeze %dma_wait3A_107 : memref<1x128x128xf32, #tpu.memory_space<vmem>> -> memref<128x128xf32, #tpu.memory_space<vmem>>
        tpu.wait_dma2 semaphore(%run_scoped3A_85 : memref<!tpu.dma_semaphore, #tpu.memory_space<semaphore_mem>>) src(%dma_wait3A_108 : memref<128x128xf32, #tpu.memory_space<vmem>>) dst(%dma_wait3A_104 : memref<128x128xf32, #tpu.memory_space<vmem_shared>>)
        tpu.yield
      }) : () -> ()
      %mul3A_75 = arith.constant 640 : i32
      %mul3A_76 = arith.muli %arg1, %mul3A_75 : i32
      %add3A_77 = arith.constant 384 : i32
      %add3A_78 = arith.addi %mul3A_76, %add3A_77 : i32
      %run_scoped3A_79 = arith.constant 0 : i32
      "tpu.region"() ({
        %run_scoped3A_85 = tpu.sem_alloc : memref<!tpu.dma_semaphore, #tpu.memory_space<semaphore_mem>>
        %dma_start3A_86 = arith.constant 0 : i32
        %dma_start3A_87 = arith.constant 0 : i32
        %dma_start3A_88 = tpu.memref_slice %arg9[%run_scoped3A_79, %dma_start3A_86, %dma_start3A_87] : memref<2x128x128xf32, #tpu.memory_space<vmem>> -> memref<1x128x128xf32, #tpu.memory_space<vmem>>
        %dma_start3A_89 = tpu.memref_squeeze %dma_start3A_88 : memref<1x128x128xf32, #tpu.memory_space<vmem>> -> memref<128x128xf32, #tpu.memory_space<vmem>>
        %dma_start3A_90 = arith.constant 0 : i32
        %dma_start3A_91 = tpu.memref_slice %arg10[%add3A_78, %dma_start3A_90] : memref<10240x128xf32, #tpu.memory_space<vmem_shared>> -> memref<128x128xf32, #tpu.memory_space<vmem_shared>>
        %dma_start3A_92 = arith.constant 0 : i32
        %dma_start3A_93 = tpu.memref_slice %arg10[%add3A_78, %dma_start3A_92] : memref<10240x128xf32, #tpu.memory_space<vmem_shared>> -> memref<128x128xf32, #tpu.memory_space<vmem_shared>>
        %dma_start3A_94 = arith.constant 0 : i32
        %dma_start3A_95 = arith.constant 0 : i32
        %dma_start3A_96 = tpu.memref_slice %arg9[%run_scoped3A_79, %dma_start3A_94, %dma_start3A_95] : memref<2x128x128xf32, #tpu.memory_space<vmem>> -> memref<1x128x128xf32, #tpu.memory_space<vmem>>
        %dma_start3A_97 = tpu.memref_squeeze %dma_start3A_96 : memref<1x128x128xf32, #tpu.memory_space<vmem>> -> memref<128x128xf32, #tpu.memory_space<vmem>>
        tpu.enqueue_dma source(%dma_start3A_97 : memref<128x128xf32, #tpu.memory_space<vmem>>) target(%dma_start3A_93 : memref<128x128xf32, #tpu.memory_space<vmem_shared>>) target_semaphore(%run_scoped3A_85 : memref<!tpu.dma_semaphore, #tpu.memory_space<semaphore_mem>>)
        %dma_wait3A = arith.constant 0 : i32
        %dma_wait3A_98 = arith.constant 0 : i32
        %dma_wait3A_99 = tpu.memref_slice %arg9[%run_scoped3A_79, %dma_wait3A, %dma_wait3A_98] : memref<2x128x128xf32, #tpu.memory_space<vmem>> -> memref<1x128x128xf32, #tpu.memory_space<vmem>>
        %dma_wait3A_100 = tpu.memref_squeeze %dma_wait3A_99 : memref<1x128x128xf32, #tpu.memory_space<vmem>> -> memref<128x128xf32, #tpu.memory_space<vmem>>
        %dma_wait3A_101 = arith.constant 0 : i32
        %dma_wait3A_102 = tpu.memref_slice %arg10[%add3A_78, %dma_wait3A_101] : memref<10240x128xf32, #tpu.memory_space<vmem_shared>> -> memref<128x128xf32, #tpu.memory_space<vmem_shared>>
        %dma_wait3A_103 = arith.constant 0 : i32
        %dma_wait3A_104 = tpu.memref_slice %arg10[%add3A_78, %dma_wait3A_103] : memref<10240x128xf32, #tpu.memory_space<vmem_shared>> -> memref<128x128xf32, #tpu.memory_space<vmem_shared>>
        %dma_wait3A_105 = arith.constant 0 : i32
        %dma_wait3A_106 = arith.constant 0 : i32
        %dma_wait3A_107 = tpu.memref_slice %arg9[%run_scoped3A_79, %dma_wait3A_105, %dma_wait3A_106] : memref<2x128x128xf32, #tpu.memory_space<vmem>> -> memref<1x128x128xf32, #tpu.memory_space<vmem>>
        %dma_wait3A_108 = tpu.memref_squeeze %dma_wait3A_107 : memref<1x128x128xf32, #tpu.memory_space<vmem>> -> memref<128x128xf32, #tpu.memory_space<vmem>>
        tpu.wait_dma2 semaphore(%run_scoped3A_85 : memref<!tpu.dma_semaphore, #tpu.memory_space<semaphore_mem>>) src(%dma_wait3A_108 : memref<128x128xf32, #tpu.memory_space<vmem>>) dst(%dma_wait3A_104 : memref<128x128xf32, #tpu.memory_space<vmem_shared>>)
        tpu.yield
      }) : () -> ()
      %mul3A_80 = arith.constant 640 : i32
      %mul3A_81 = arith.muli %arg1, %mul3A_80 : i32
      %add3A_82 = arith.constant 512 : i32
      %add3A_83 = arith.addi %mul3A_81, %add3A_82 : i32
      %run_scoped3A_84 = arith.constant 0 : i32
      "tpu.region"() ({
        %run_scoped3A_85 = tpu.sem_alloc : memref<!tpu.dma_semaphore, #tpu.memory_space<semaphore_mem>>
        %dma_start3A_86 = arith.constant 0 : i32
        %dma_start3A_87 = arith.constant 0 : i32
        %dma_start3A_88 = tpu.memref_slice %arg9[%run_scoped3A_84, %dma_start3A_86, %dma_start3A_87] : memref<2x128x128xf32, #tpu.memory_space<vmem>> -> memref<1x128x128xf32, #tpu.memory_space<vmem>>
        %dma_start3A_89 = tpu.memref_squeeze %dma_start3A_88 : memref<1x128x128xf32, #tpu.memory_space<vmem>> -> memref<128x128xf32, #tpu.memory_space<vmem>>
        %dma_start3A_90 = arith.constant 0 : i32
        %dma_start3A_91 = tpu.memref_slice %arg10[%add3A_83, %dma_start3A_90] : memref<10240x128xf32, #tpu.memory_space<vmem_shared>> -> memref<128x128xf32, #tpu.memory_space<vmem_shared>>
        %dma_start3A_92 = arith.constant 0 : i32
        %dma_start3A_93 = tpu.memref_slice %arg10[%add3A_83, %dma_start3A_92] : memref<10240x128xf32, #tpu.memory_space<vmem_shared>> -> memref<128x128xf32, #tpu.memory_space<vmem_shared>>
        %dma_start3A_94 = arith.constant 0 : i32
        %dma_start3A_95 = arith.constant 0 : i32
        %dma_start3A_96 = tpu.memref_slice %arg9[%run_scoped3A_84, %dma_start3A_94, %dma_start3A_95] : memref<2x128x128xf32, #tpu.memory_space<vmem>> -> memref<1x128x128xf32, #tpu.memory_space<vmem>>
        %dma_start3A_97 = tpu.memref_squeeze %dma_start3A_96 : memref<1x128x128xf32, #tpu.memory_space<vmem>> -> memref<128x128xf32, #tpu.memory_space<vmem>>
        tpu.enqueue_dma source(%dma_start3A_97 : memref<128x128xf32, #tpu.memory_space<vmem>>) target(%dma_start3A_93 : memref<128x128xf32, #tpu.memory_space<vmem_shared>>) target_semaphore(%run_scoped3A_85 : memref<!tpu.dma_semaphore, #tpu.memory_space<semaphore_mem>>)
        %dma_wait3A = arith.constant 0 : i32
        %dma_wait3A_98 = arith.constant 0 : i32
        %dma_wait3A_99 = tpu.memref_slice %arg9[%run_scoped3A_84, %dma_wait3A, %dma_wait3A_98] : memref<2x128x128xf32, #tpu.memory_space<vmem>> -> memref<1x128x128xf32, #tpu.memory_space<vmem>>
        %dma_wait3A_100 = tpu.memref_squeeze %dma_wait3A_99 : memref<1x128x128xf32, #tpu.memory_space<vmem>> -> memref<128x128xf32, #tpu.memory_space<vmem>>
        %dma_wait3A_101 = arith.constant 0 : i32
        %dma_wait3A_102 = tpu.memref_slice %arg10[%add3A_83, %dma_wait3A_101] : memref<10240x128xf32, #tpu.memory_space<vmem_shared>> -> memref<128x128xf32, #tpu.memory_space<vmem_shared>>
        %dma_wait3A_103 = arith.constant 0 : i32
        %dma_wait3A_104 = tpu.memref_slice %arg10[%add3A_83, %dma_wait3A_103] : memref<10240x128xf32, #tpu.memory_space<vmem_shared>> -> memref<128x128xf32, #tpu.memory_space<vmem_shared>>
        %dma_wait3A_105 = arith.constant 0 : i32
        %dma_wait3A_106 = arith.constant 0 : i32
        %dma_wait3A_107 = tpu.memref_slice %arg9[%run_scoped3A_84, %dma_wait3A_105, %dma_wait3A_106] : memref<2x128x128xf32, #tpu.memory_space<vmem>> -> memref<1x128x128xf32, #tpu.memory_space<vmem>>
        %dma_wait3A_108 = tpu.memref_squeeze %dma_wait3A_107 : memref<1x128x128xf32, #tpu.memory_space<vmem>> -> memref<128x128xf32, #tpu.memory_space<vmem>>
        tpu.wait_dma2 semaphore(%run_scoped3A_85 : memref<!tpu.dma_semaphore, #tpu.memory_space<semaphore_mem>>) src(%dma_wait3A_108 : memref<128x128xf32, #tpu.memory_space<vmem>>) dst(%dma_wait3A_104 : memref<128x128xf32, #tpu.memory_space<vmem_shared>>)
        tpu.yield
      }) : () -> ()
    } else {
    }
    %run_scoped3A = arith.constant 0 : i32
    "tpu.region"() ({
      %run_scoped3A_49 = tpu.sem_alloc : memref<!tpu.dma_semaphore, #tpu.memory_space<semaphore_mem>>
      %dma_start3A_50 = arith.constant 0 : i32
      %dma_start3A_51 = arith.constant 0 : i32
      %dma_start3A_52 = tpu.memref_slice %arg7[%run_scoped3A, %dma_start3A_50, %dma_start3A_51] : memref<2x16x128xi32, #tpu.memory_space<vmem>> -> memref<1x16x128xi32, #tpu.memory_space<vmem>>
      %dma_start3A_53 = tpu.memref_squeeze %dma_start3A_52 : memref<1x16x128xi32, #tpu.memory_space<vmem>> -> memref<16x128xi32, #tpu.memory_space<vmem>>
      %dma_start3A_54 = arith.constant 0 : i32
      %dma_start3A_55 = tpu.memref_slice %arg3[%mul3A_2, %dma_start3A_54] : memref<2560x128xi32, #tpu.memory_space<hbm>> -> memref<16x128xi32, #tpu.memory_space<hbm>>
      %dma_start3A_56 = arith.constant 0 : i32
      %dma_start3A_57 = arith.constant 0 : i32
      %dma_start3A_58 = tpu.memref_slice %arg7[%run_scoped3A, %dma_start3A_56, %dma_start3A_57] : memref<2x16x128xi32, #tpu.memory_space<vmem>> -> memref<1x16x128xi32, #tpu.memory_space<vmem>>
      %dma_start3A_59 = tpu.memref_squeeze %dma_start3A_58 : memref<1x16x128xi32, #tpu.memory_space<vmem>> -> memref<16x128xi32, #tpu.memory_space<vmem>>
      %dma_start3A_60 = arith.constant 0 : i32
      %dma_start3A_61 = tpu.memref_slice %arg3[%mul3A_2, %dma_start3A_60] : memref<2560x128xi32, #tpu.memory_space<hbm>> -> memref<16x128xi32, #tpu.memory_space<hbm>>
      tpu.enqueue_dma source(%dma_start3A_61 : memref<16x128xi32, #tpu.memory_space<hbm>>) target(%dma_start3A_59 : memref<16x128xi32, #tpu.memory_space<vmem>>) target_semaphore(%run_scoped3A_49 : memref<!tpu.dma_semaphore, #tpu.memory_space<semaphore_mem>>)
      %dma_wait3A = arith.constant 0 : i32
      %dma_wait3A_62 = arith.constant 0 : i32
      %dma_wait3A_63 = tpu.memref_slice %arg7[%run_scoped3A, %dma_wait3A, %dma_wait3A_62] : memref<2x16x128xi32, #tpu.memory_space<vmem>> -> memref<1x16x128xi32, #tpu.memory_space<vmem>>
      %dma_wait3A_64 = tpu.memref_squeeze %dma_wait3A_63 : memref<1x16x128xi32, #tpu.memory_space<vmem>> -> memref<16x128xi32, #tpu.memory_space<vmem>>
      %dma_wait3A_65 = arith.constant 0 : i32
      %dma_wait3A_66 = tpu.memref_slice %arg3[%mul3A_2, %dma_wait3A_65] : memref<2560x128xi32, #tpu.memory_space<hbm>> -> memref<16x128xi32, #tpu.memory_space<hbm>>
      %dma_wait3A_67 = arith.constant 0 : i32
      %dma_wait3A_68 = arith.constant 0 : i32
      %dma_wait3A_69 = tpu.memref_slice %arg7[%run_scoped3A, %dma_wait3A_67, %dma_wait3A_68] : memref<2x16x128xi32, #tpu.memory_space<vmem>> -> memref<1x16x128xi32, #tpu.memory_space<vmem>>
      %dma_wait3A_70 = tpu.memref_squeeze %dma_wait3A_69 : memref<1x16x128xi32, #tpu.memory_space<vmem>> -> memref<16x128xi32, #tpu.memory_space<vmem>>
      %dma_wait3A_71 = arith.constant 0 : i32
      %dma_wait3A_72 = tpu.memref_slice %arg3[%mul3A_2, %dma_wait3A_71] : memref<2560x128xi32, #tpu.memory_space<hbm>> -> memref<16x128xi32, #tpu.memory_space<hbm>>
      tpu.wait_dma2 semaphore(%run_scoped3A_49 : memref<!tpu.dma_semaphore, #tpu.memory_space<semaphore_mem>>) src(%dma_wait3A_72 : memref<16x128xi32, #tpu.memory_space<hbm>>) dst(%dma_wait3A_70 : memref<16x128xi32, #tpu.memory_space<vmem>>)
      tpu.yield
    }) : () -> ()
    %run_scoped3A_12 = arith.constant 0 : i32
    "tpu.region"() ({
      %run_scoped3A_49 = tpu.sem_alloc : memref<!tpu.dma_semaphore, #tpu.memory_space<semaphore_mem>>
      %dma_start3A_50 = arith.constant 0 : i32
      %dma_start3A_51 = arith.constant 0 : i32
      %dma_start3A_52 = tpu.memref_slice %arg8[%run_scoped3A_12, %dma_start3A_50, %dma_start3A_51] : memref<2x16x128xi32, #tpu.memory_space<vmem>> -> memref<1x16x128xi32, #tpu.memory_space<vmem>>
      %dma_start3A_53 = tpu.memref_squeeze %dma_start3A_52 : memref<1x16x128xi32, #tpu.memory_space<vmem>> -> memref<16x128xi32, #tpu.memory_space<vmem>>
      %dma_start3A_54 = arith.constant 0 : i32
      %dma_start3A_55 = tpu.memref_slice %arg4[%mul3A_2, %dma_start3A_54] : memref<2560x128xi32, #tpu.memory_space<hbm>> -> memref<16x128xi32, #tpu.memory_space<hbm>>
      %dma_start3A_56 = arith.constant 0 : i32
      %dma_start3A_57 = arith.constant 0 : i32
      %dma_start3A_58 = tpu.memref_slice %arg8[%run_scoped3A_12, %dma_start3A_56, %dma_start3A_57] : memref<2x16x128xi32, #tpu.memory_space<vmem>> -> memref<1x16x128xi32, #tpu.memory_space<vmem>>
      %dma_start3A_59 = tpu.memref_squeeze %dma_start3A_58 : memref<1x16x128xi32, #tpu.memory_space<vmem>> -> memref<16x128xi32, #tpu.memory_space<vmem>>
      %dma_start3A_60 = arith.constant 0 : i32
      %dma_start3A_61 = tpu.memref_slice %arg4[%mul3A_2, %dma_start3A_60] : memref<2560x128xi32, #tpu.memory_space<hbm>> -> memref<16x128xi32, #tpu.memory_space<hbm>>
      tpu.enqueue_dma source(%dma_start3A_61 : memref<16x128xi32, #tpu.memory_space<hbm>>) target(%dma_start3A_59 : memref<16x128xi32, #tpu.memory_space<vmem>>) target_semaphore(%run_scoped3A_49 : memref<!tpu.dma_semaphore, #tpu.memory_space<semaphore_mem>>)
      %dma_wait3A = arith.constant 0 : i32
      %dma_wait3A_62 = arith.constant 0 : i32
      %dma_wait3A_63 = tpu.memref_slice %arg8[%run_scoped3A_12, %dma_wait3A, %dma_wait3A_62] : memref<2x16x128xi32, #tpu.memory_space<vmem>> -> memref<1x16x128xi32, #tpu.memory_space<vmem>>
      %dma_wait3A_64 = tpu.memref_squeeze %dma_wait3A_63 : memref<1x16x128xi32, #tpu.memory_space<vmem>> -> memref<16x128xi32, #tpu.memory_space<vmem>>
      %dma_wait3A_65 = arith.constant 0 : i32
      %dma_wait3A_66 = tpu.memref_slice %arg4[%mul3A_2, %dma_wait3A_65] : memref<2560x128xi32, #tpu.memory_space<hbm>> -> memref<16x128xi32, #tpu.memory_space<hbm>>
      %dma_wait3A_67 = arith.constant 0 : i32
      %dma_wait3A_68 = arith.constant 0 : i32
      %dma_wait3A_69 = tpu.memref_slice %arg8[%run_scoped3A_12, %dma_wait3A_67, %dma_wait3A_68] : memref<2x16x128xi32, #tpu.memory_space<vmem>> -> memref<1x16x128xi32, #tpu.memory_space<vmem>>
      %dma_wait3A_70 = tpu.memref_squeeze %dma_wait3A_69 : memref<1x16x128xi32, #tpu.memory_space<vmem>> -> memref<16x128xi32, #tpu.memory_space<vmem>>
      %dma_wait3A_71 = arith.constant 0 : i32
      %dma_wait3A_72 = tpu.memref_slice %arg4[%mul3A_2, %dma_wait3A_71] : memref<2560x128xi32, #tpu.memory_space<hbm>> -> memref<16x128xi32, #tpu.memory_space<hbm>>
      tpu.wait_dma2 semaphore(%run_scoped3A_49 : memref<!tpu.dma_semaphore, #tpu.memory_space<semaphore_mem>>) src(%dma_wait3A_72 : memref<16x128xi32, #tpu.memory_space<hbm>>) dst(%dma_wait3A_70 : memref<16x128xi32, #tpu.memory_space<vmem>>)
      tpu.yield
    }) : () -> ()
    %dma_start3A = arith.constant 0 : i32
    %dma_start3A_13 = arith.constant 0 : i32
    %dma_start3A_14 = arith.constant 0 : i32
    %dma_start3A_15 = arith.constant 0 : i32
    %dma_start3A_16 = arith.constant 0 : i32
    %dma_start3A_17 = arith.constant 0 : i32
    %dma_start3A_18 = tpu.memref_slice %arg9[%dma_start3A_14, %dma_start3A_16, %dma_start3A_17] : memref<2x128x128xf32, #tpu.memory_space<vmem>> -> memref<1x128x128xf32, #tpu.memory_space<vmem>>
    %dma_start3A_19 = tpu.memref_squeeze %dma_start3A_18 : memref<1x128x128xf32, #tpu.memory_space<vmem>> -> memref<128x128xf32, #tpu.memory_space<vmem>>
    %dma_start3A_20 = arith.constant 0 : i32
    %dma_start3A_21 = tpu.memref_slice %arg7[%dma_start3A, %dma_start3A_13, %dma_start3A_20] : memref<2x16x128xi32, #tpu.memory_space<vmem>> -> memref<1x1x128xi32, #tpu.memory_space<vmem>>
    %dma_start3A_22 = tpu.memref_squeeze %dma_start3A_21 : memref<1x1x128xi32, #tpu.memory_space<vmem>> -> memref<128xi32, #tpu.memory_space<vmem>>
    %dma_start3A_23 = arith.constant 0 : i32
    %dma_start3A_24 = arith.constant 0 : i32
    %dma_start3A_25 = tpu.memref_slice %arg2[%dma_start3A_23, %dma_start3A_24] : memref<10240x128xf32, #tpu.memory_space<hbm>> -> memref<10240x128xf32, #tpu.memory_space<hbm>>
    %dma_start3A_26 = tpu.memref_slice %arg11[%dma_start3A_15] : memref<2x!tpu.dma_semaphore, #tpu.memory_space<semaphore_mem>> -> memref<1x!tpu.dma_semaphore, #tpu.memory_space<semaphore_mem>>
    %dma_start3A_27 = tpu.memref_squeeze %dma_start3A_26 : memref<1x!tpu.dma_semaphore, #tpu.memory_space<semaphore_mem>> -> memref<!tpu.dma_semaphore, #tpu.memory_space<semaphore_mem>>
    tpu.enqueue_indirect_dma source(%dma_start3A_25 : memref<10240x128xf32, #tpu.memory_space<hbm>>) target(%dma_start3A_19 : memref<128x128xf32, #tpu.memory_space<vmem>>) offsets(%dma_start3A_22 : memref<128xi32, #tpu.memory_space<vmem>>) semaphore(%dma_start3A_27 : memref<!tpu.dma_semaphore, #tpu.memory_space<semaphore_mem>>)
    %barrier3A = arith.constant 0 : index
    tpu.barrier barrier_id(%barrier3A)
    %while3A = arith.constant 0 : i32
    %while3A_28 = arith.constant 0 : i32
    %while3A_29 = arith.constant 5 : i32
    %while3A_30 = arith.subi %while3A_29, %while3A_28 : i32
    %while3A_31 = arith.addi %while3A_28, %while3A_30 : i32
    %while3A_32 = arith.constant 1 : i32
    %while3A_33 = arith.divsi %while3A_30, %while3A_32 : i32
    %while3A_34 = arith.muli %while3A_33, %while3A_32 : i32
    %while3A_35 = arith.addi %while3A_28, %while3A_34 : i32
    %while3A_36 = arith.constant 1 : i32
    scf.for %while3A_49 = %while3A_28 to %while3A_35 step %while3A_36  : i32 {
      %rem3A = arith.constant 2 : i32
      %rem3A_50 = arith.remsi %while3A_49, %rem3A : i32
      %add3A_51 = arith.constant 1 : i32
      %add3A_52 = arith.addi %while3A_49, %add3A_51 : i32
      %rem3A_53 = arith.constant 2 : i32
      %rem3A_54 = arith.remsi %add3A_52, %rem3A_53 : i32
      %add3A_55 = arith.constant 1 : i32
      %add3A_56 = arith.addi %while3A_49, %add3A_55 : i32
      %lt3A = arith.constant 5 : i32
      %lt3A_57 = arith.cmpi slt, %add3A_56, %lt3A : i32
      %convert_element_type3A_58 = arith.extui %lt3A_57 : i1 to i32
      %cond3A_59 = arith.constant 0 : i32
      %cond3A_60 = arith.cmpi ne, %convert_element_type3A_58, %cond3A_59 : i32
      scf.if %cond3A_60 {
        %add3A_75 = arith.constant 1 : i32
        %add3A_76 = arith.addi %while3A_49, %add3A_75 : i32
        %mul3A_77 = arith.constant 16 : i32
        %mul3A_78 = arith.muli %add3A_76, %mul3A_77 : i32
        %add3A_79 = arith.addi %mul3A_2, %mul3A_78 : i32
        %dma_start3A_80 = arith.constant 0 : i32
        %dma_start3A_81 = arith.constant 0 : i32
        %dma_start3A_82 = tpu.memref_slice %arg7[%rem3A_54, %dma_start3A_80, %dma_start3A_81] : memref<2x16x128xi32, #tpu.memory_space<vmem>> -> memref<1x16x128xi32, #tpu.memory_space<vmem>>
        %dma_start3A_83 = tpu.memref_squeeze %dma_start3A_82 : memref<1x16x128xi32, #tpu.memory_space<vmem>> -> memref<16x128xi32, #tpu.memory_space<vmem>>
        %dma_start3A_84 = arith.constant 0 : i32
        %dma_start3A_85 = tpu.memref_slice %arg3[%add3A_79, %dma_start3A_84] : memref<2560x128xi32, #tpu.memory_space<hbm>> -> memref<16x128xi32, #tpu.memory_space<hbm>>
        %dma_start3A_86 = arith.constant 0 : i32
        %dma_start3A_87 = arith.constant 0 : i32
        %dma_start3A_88 = tpu.memref_slice %arg7[%rem3A_54, %dma_start3A_86, %dma_start3A_87] : memref<2x16x128xi32, #tpu.memory_space<vmem>> -> memref<1x16x128xi32, #tpu.memory_space<vmem>>
        %dma_start3A_89 = tpu.memref_squeeze %dma_start3A_88 : memref<1x16x128xi32, #tpu.memory_space<vmem>> -> memref<16x128xi32, #tpu.memory_space<vmem>>
        %dma_start3A_90 = arith.constant 0 : i32
        %dma_start3A_91 = tpu.memref_slice %arg3[%add3A_79, %dma_start3A_90] : memref<2560x128xi32, #tpu.memory_space<hbm>> -> memref<16x128xi32, #tpu.memory_space<hbm>>
        tpu.enqueue_dma source(%dma_start3A_91 : memref<16x128xi32, #tpu.memory_space<hbm>>) target(%dma_start3A_89 : memref<16x128xi32, #tpu.memory_space<vmem>>) target_semaphore(%arg12 : memref<!tpu.dma_semaphore, #tpu.memory_space<semaphore_mem>>)
        %add3A_92 = arith.constant 1 : i32
        %add3A_93 = arith.addi %while3A_49, %add3A_92 : i32
        %mul3A_94 = arith.constant 16 : i32
        %mul3A_95 = arith.muli %add3A_93, %mul3A_94 : i32
        %add3A_96 = arith.addi %mul3A_2, %mul3A_95 : i32
        %dma_start3A_97 = arith.constant 0 : i32
        %dma_start3A_98 = arith.constant 0 : i32
        %dma_start3A_99 = tpu.memref_slice %arg8[%rem3A_54, %dma_start3A_97, %dma_start3A_98] : memref<2x16x128xi32, #tpu.memory_space<vmem>> -> memref<1x16x128xi32, #tpu.memory_space<vmem>>
        %dma_start3A_100 = tpu.memref_squeeze %dma_start3A_99 : memref<1x16x128xi32, #tpu.memory_space<vmem>> -> memref<16x128xi32, #tpu.memory_space<vmem>>
        %dma_start3A_101 = arith.constant 0 : i32
        %dma_start3A_102 = tpu.memref_slice %arg4[%add3A_96, %dma_start3A_101] : memref<2560x128xi32, #tpu.memory_space<hbm>> -> memref<16x128xi32, #tpu.memory_space<hbm>>
        %dma_start3A_103 = arith.constant 0 : i32
        %dma_start3A_104 = arith.constant 0 : i32
        %dma_start3A_105 = tpu.memref_slice %arg8[%rem3A_54, %dma_start3A_103, %dma_start3A_104] : memref<2x16x128xi32, #tpu.memory_space<vmem>> -> memref<1x16x128xi32, #tpu.memory_space<vmem>>
        %dma_start3A_106 = tpu.memref_squeeze %dma_start3A_105 : memref<1x16x128xi32, #tpu.memory_space<vmem>> -> memref<16x128xi32, #tpu.memory_space<vmem>>
        %dma_start3A_107 = arith.constant 0 : i32
        %dma_start3A_108 = tpu.memref_slice %arg4[%add3A_96, %dma_start3A_107] : memref<2560x128xi32, #tpu.memory_space<hbm>> -> memref<16x128xi32, #tpu.memory_space<hbm>>
        tpu.enqueue_dma source(%dma_start3A_108 : memref<16x128xi32, #tpu.memory_space<hbm>>) target(%dma_start3A_106 : memref<16x128xi32, #tpu.memory_space<vmem>>) target_semaphore(%arg12 : memref<!tpu.dma_semaphore, #tpu.memory_space<semaphore_mem>>)
      } else {
      }
      %while3A_61 = arith.constant 0 : i32
      %while3A_62 = arith.constant 0 : i32
      %while3A_63 = arith.constant 16 : i32
      %while3A_64 = arith.subi %while3A_63, %while3A_62 : i32
      %while3A_65 = arith.addi %while3A_62, %while3A_64 : i32
      %while3A_66 = arith.constant 1 : i32
      %while3A_67 = arith.divsi %while3A_64, %while3A_66 : i32
      %while3A_68 = arith.muli %while3A_67, %while3A_66 : i32
      %while3A_69 = arith.addi %while3A_62, %while3A_68 : i32
      %while3A_70 = arith.constant 1 : i32
      scf.for %while3A_75 = %while3A_62 to %while3A_69 step %while3A_70  : i32 {
        %rem3A_76 = arith.constant 2 : i32
        %rem3A_77 = arith.remsi %while3A_75, %rem3A_76 : i32
        %add3A_78 = arith.constant 1 : i32
        %add3A_79 = arith.addi %while3A_75, %add3A_78 : i32
        %rem3A_80 = arith.constant 2 : i32
        %rem3A_81 = arith.remsi %add3A_79, %rem3A_80 : i32
        %lt3A_82 = arith.constant 15 : i32
        %lt3A_83 = arith.cmpi slt, %while3A_75, %lt3A_82 : i32
        %convert_element_type3A_84 = arith.extui %lt3A_83 : i1 to i32
        %cond3A_85 = arith.constant 0 : i32
        %cond3A_86 = arith.cmpi ne, %convert_element_type3A_84, %cond3A_85 : i32
        scf.if %cond3A_86 {
          %add3A_98 = arith.constant 1 : i32
          %add3A_99 = arith.addi %while3A_75, %add3A_98 : i32
          %dma_start3A_100 = arith.constant 0 : i32
          %dma_start3A_101 = arith.constant 0 : i32
          %dma_start3A_102 = tpu.memref_slice %arg9[%rem3A_81, %dma_start3A_100, %dma_start3A_101] : memref<2x128x128xf32, #tpu.memory_space<vmem>> -> memref<1x128x128xf32, #tpu.memory_space<vmem>>
          %dma_start3A_103 = tpu.memref_squeeze %dma_start3A_102 : memref<1x128x128xf32, #tpu.memory_space<vmem>> -> memref<128x128xf32, #tpu.memory_space<vmem>>
          %dma_start3A_104 = arith.constant 0 : i32
          %dma_start3A_105 = tpu.memref_slice %arg7[%rem3A_50, %add3A_99, %dma_start3A_104] : memref<2x16x128xi32, #tpu.memory_space<vmem>> -> memref<1x1x128xi32, #tpu.memory_space<vmem>>
          %dma_start3A_106 = tpu.memref_squeeze %dma_start3A_105 : memref<1x1x128xi32, #tpu.memory_space<vmem>> -> memref<128xi32, #tpu.memory_space<vmem>>
          %dma_start3A_107 = arith.constant 0 : i32
          %dma_start3A_108 = arith.constant 0 : i32
          %dma_start3A_109 = tpu.memref_slice %arg2[%dma_start3A_107, %dma_start3A_108] : memref<10240x128xf32, #tpu.memory_space<hbm>> -> memref<10240x128xf32, #tpu.memory_space<hbm>>
          %dma_start3A_110 = tpu.memref_slice %arg11[%rem3A_81] : memref<2x!tpu.dma_semaphore, #tpu.memory_space<semaphore_mem>> -> memref<1x!tpu.dma_semaphore, #tpu.memory_space<semaphore_mem>>
          %dma_start3A_111 = tpu.memref_squeeze %dma_start3A_110 : memref<1x!tpu.dma_semaphore, #tpu.memory_space<semaphore_mem>> -> memref<!tpu.dma_semaphore, #tpu.memory_space<semaphore_mem>>
          tpu.enqueue_indirect_dma source(%dma_start3A_109 : memref<10240x128xf32, #tpu.memory_space<hbm>>) target(%dma_start3A_103 : memref<128x128xf32, #tpu.memory_space<vmem>>) offsets(%dma_start3A_106 : memref<128xi32, #tpu.memory_space<vmem>>) semaphore(%dma_start3A_111 : memref<!tpu.dma_semaphore, #tpu.memory_space<semaphore_mem>>)
        } else {
        }
        %dma_wait3A = arith.constant 0 : i32
        %dma_wait3A_87 = arith.constant 0 : i32
        %dma_wait3A_88 = tpu.memref_slice %arg9[%rem3A_77, %dma_wait3A, %dma_wait3A_87] : memref<2x128x128xf32, #tpu.memory_space<vmem>> -> memref<1x128x128xf32, #tpu.memory_space<vmem>>
        %dma_wait3A_89 = tpu.memref_squeeze %dma_wait3A_88 : memref<1x128x128xf32, #tpu.memory_space<vmem>> -> memref<128x128xf32, #tpu.memory_space<vmem>>
        %dma_wait3A_90 = arith.constant 0 : i32
        %dma_wait3A_91 = tpu.memref_slice %arg7[%rem3A_50, %while3A_75, %dma_wait3A_90] : memref<2x16x128xi32, #tpu.memory_space<vmem>> -> memref<1x1x128xi32, #tpu.memory_space<vmem>>
        %dma_wait3A_92 = tpu.memref_squeeze %dma_wait3A_91 : memref<1x1x128xi32, #tpu.memory_space<vmem>> -> memref<128xi32, #tpu.memory_space<vmem>>
        %dma_wait3A_93 = arith.constant 0 : i32
        %dma_wait3A_94 = arith.constant 0 : i32
        %dma_wait3A_95 = tpu.memref_slice %arg2[%dma_wait3A_93, %dma_wait3A_94] : memref<10240x128xf32, #tpu.memory_space<hbm>> -> memref<10240x128xf32, #tpu.memory_space<hbm>>
        %dma_wait3A_96 = tpu.memref_slice %arg11[%rem3A_77] : memref<2x!tpu.dma_semaphore, #tpu.memory_space<semaphore_mem>> -> memref<1x!tpu.dma_semaphore, #tpu.memory_space<semaphore_mem>>
        %dma_wait3A_97 = tpu.memref_squeeze %dma_wait3A_96 : memref<1x!tpu.dma_semaphore, #tpu.memory_space<semaphore_mem>> -> memref<!tpu.dma_semaphore, #tpu.memory_space<semaphore_mem>>
        tpu.wait_indirect_dma semaphore(%dma_wait3A_97 : memref<!tpu.dma_semaphore, #tpu.memory_space<semaphore_mem>>) src(%dma_wait3A_95 : memref<10240x128xf32, #tpu.memory_space<hbm>>) dst(%dma_wait3A_89 : memref<128x128xf32, #tpu.memory_space<vmem>>)
        "tpu.region"() ({
          %run_scoped3A_98 = tpu.sem_alloc : memref<!tpu.dma_semaphore, #tpu.memory_space<semaphore_mem>>
          %dma_start3A_99 = arith.constant 0 : i32
          %dma_start3A_100 = arith.constant 0 : i32
          %dma_start3A_101 = tpu.memref_slice %arg9[%rem3A_77, %dma_start3A_99, %dma_start3A_100] : memref<2x128x128xf32, #tpu.memory_space<vmem>> -> memref<1x128x128xf32, #tpu.memory_space<vmem>>
          %dma_start3A_102 = tpu.memref_squeeze %dma_start3A_101 : memref<1x128x128xf32, #tpu.memory_space<vmem>> -> memref<128x128xf32, #tpu.memory_space<vmem>>
          %dma_start3A_103 = arith.constant 0 : i32
          %dma_start3A_104 = tpu.memref_slice %arg8[%rem3A_50, %while3A_75, %dma_start3A_103] : memref<2x16x128xi32, #tpu.memory_space<vmem>> -> memref<1x1x128xi32, #tpu.memory_space<vmem>>
          %dma_start3A_105 = tpu.memref_squeeze %dma_start3A_104 : memref<1x1x128xi32, #tpu.memory_space<vmem>> -> memref<128xi32, #tpu.memory_space<vmem>>
          %dma_start3A_106 = arith.constant 0 : i32
          %dma_start3A_107 = arith.constant 0 : i32
          %dma_start3A_108 = tpu.memref_slice %arg10[%dma_start3A_106, %dma_start3A_107] : memref<10240x128xf32, #tpu.memory_space<vmem_shared>> -> memref<10240x128xf32, #tpu.memory_space<vmem_shared>>
          tpu.enqueue_indirect_dma source(%dma_start3A_102 : memref<128x128xf32, #tpu.memory_space<vmem>>) target(%dma_start3A_108 : memref<10240x128xf32, #tpu.memory_space<vmem_shared>>) offsets(%dma_start3A_105 : memref<128xi32, #tpu.memory_space<vmem>>) semaphore(%run_scoped3A_98 : memref<!tpu.dma_semaphore, #tpu.memory_space<semaphore_mem>>) {add = true}
          %dma_wait3A_109 = arith.constant 0 : i32
          %dma_wait3A_110 = arith.constant 0 : i32
          %dma_wait3A_111 = tpu.memref_slice %arg9[%rem3A_77, %dma_wait3A_109, %dma_wait3A_110] : memref<2x128x128xf32, #tpu.memory_space<vmem>> -> memref<1x128x128xf32, #tpu.memory_space<vmem>>
          %dma_wait3A_112 = tpu.memref_squeeze %dma_wait3A_111 : memref<1x128x128xf32, #tpu.memory_space<vmem>> -> memref<128x128xf32, #tpu.memory_space<vmem>>
          %dma_wait3A_113 = arith.constant 0 : i32
          %dma_wait3A_114 = tpu.memref_slice %arg8[%rem3A_50, %while3A_75, %dma_wait3A_113] : memref<2x16x128xi32, #tpu.memory_space<vmem>> -> memref<1x1x128xi32, #tpu.memory_space<vmem>>
          %dma_wait3A_115 = tpu.memref_squeeze %dma_wait3A_114 : memref<1x1x128xi32, #tpu.memory_space<vmem>> -> memref<128xi32, #tpu.memory_space<vmem>>
          %dma_wait3A_116 = arith.constant 0 : i32
          %dma_wait3A_117 = arith.constant 0 : i32
          %dma_wait3A_118 = tpu.memref_slice %arg10[%dma_wait3A_116, %dma_wait3A_117] : memref<10240x128xf32, #tpu.memory_space<vmem_shared>> -> memref<10240x128xf32, #tpu.memory_space<vmem_shared>>
          tpu.wait_indirect_dma semaphore(%run_scoped3A_98 : memref<!tpu.dma_semaphore, #tpu.memory_space<semaphore_mem>>) src(%dma_wait3A_112 : memref<128x128xf32, #tpu.memory_space<vmem>>) dst(%dma_wait3A_118 : memref<10240x128xf32, #tpu.memory_space<vmem_shared>>)
          tpu.yield
        }) : () -> ()
      }
      %while3A_71 = arith.constant 1 : i32
      scf.for %while3A_75 = %while3A_69 to %while3A_65 step %while3A_71  : i32 {
        %rem3A_76 = arith.constant 2 : i32
        %rem3A_77 = arith.remsi %while3A_75, %rem3A_76 : i32
        %add3A_78 = arith.constant 1 : i32
        %add3A_79 = arith.addi %while3A_75, %add3A_78 : i32
        %rem3A_80 = arith.constant 2 : i32
        %rem3A_81 = arith.remsi %add3A_79, %rem3A_80 : i32
        %lt3A_82 = arith.constant 15 : i32
        %lt3A_83 = arith.cmpi slt, %while3A_75, %lt3A_82 : i32
        %convert_element_type3A_84 = arith.extui %lt3A_83 : i1 to i32
        %cond3A_85 = arith.constant 0 : i32
        %cond3A_86 = arith.cmpi ne, %convert_element_type3A_84, %cond3A_85 : i32
        scf.if %cond3A_86 {
          %add3A_98 = arith.constant 1 : i32
          %add3A_99 = arith.addi %while3A_75, %add3A_98 : i32
          %dma_start3A_100 = arith.constant 0 : i32
          %dma_start3A_101 = arith.constant 0 : i32
          %dma_start3A_102 = tpu.memref_slice %arg9[%rem3A_81, %dma_start3A_100, %dma_start3A_101] : memref<2x128x128xf32, #tpu.memory_space<vmem>> -> memref<1x128x128xf32, #tpu.memory_space<vmem>>
          %dma_start3A_103 = tpu.memref_squeeze %dma_start3A_102 : memref<1x128x128xf32, #tpu.memory_space<vmem>> -> memref<128x128xf32, #tpu.memory_space<vmem>>
          %dma_start3A_104 = arith.constant 0 : i32
          %dma_start3A_105 = tpu.memref_slice %arg7[%rem3A_50, %add3A_99, %dma_start3A_104] : memref<2x16x128xi32, #tpu.memory_space<vmem>> -> memref<1x1x128xi32, #tpu.memory_space<vmem>>
          %dma_start3A_106 = tpu.memref_squeeze %dma_start3A_105 : memref<1x1x128xi32, #tpu.memory_space<vmem>> -> memref<128xi32, #tpu.memory_space<vmem>>
          %dma_start3A_107 = arith.constant 0 : i32
          %dma_start3A_108 = arith.constant 0 : i32
          %dma_start3A_109 = tpu.memref_slice %arg2[%dma_start3A_107, %dma_start3A_108] : memref<10240x128xf32, #tpu.memory_space<hbm>> -> memref<10240x128xf32, #tpu.memory_space<hbm>>
          %dma_start3A_110 = tpu.memref_slice %arg11[%rem3A_81] : memref<2x!tpu.dma_semaphore, #tpu.memory_space<semaphore_mem>> -> memref<1x!tpu.dma_semaphore, #tpu.memory_space<semaphore_mem>>
          %dma_start3A_111 = tpu.memref_squeeze %dma_start3A_110 : memref<1x!tpu.dma_semaphore, #tpu.memory_space<semaphore_mem>> -> memref<!tpu.dma_semaphore, #tpu.memory_space<semaphore_mem>>
          tpu.enqueue_indirect_dma source(%dma_start3A_109 : memref<10240x128xf32, #tpu.memory_space<hbm>>) target(%dma_start3A_103 : memref<128x128xf32, #tpu.memory_space<vmem>>) offsets(%dma_start3A_106 : memref<128xi32, #tpu.memory_space<vmem>>) semaphore(%dma_start3A_111 : memref<!tpu.dma_semaphore, #tpu.memory_space<semaphore_mem>>)
        } else {
        }
        %dma_wait3A = arith.constant 0 : i32
        %dma_wait3A_87 = arith.constant 0 : i32
        %dma_wait3A_88 = tpu.memref_slice %arg9[%rem3A_77, %dma_wait3A, %dma_wait3A_87] : memref<2x128x128xf32, #tpu.memory_space<vmem>> -> memref<1x128x128xf32, #tpu.memory_space<vmem>>
        %dma_wait3A_89 = tpu.memref_squeeze %dma_wait3A_88 : memref<1x128x128xf32, #tpu.memory_space<vmem>> -> memref<128x128xf32, #tpu.memory_space<vmem>>
        %dma_wait3A_90 = arith.constant 0 : i32
        %dma_wait3A_91 = tpu.memref_slice %arg7[%rem3A_50, %while3A_75, %dma_wait3A_90] : memref<2x16x128xi32, #tpu.memory_space<vmem>> -> memref<1x1x128xi32, #tpu.memory_space<vmem>>
        %dma_wait3A_92 = tpu.memref_squeeze %dma_wait3A_91 : memref<1x1x128xi32, #tpu.memory_space<vmem>> -> memref<128xi32, #tpu.memory_space<vmem>>
        %dma_wait3A_93 = arith.constant 0 : i32
        %dma_wait3A_94 = arith.constant 0 : i32
        %dma_wait3A_95 = tpu.memref_slice %arg2[%dma_wait3A_93, %dma_wait3A_94] : memref<10240x128xf32, #tpu.memory_space<hbm>> -> memref<10240x128xf32, #tpu.memory_space<hbm>>
        %dma_wait3A_96 = tpu.memref_slice %arg11[%rem3A_77] : memref<2x!tpu.dma_semaphore, #tpu.memory_space<semaphore_mem>> -> memref<1x!tpu.dma_semaphore, #tpu.memory_space<semaphore_mem>>
        %dma_wait3A_97 = tpu.memref_squeeze %dma_wait3A_96 : memref<1x!tpu.dma_semaphore, #tpu.memory_space<semaphore_mem>> -> memref<!tpu.dma_semaphore, #tpu.memory_space<semaphore_mem>>
        tpu.wait_indirect_dma semaphore(%dma_wait3A_97 : memref<!tpu.dma_semaphore, #tpu.memory_space<semaphore_mem>>) src(%dma_wait3A_95 : memref<10240x128xf32, #tpu.memory_space<hbm>>) dst(%dma_wait3A_89 : memref<128x128xf32, #tpu.memory_space<vmem>>)
        "tpu.region"() ({
          %run_scoped3A_98 = tpu.sem_alloc : memref<!tpu.dma_semaphore, #tpu.memory_space<semaphore_mem>>
          %dma_start3A_99 = arith.constant 0 : i32
          %dma_start3A_100 = arith.constant 0 : i32
          %dma_start3A_101 = tpu.memref_slice %arg9[%rem3A_77, %dma_start3A_99, %dma_start3A_100] : memref<2x128x128xf32, #tpu.memory_space<vmem>> -> memref<1x128x128xf32, #tpu.memory_space<vmem>>
          %dma_start3A_102 = tpu.memref_squeeze %dma_start3A_101 : memref<1x128x128xf32, #tpu.memory_space<vmem>> -> memref<128x128xf32, #tpu.memory_space<vmem>>
          %dma_start3A_103 = arith.constant 0 : i32
          %dma_start3A_104 = tpu.memref_slice %arg8[%rem3A_50, %while3A_75, %dma_start3A_103] : memref<2x16x128xi32, #tpu.memory_space<vmem>> -> memref<1x1x128xi32, #tpu.memory_space<vmem>>
          %dma_start3A_105 = tpu.memref_squeeze %dma_start3A_104 : memref<1x1x128xi32, #tpu.memory_space<vmem>> -> memref<128xi32, #tpu.memory_space<vmem>>
          %dma_start3A_106 = arith.constant 0 : i32
          %dma_start3A_107 = arith.constant 0 : i32
          %dma_start3A_108 = tpu.memref_slice %arg10[%dma_start3A_106, %dma_start3A_107] : memref<10240x128xf32, #tpu.memory_space<vmem_shared>> -> memref<10240x128xf32, #tpu.memory_space<vmem_shared>>
          tpu.enqueue_indirect_dma source(%dma_start3A_102 : memref<128x128xf32, #tpu.memory_space<vmem>>) target(%dma_start3A_108 : memref<10240x128xf32, #tpu.memory_space<vmem_shared>>) offsets(%dma_start3A_105 : memref<128xi32, #tpu.memory_space<vmem>>) semaphore(%run_scoped3A_98 : memref<!tpu.dma_semaphore, #tpu.memory_space<semaphore_mem>>) {add = true}
          %dma_wait3A_109 = arith.constant 0 : i32
          %dma_wait3A_110 = arith.constant 0 : i32
          %dma_wait3A_111 = tpu.memref_slice %arg9[%rem3A_77, %dma_wait3A_109, %dma_wait3A_110] : memref<2x128x128xf32, #tpu.memory_space<vmem>> -> memref<1x128x128xf32, #tpu.memory_space<vmem>>
          %dma_wait3A_112 = tpu.memref_squeeze %dma_wait3A_111 : memref<1x128x128xf32, #tpu.memory_space<vmem>> -> memref<128x128xf32, #tpu.memory_space<vmem>>
          %dma_wait3A_113 = arith.constant 0 : i32
          %dma_wait3A_114 = tpu.memref_slice %arg8[%rem3A_50, %while3A_75, %dma_wait3A_113] : memref<2x16x128xi32, #tpu.memory_space<vmem>> -> memref<1x1x128xi32, #tpu.memory_space<vmem>>
          %dma_wait3A_115 = tpu.memref_squeeze %dma_wait3A_114 : memref<1x1x128xi32, #tpu.memory_space<vmem>> -> memref<128xi32, #tpu.memory_space<vmem>>
          %dma_wait3A_116 = arith.constant 0 : i32
          %dma_wait3A_117 = arith.constant 0 : i32
          %dma_wait3A_118 = tpu.memref_slice %arg10[%dma_wait3A_116, %dma_wait3A_117] : memref<10240x128xf32, #tpu.memory_space<vmem_shared>> -> memref<10240x128xf32, #tpu.memory_space<vmem_shared>>
          tpu.wait_indirect_dma semaphore(%run_scoped3A_98 : memref<!tpu.dma_semaphore, #tpu.memory_space<semaphore_mem>>) src(%dma_wait3A_112 : memref<128x128xf32, #tpu.memory_space<vmem>>) dst(%dma_wait3A_118 : memref<10240x128xf32, #tpu.memory_space<vmem_shared>>)
          tpu.yield
        }) : () -> ()
      }
      %convert_element_type3A_72 = arith.extui %lt3A_57 : i1 to i32
      %cond3A_73 = arith.constant 0 : i32
      %cond3A_74 = arith.cmpi ne, %convert_element_type3A_72, %cond3A_73 : i32
      scf.if %cond3A_74 {
        %add3A_75 = arith.constant 1 : i32
        %add3A_76 = arith.addi %while3A_49, %add3A_75 : i32
        %mul3A_77 = arith.constant 16 : i32
        %mul3A_78 = arith.muli %add3A_76, %mul3A_77 : i32
        %add3A_79 = arith.addi %mul3A_2, %mul3A_78 : i32
        %dma_wait3A = arith.constant 0 : i32
        %dma_wait3A_80 = arith.constant 0 : i32
        %dma_wait3A_81 = tpu.memref_slice %arg7[%rem3A_54, %dma_wait3A, %dma_wait3A_80] : memref<2x16x128xi32, #tpu.memory_space<vmem>> -> memref<1x16x128xi32, #tpu.memory_space<vmem>>
        %dma_wait3A_82 = tpu.memref_squeeze %dma_wait3A_81 : memref<1x16x128xi32, #tpu.memory_space<vmem>> -> memref<16x128xi32, #tpu.memory_space<vmem>>
        %dma_wait3A_83 = arith.constant 0 : i32
        %dma_wait3A_84 = tpu.memref_slice %arg3[%add3A_79, %dma_wait3A_83] : memref<2560x128xi32, #tpu.memory_space<hbm>> -> memref<16x128xi32, #tpu.memory_space<hbm>>
        %dma_wait3A_85 = arith.constant 0 : i32
        %dma_wait3A_86 = arith.constant 0 : i32
        %dma_wait3A_87 = tpu.memref_slice %arg7[%rem3A_54, %dma_wait3A_85, %dma_wait3A_86] : memref<2x16x128xi32, #tpu.memory_space<vmem>> -> memref<1x16x128xi32, #tpu.memory_space<vmem>>
        %dma_wait3A_88 = tpu.memref_squeeze %dma_wait3A_87 : memref<1x16x128xi32, #tpu.memory_space<vmem>> -> memref<16x128xi32, #tpu.memory_space<vmem>>
        %dma_wait3A_89 = arith.constant 0 : i32
        %dma_wait3A_90 = tpu.memref_slice %arg3[%add3A_79, %dma_wait3A_89] : memref<2560x128xi32, #tpu.memory_space<hbm>> -> memref<16x128xi32, #tpu.memory_space<hbm>>
        tpu.wait_dma2 semaphore(%arg12 : memref<!tpu.dma_semaphore, #tpu.memory_space<semaphore_mem>>) src(%dma_wait3A_90 : memref<16x128xi32, #tpu.memory_space<hbm>>) dst(%dma_wait3A_88 : memref<16x128xi32, #tpu.memory_space<vmem>>)
        %add3A_91 = arith.constant 1 : i32
        %add3A_92 = arith.addi %while3A_49, %add3A_91 : i32
        %mul3A_93 = arith.constant 16 : i32
        %mul3A_94 = arith.muli %add3A_92, %mul3A_93 : i32
        %add3A_95 = arith.addi %mul3A_2, %mul3A_94 : i32
        %dma_wait3A_96 = arith.constant 0 : i32
        %dma_wait3A_97 = arith.constant 0 : i32
        %dma_wait3A_98 = tpu.memref_slice %arg8[%rem3A_54, %dma_wait3A_96, %dma_wait3A_97] : memref<2x16x128xi32, #tpu.memory_space<vmem>> -> memref<1x16x128xi32, #tpu.memory_space<vmem>>
        %dma_wait3A_99 = tpu.memref_squeeze %dma_wait3A_98 : memref<1x16x128xi32, #tpu.memory_space<vmem>> -> memref<16x128xi32, #tpu.memory_space<vmem>>
        %dma_wait3A_100 = arith.constant 0 : i32
        %dma_wait3A_101 = tpu.memref_slice %arg4[%add3A_95, %dma_wait3A_100] : memref<2560x128xi32, #tpu.memory_space<hbm>> -> memref<16x128xi32, #tpu.memory_space<hbm>>
        %dma_wait3A_102 = arith.constant 0 : i32
        %dma_wait3A_103 = arith.constant 0 : i32
        %dma_wait3A_104 = tpu.memref_slice %arg8[%rem3A_54, %dma_wait3A_102, %dma_wait3A_103] : memref<2x16x128xi32, #tpu.memory_space<vmem>> -> memref<1x16x128xi32, #tpu.memory_space<vmem>>
        %dma_wait3A_105 = tpu.memref_squeeze %dma_wait3A_104 : memref<1x16x128xi32, #tpu.memory_space<vmem>> -> memref<16x128xi32, #tpu.memory_space<vmem>>
        %dma_wait3A_106 = arith.constant 0 : i32
        %dma_wait3A_107 = tpu.memref_slice %arg4[%add3A_95, %dma_wait3A_106] : memref<2560x128xi32, #tpu.memory_space<hbm>> -> memref<16x128xi32, #tpu.memory_space<hbm>>
        tpu.wait_dma2 semaphore(%arg12 : memref<!tpu.dma_semaphore, #tpu.memory_space<semaphore_mem>>) src(%dma_wait3A_107 : memref<16x128xi32, #tpu.memory_space<hbm>>) dst(%dma_wait3A_105 : memref<16x128xi32, #tpu.memory_space<vmem>>)
        %dma_start3A_108 = arith.constant 0 : i32
        %dma_start3A_109 = arith.constant 0 : i32
        %dma_start3A_110 = arith.constant 0 : i32
        %dma_start3A_111 = arith.constant 0 : i32
        %dma_start3A_112 = arith.constant 0 : i32
        %dma_start3A_113 = tpu.memref_slice %arg9[%dma_start3A_109, %dma_start3A_111, %dma_start3A_112] : memref<2x128x128xf32, #tpu.memory_space<vmem>> -> memref<1x128x128xf32, #tpu.memory_space<vmem>>
        %dma_start3A_114 = tpu.memref_squeeze %dma_start3A_113 : memref<1x128x128xf32, #tpu.memory_space<vmem>> -> memref<128x128xf32, #tpu.memory_space<vmem>>
        %dma_start3A_115 = arith.constant 0 : i32
        %dma_start3A_116 = tpu.memref_slice %arg7[%rem3A_54, %dma_start3A_108, %dma_start3A_115] : memref<2x16x128xi32, #tpu.memory_space<vmem>> -> memref<1x1x128xi32, #tpu.memory_space<vmem>>
        %dma_start3A_117 = tpu.memref_squeeze %dma_start3A_116 : memref<1x1x128xi32, #tpu.memory_space<vmem>> -> memref<128xi32, #tpu.memory_space<vmem>>
        %dma_start3A_118 = arith.constant 0 : i32
        %dma_start3A_119 = arith.constant 0 : i32
        %dma_start3A_120 = tpu.memref_slice %arg2[%dma_start3A_118, %dma_start3A_119] : memref<10240x128xf32, #tpu.memory_space<hbm>> -> memref<10240x128xf32, #tpu.memory_space<hbm>>
        %dma_start3A_121 = tpu.memref_slice %arg11[%dma_start3A_110] : memref<2x!tpu.dma_semaphore, #tpu.memory_space<semaphore_mem>> -> memref<1x!tpu.dma_semaphore, #tpu.memory_space<semaphore_mem>>
        %dma_start3A_122 = tpu.memref_squeeze %dma_start3A_121 : memref<1x!tpu.dma_semaphore, #tpu.memory_space<semaphore_mem>> -> memref<!tpu.dma_semaphore, #tpu.memory_space<semaphore_mem>>
        tpu.enqueue_indirect_dma source(%dma_start3A_120 : memref<10240x128xf32, #tpu.memory_space<hbm>>) target(%dma_start3A_114 : memref<128x128xf32, #tpu.memory_space<vmem>>) offsets(%dma_start3A_117 : memref<128xi32, #tpu.memory_space<vmem>>) semaphore(%dma_start3A_122 : memref<!tpu.dma_semaphore, #tpu.memory_space<semaphore_mem>>)
      } else {
      }
    }
    %while3A_37 = arith.constant 1 : i32
    scf.for %while3A_49 = %while3A_35 to %while3A_31 step %while3A_37  : i32 {
      %rem3A = arith.constant 2 : i32
      %rem3A_50 = arith.remsi %while3A_49, %rem3A : i32
      %add3A_51 = arith.constant 1 : i32
      %add3A_52 = arith.addi %while3A_49, %add3A_51 : i32
      %rem3A_53 = arith.constant 2 : i32
      %rem3A_54 = arith.remsi %add3A_52, %rem3A_53 : i32
      %add3A_55 = arith.constant 1 : i32
      %add3A_56 = arith.addi %while3A_49, %add3A_55 : i32
      %lt3A = arith.constant 5 : i32
      %lt3A_57 = arith.cmpi slt, %add3A_56, %lt3A : i32
      %convert_element_type3A_58 = arith.extui %lt3A_57 : i1 to i32
      %cond3A_59 = arith.constant 0 : i32
      %cond3A_60 = arith.cmpi ne, %convert_element_type3A_58, %cond3A_59 : i32
      scf.if %cond3A_60 {
        %add3A_75 = arith.constant 1 : i32
        %add3A_76 = arith.addi %while3A_49, %add3A_75 : i32
        %mul3A_77 = arith.constant 16 : i32
        %mul3A_78 = arith.muli %add3A_76, %mul3A_77 : i32
        %add3A_79 = arith.addi %mul3A_2, %mul3A_78 : i32
        %dma_start3A_80 = arith.constant 0 : i32
        %dma_start3A_81 = arith.constant 0 : i32
        %dma_start3A_82 = tpu.memref_slice %arg7[%rem3A_54, %dma_start3A_80, %dma_start3A_81] : memref<2x16x128xi32, #tpu.memory_space<vmem>> -> memref<1x16x128xi32, #tpu.memory_space<vmem>>
        %dma_start3A_83 = tpu.memref_squeeze %dma_start3A_82 : memref<1x16x128xi32, #tpu.memory_space<vmem>> -> memref<16x128xi32, #tpu.memory_space<vmem>>
        %dma_start3A_84 = arith.constant 0 : i32
        %dma_start3A_85 = tpu.memref_slice %arg3[%add3A_79, %dma_start3A_84] : memref<2560x128xi32, #tpu.memory_space<hbm>> -> memref<16x128xi32, #tpu.memory_space<hbm>>
        %dma_start3A_86 = arith.constant 0 : i32
        %dma_start3A_87 = arith.constant 0 : i32
        %dma_start3A_88 = tpu.memref_slice %arg7[%rem3A_54, %dma_start3A_86, %dma_start3A_87] : memref<2x16x128xi32, #tpu.memory_space<vmem>> -> memref<1x16x128xi32, #tpu.memory_space<vmem>>
        %dma_start3A_89 = tpu.memref_squeeze %dma_start3A_88 : memref<1x16x128xi32, #tpu.memory_space<vmem>> -> memref<16x128xi32, #tpu.memory_space<vmem>>
        %dma_start3A_90 = arith.constant 0 : i32
        %dma_start3A_91 = tpu.memref_slice %arg3[%add3A_79, %dma_start3A_90] : memref<2560x128xi32, #tpu.memory_space<hbm>> -> memref<16x128xi32, #tpu.memory_space<hbm>>
        tpu.enqueue_dma source(%dma_start3A_91 : memref<16x128xi32, #tpu.memory_space<hbm>>) target(%dma_start3A_89 : memref<16x128xi32, #tpu.memory_space<vmem>>) target_semaphore(%arg12 : memref<!tpu.dma_semaphore, #tpu.memory_space<semaphore_mem>>)
        %add3A_92 = arith.constant 1 : i32
        %add3A_93 = arith.addi %while3A_49, %add3A_92 : i32
        %mul3A_94 = arith.constant 16 : i32
        %mul3A_95 = arith.muli %add3A_93, %mul3A_94 : i32
        %add3A_96 = arith.addi %mul3A_2, %mul3A_95 : i32
        %dma_start3A_97 = arith.constant 0 : i32
        %dma_start3A_98 = arith.constant 0 : i32
        %dma_start3A_99 = tpu.memref_slice %arg8[%rem3A_54, %dma_start3A_97, %dma_start3A_98] : memref<2x16x128xi32, #tpu.memory_space<vmem>> -> memref<1x16x128xi32, #tpu.memory_space<vmem>>
        %dma_start3A_100 = tpu.memref_squeeze %dma_start3A_99 : memref<1x16x128xi32, #tpu.memory_space<vmem>> -> memref<16x128xi32, #tpu.memory_space<vmem>>
        %dma_start3A_101 = arith.constant 0 : i32
        %dma_start3A_102 = tpu.memref_slice %arg4[%add3A_96, %dma_start3A_101] : memref<2560x128xi32, #tpu.memory_space<hbm>> -> memref<16x128xi32, #tpu.memory_space<hbm>>
        %dma_start3A_103 = arith.constant 0 : i32
        %dma_start3A_104 = arith.constant 0 : i32
        %dma_start3A_105 = tpu.memref_slice %arg8[%rem3A_54, %dma_start3A_103, %dma_start3A_104] : memref<2x16x128xi32, #tpu.memory_space<vmem>> -> memref<1x16x128xi32, #tpu.memory_space<vmem>>
        %dma_start3A_106 = tpu.memref_squeeze %dma_start3A_105 : memref<1x16x128xi32, #tpu.memory_space<vmem>> -> memref<16x128xi32, #tpu.memory_space<vmem>>
        %dma_start3A_107 = arith.constant 0 : i32
        %dma_start3A_108 = tpu.memref_slice %arg4[%add3A_96, %dma_start3A_107] : memref<2560x128xi32, #tpu.memory_space<hbm>> -> memref<16x128xi32, #tpu.memory_space<hbm>>
        tpu.enqueue_dma source(%dma_start3A_108 : memref<16x128xi32, #tpu.memory_space<hbm>>) target(%dma_start3A_106 : memref<16x128xi32, #tpu.memory_space<vmem>>) target_semaphore(%arg12 : memref<!tpu.dma_semaphore, #tpu.memory_space<semaphore_mem>>)
      } else {
      }
      %while3A_61 = arith.constant 0 : i32
      %while3A_62 = arith.constant 0 : i32
      %while3A_63 = arith.constant 16 : i32
      %while3A_64 = arith.subi %while3A_63, %while3A_62 : i32
      %while3A_65 = arith.addi %while3A_62, %while3A_64 : i32
      %while3A_66 = arith.constant 1 : i32
      %while3A_67 = arith.divsi %while3A_64, %while3A_66 : i32
      %while3A_68 = arith.muli %while3A_67, %while3A_66 : i32
      %while3A_69 = arith.addi %while3A_62, %while3A_68 : i32
      %while3A_70 = arith.constant 1 : i32
      scf.for %while3A_75 = %while3A_62 to %while3A_69 step %while3A_70  : i32 {
        %rem3A_76 = arith.constant 2 : i32
        %rem3A_77 = arith.remsi %while3A_75, %rem3A_76 : i32
        %add3A_78 = arith.constant 1 : i32
        %add3A_79 = arith.addi %while3A_75, %add3A_78 : i32
        %rem3A_80 = arith.constant 2 : i32
        %rem3A_81 = arith.remsi %add3A_79, %rem3A_80 : i32
        %lt3A_82 = arith.constant 15 : i32
        %lt3A_83 = arith.cmpi slt, %while3A_75, %lt3A_82 : i32
        %convert_element_type3A_84 = arith.extui %lt3A_83 : i1 to i32
        %cond3A_85 = arith.constant 0 : i32
        %cond3A_86 = arith.cmpi ne, %convert_element_type3A_84, %cond3A_85 : i32
        scf.if %cond3A_86 {
          %add3A_98 = arith.constant 1 : i32
          %add3A_99 = arith.addi %while3A_75, %add3A_98 : i32
          %dma_start3A_100 = arith.constant 0 : i32
          %dma_start3A_101 = arith.constant 0 : i32
          %dma_start3A_102 = tpu.memref_slice %arg9[%rem3A_81, %dma_start3A_100, %dma_start3A_101] : memref<2x128x128xf32, #tpu.memory_space<vmem>> -> memref<1x128x128xf32, #tpu.memory_space<vmem>>
          %dma_start3A_103 = tpu.memref_squeeze %dma_start3A_102 : memref<1x128x128xf32, #tpu.memory_space<vmem>> -> memref<128x128xf32, #tpu.memory_space<vmem>>
          %dma_start3A_104 = arith.constant 0 : i32
          %dma_start3A_105 = tpu.memref_slice %arg7[%rem3A_50, %add3A_99, %dma_start3A_104] : memref<2x16x128xi32, #tpu.memory_space<vmem>> -> memref<1x1x128xi32, #tpu.memory_space<vmem>>
          %dma_start3A_106 = tpu.memref_squeeze %dma_start3A_105 : memref<1x1x128xi32, #tpu.memory_space<vmem>> -> memref<128xi32, #tpu.memory_space<vmem>>
          %dma_start3A_107 = arith.constant 0 : i32
          %dma_start3A_108 = arith.constant 0 : i32
          %dma_start3A_109 = tpu.memref_slice %arg2[%dma_start3A_107, %dma_start3A_108] : memref<10240x128xf32, #tpu.memory_space<hbm>> -> memref<10240x128xf32, #tpu.memory_space<hbm>>
          %dma_start3A_110 = tpu.memref_slice %arg11[%rem3A_81] : memref<2x!tpu.dma_semaphore, #tpu.memory_space<semaphore_mem>> -> memref<1x!tpu.dma_semaphore, #tpu.memory_space<semaphore_mem>>
          %dma_start3A_111 = tpu.memref_squeeze %dma_start3A_110 : memref<1x!tpu.dma_semaphore, #tpu.memory_space<semaphore_mem>> -> memref<!tpu.dma_semaphore, #tpu.memory_space<semaphore_mem>>
          tpu.enqueue_indirect_dma source(%dma_start3A_109 : memref<10240x128xf32, #tpu.memory_space<hbm>>) target(%dma_start3A_103 : memref<128x128xf32, #tpu.memory_space<vmem>>) offsets(%dma_start3A_106 : memref<128xi32, #tpu.memory_space<vmem>>) semaphore(%dma_start3A_111 : memref<!tpu.dma_semaphore, #tpu.memory_space<semaphore_mem>>)
        } else {
        }
        %dma_wait3A = arith.constant 0 : i32
        %dma_wait3A_87 = arith.constant 0 : i32
        %dma_wait3A_88 = tpu.memref_slice %arg9[%rem3A_77, %dma_wait3A, %dma_wait3A_87] : memref<2x128x128xf32, #tpu.memory_space<vmem>> -> memref<1x128x128xf32, #tpu.memory_space<vmem>>
        %dma_wait3A_89 = tpu.memref_squeeze %dma_wait3A_88 : memref<1x128x128xf32, #tpu.memory_space<vmem>> -> memref<128x128xf32, #tpu.memory_space<vmem>>
        %dma_wait3A_90 = arith.constant 0 : i32
        %dma_wait3A_91 = tpu.memref_slice %arg7[%rem3A_50, %while3A_75, %dma_wait3A_90] : memref<2x16x128xi32, #tpu.memory_space<vmem>> -> memref<1x1x128xi32, #tpu.memory_space<vmem>>
        %dma_wait3A_92 = tpu.memref_squeeze %dma_wait3A_91 : memref<1x1x128xi32, #tpu.memory_space<vmem>> -> memref<128xi32, #tpu.memory_space<vmem>>
        %dma_wait3A_93 = arith.constant 0 : i32
        %dma_wait3A_94 = arith.constant 0 : i32
        %dma_wait3A_95 = tpu.memref_slice %arg2[%dma_wait3A_93, %dma_wait3A_94] : memref<10240x128xf32, #tpu.memory_space<hbm>> -> memref<10240x128xf32, #tpu.memory_space<hbm>>
        %dma_wait3A_96 = tpu.memref_slice %arg11[%rem3A_77] : memref<2x!tpu.dma_semaphore, #tpu.memory_space<semaphore_mem>> -> memref<1x!tpu.dma_semaphore, #tpu.memory_space<semaphore_mem>>
        %dma_wait3A_97 = tpu.memref_squeeze %dma_wait3A_96 : memref<1x!tpu.dma_semaphore, #tpu.memory_space<semaphore_mem>> -> memref<!tpu.dma_semaphore, #tpu.memory_space<semaphore_mem>>
        tpu.wait_indirect_dma semaphore(%dma_wait3A_97 : memref<!tpu.dma_semaphore, #tpu.memory_space<semaphore_mem>>) src(%dma_wait3A_95 : memref<10240x128xf32, #tpu.memory_space<hbm>>) dst(%dma_wait3A_89 : memref<128x128xf32, #tpu.memory_space<vmem>>)
        "tpu.region"() ({
          %run_scoped3A_98 = tpu.sem_alloc : memref<!tpu.dma_semaphore, #tpu.memory_space<semaphore_mem>>
          %dma_start3A_99 = arith.constant 0 : i32
          %dma_start3A_100 = arith.constant 0 : i32
          %dma_start3A_101 = tpu.memref_slice %arg9[%rem3A_77, %dma_start3A_99, %dma_start3A_100] : memref<2x128x128xf32, #tpu.memory_space<vmem>> -> memref<1x128x128xf32, #tpu.memory_space<vmem>>
          %dma_start3A_102 = tpu.memref_squeeze %dma_start3A_101 : memref<1x128x128xf32, #tpu.memory_space<vmem>> -> memref<128x128xf32, #tpu.memory_space<vmem>>
          %dma_start3A_103 = arith.constant 0 : i32
          %dma_start3A_104 = tpu.memref_slice %arg8[%rem3A_50, %while3A_75, %dma_start3A_103] : memref<2x16x128xi32, #tpu.memory_space<vmem>> -> memref<1x1x128xi32, #tpu.memory_space<vmem>>
          %dma_start3A_105 = tpu.memref_squeeze %dma_start3A_104 : memref<1x1x128xi32, #tpu.memory_space<vmem>> -> memref<128xi32, #tpu.memory_space<vmem>>
          %dma_start3A_106 = arith.constant 0 : i32
          %dma_start3A_107 = arith.constant 0 : i32
          %dma_start3A_108 = tpu.memref_slice %arg10[%dma_start3A_106, %dma_start3A_107] : memref<10240x128xf32, #tpu.memory_space<vmem_shared>> -> memref<10240x128xf32, #tpu.memory_space<vmem_shared>>
          tpu.enqueue_indirect_dma source(%dma_start3A_102 : memref<128x128xf32, #tpu.memory_space<vmem>>) target(%dma_start3A_108 : memref<10240x128xf32, #tpu.memory_space<vmem_shared>>) offsets(%dma_start3A_105 : memref<128xi32, #tpu.memory_space<vmem>>) semaphore(%run_scoped3A_98 : memref<!tpu.dma_semaphore, #tpu.memory_space<semaphore_mem>>) {add = true}
          %dma_wait3A_109 = arith.constant 0 : i32
          %dma_wait3A_110 = arith.constant 0 : i32
          %dma_wait3A_111 = tpu.memref_slice %arg9[%rem3A_77, %dma_wait3A_109, %dma_wait3A_110] : memref<2x128x128xf32, #tpu.memory_space<vmem>> -> memref<1x128x128xf32, #tpu.memory_space<vmem>>
          %dma_wait3A_112 = tpu.memref_squeeze %dma_wait3A_111 : memref<1x128x128xf32, #tpu.memory_space<vmem>> -> memref<128x128xf32, #tpu.memory_space<vmem>>
          %dma_wait3A_113 = arith.constant 0 : i32
          %dma_wait3A_114 = tpu.memref_slice %arg8[%rem3A_50, %while3A_75, %dma_wait3A_113] : memref<2x16x128xi32, #tpu.memory_space<vmem>> -> memref<1x1x128xi32, #tpu.memory_space<vmem>>
          %dma_wait3A_115 = tpu.memref_squeeze %dma_wait3A_114 : memref<1x1x128xi32, #tpu.memory_space<vmem>> -> memref<128xi32, #tpu.memory_space<vmem>>
          %dma_wait3A_116 = arith.constant 0 : i32
          %dma_wait3A_117 = arith.constant 0 : i32
          %dma_wait3A_118 = tpu.memref_slice %arg10[%dma_wait3A_116, %dma_wait3A_117] : memref<10240x128xf32, #tpu.memory_space<vmem_shared>> -> memref<10240x128xf32, #tpu.memory_space<vmem_shared>>
          tpu.wait_indirect_dma semaphore(%run_scoped3A_98 : memref<!tpu.dma_semaphore, #tpu.memory_space<semaphore_mem>>) src(%dma_wait3A_112 : memref<128x128xf32, #tpu.memory_space<vmem>>) dst(%dma_wait3A_118 : memref<10240x128xf32, #tpu.memory_space<vmem_shared>>)
          tpu.yield
        }) : () -> ()
      }
      %while3A_71 = arith.constant 1 : i32
      scf.for %while3A_75 = %while3A_69 to %while3A_65 step %while3A_71  : i32 {
        %rem3A_76 = arith.constant 2 : i32
        %rem3A_77 = arith.remsi %while3A_75, %rem3A_76 : i32
        %add3A_78 = arith.constant 1 : i32
        %add3A_79 = arith.addi %while3A_75, %add3A_78 : i32
        %rem3A_80 = arith.constant 2 : i32
        %rem3A_81 = arith.remsi %add3A_79, %rem3A_80 : i32
        %lt3A_82 = arith.constant 15 : i32
        %lt3A_83 = arith.cmpi slt, %while3A_75, %lt3A_82 : i32
        %convert_element_type3A_84 = arith.extui %lt3A_83 : i1 to i32
        %cond3A_85 = arith.constant 0 : i32
        %cond3A_86 = arith.cmpi ne, %convert_element_type3A_84, %cond3A_85 : i32
        scf.if %cond3A_86 {
          %add3A_98 = arith.constant 1 : i32
          %add3A_99 = arith.addi %while3A_75, %add3A_98 : i32
          %dma_start3A_100 = arith.constant 0 : i32
          %dma_start3A_101 = arith.constant 0 : i32
          %dma_start3A_102 = tpu.memref_slice %arg9[%rem3A_81, %dma_start3A_100, %dma_start3A_101] : memref<2x128x128xf32, #tpu.memory_space<vmem>> -> memref<1x128x128xf32, #tpu.memory_space<vmem>>
          %dma_start3A_103 = tpu.memref_squeeze %dma_start3A_102 : memref<1x128x128xf32, #tpu.memory_space<vmem>> -> memref<128x128xf32, #tpu.memory_space<vmem>>
          %dma_start3A_104 = arith.constant 0 : i32
          %dma_start3A_105 = tpu.memref_slice %arg7[%rem3A_50, %add3A_99, %dma_start3A_104] : memref<2x16x128xi32, #tpu.memory_space<vmem>> -> memref<1x1x128xi32, #tpu.memory_space<vmem>>
          %dma_start3A_106 = tpu.memref_squeeze %dma_start3A_105 : memref<1x1x128xi32, #tpu.memory_space<vmem>> -> memref<128xi32, #tpu.memory_space<vmem>>
          %dma_start3A_107 = arith.constant 0 : i32
          %dma_start3A_108 = arith.constant 0 : i32
          %dma_start3A_109 = tpu.memref_slice %arg2[%dma_start3A_107, %dma_start3A_108] : memref<10240x128xf32, #tpu.memory_space<hbm>> -> memref<10240x128xf32, #tpu.memory_space<hbm>>
          %dma_start3A_110 = tpu.memref_slice %arg11[%rem3A_81] : memref<2x!tpu.dma_semaphore, #tpu.memory_space<semaphore_mem>> -> memref<1x!tpu.dma_semaphore, #tpu.memory_space<semaphore_mem>>
          %dma_start3A_111 = tpu.memref_squeeze %dma_start3A_110 : memref<1x!tpu.dma_semaphore, #tpu.memory_space<semaphore_mem>> -> memref<!tpu.dma_semaphore, #tpu.memory_space<semaphore_mem>>
          tpu.enqueue_indirect_dma source(%dma_start3A_109 : memref<10240x128xf32, #tpu.memory_space<hbm>>) target(%dma_start3A_103 : memref<128x128xf32, #tpu.memory_space<vmem>>) offsets(%dma_start3A_106 : memref<128xi32, #tpu.memory_space<vmem>>) semaphore(%dma_start3A_111 : memref<!tpu.dma_semaphore, #tpu.memory_space<semaphore_mem>>)
        } else {
        }
        %dma_wait3A = arith.constant 0 : i32
        %dma_wait3A_87 = arith.constant 0 : i32
        %dma_wait3A_88 = tpu.memref_slice %arg9[%rem3A_77, %dma_wait3A, %dma_wait3A_87] : memref<2x128x128xf32, #tpu.memory_space<vmem>> -> memref<1x128x128xf32, #tpu.memory_space<vmem>>
        %dma_wait3A_89 = tpu.memref_squeeze %dma_wait3A_88 : memref<1x128x128xf32, #tpu.memory_space<vmem>> -> memref<128x128xf32, #tpu.memory_space<vmem>>
        %dma_wait3A_90 = arith.constant 0 : i32
        %dma_wait3A_91 = tpu.memref_slice %arg7[%rem3A_50, %while3A_75, %dma_wait3A_90] : memref<2x16x128xi32, #tpu.memory_space<vmem>> -> memref<1x1x128xi32, #tpu.memory_space<vmem>>
        %dma_wait3A_92 = tpu.memref_squeeze %dma_wait3A_91 : memref<1x1x128xi32, #tpu.memory_space<vmem>> -> memref<128xi32, #tpu.memory_space<vmem>>
        %dma_wait3A_93 = arith.constant 0 : i32
        %dma_wait3A_94 = arith.constant 0 : i32
        %dma_wait3A_95 = tpu.memref_slice %arg2[%dma_wait3A_93, %dma_wait3A_94] : memref<10240x128xf32, #tpu.memory_space<hbm>> -> memref<10240x128xf32, #tpu.memory_space<hbm>>
        %dma_wait3A_96 = tpu.memref_slice %arg11[%rem3A_77] : memref<2x!tpu.dma_semaphore, #tpu.memory_space<semaphore_mem>> -> memref<1x!tpu.dma_semaphore, #tpu.memory_space<semaphore_mem>>
        %dma_wait3A_97 = tpu.memref_squeeze %dma_wait3A_96 : memref<1x!tpu.dma_semaphore, #tpu.memory_space<semaphore_mem>> -> memref<!tpu.dma_semaphore, #tpu.memory_space<semaphore_mem>>
        tpu.wait_indirect_dma semaphore(%dma_wait3A_97 : memref<!tpu.dma_semaphore, #tpu.memory_space<semaphore_mem>>) src(%dma_wait3A_95 : memref<10240x128xf32, #tpu.memory_space<hbm>>) dst(%dma_wait3A_89 : memref<128x128xf32, #tpu.memory_space<vmem>>)
        "tpu.region"() ({
          %run_scoped3A_98 = tpu.sem_alloc : memref<!tpu.dma_semaphore, #tpu.memory_space<semaphore_mem>>
          %dma_start3A_99 = arith.constant 0 : i32
          %dma_start3A_100 = arith.constant 0 : i32
          %dma_start3A_101 = tpu.memref_slice %arg9[%rem3A_77, %dma_start3A_99, %dma_start3A_100] : memref<2x128x128xf32, #tpu.memory_space<vmem>> -> memref<1x128x128xf32, #tpu.memory_space<vmem>>
          %dma_start3A_102 = tpu.memref_squeeze %dma_start3A_101 : memref<1x128x128xf32, #tpu.memory_space<vmem>> -> memref<128x128xf32, #tpu.memory_space<vmem>>
          %dma_start3A_103 = arith.constant 0 : i32
          %dma_start3A_104 = tpu.memref_slice %arg8[%rem3A_50, %while3A_75, %dma_start3A_103] : memref<2x16x128xi32, #tpu.memory_space<vmem>> -> memref<1x1x128xi32, #tpu.memory_space<vmem>>
          %dma_start3A_105 = tpu.memref_squeeze %dma_start3A_104 : memref<1x1x128xi32, #tpu.memory_space<vmem>> -> memref<128xi32, #tpu.memory_space<vmem>>
          %dma_start3A_106 = arith.constant 0 : i32
          %dma_start3A_107 = arith.constant 0 : i32
          %dma_start3A_108 = tpu.memref_slice %arg10[%dma_start3A_106, %dma_start3A_107] : memref<10240x128xf32, #tpu.memory_space<vmem_shared>> -> memref<10240x128xf32, #tpu.memory_space<vmem_shared>>
          tpu.enqueue_indirect_dma source(%dma_start3A_102 : memref<128x128xf32, #tpu.memory_space<vmem>>) target(%dma_start3A_108 : memref<10240x128xf32, #tpu.memory_space<vmem_shared>>) offsets(%dma_start3A_105 : memref<128xi32, #tpu.memory_space<vmem>>) semaphore(%run_scoped3A_98 : memref<!tpu.dma_semaphore, #tpu.memory_space<semaphore_mem>>) {add = true}
          %dma_wait3A_109 = arith.constant 0 : i32
          %dma_wait3A_110 = arith.constant 0 : i32
          %dma_wait3A_111 = tpu.memref_slice %arg9[%rem3A_77, %dma_wait3A_109, %dma_wait3A_110] : memref<2x128x128xf32, #tpu.memory_space<vmem>> -> memref<1x128x128xf32, #tpu.memory_space<vmem>>
          %dma_wait3A_112 = tpu.memref_squeeze %dma_wait3A_111 : memref<1x128x128xf32, #tpu.memory_space<vmem>> -> memref<128x128xf32, #tpu.memory_space<vmem>>
          %dma_wait3A_113 = arith.constant 0 : i32
          %dma_wait3A_114 = tpu.memref_slice %arg8[%rem3A_50, %while3A_75, %dma_wait3A_113] : memref<2x16x128xi32, #tpu.memory_space<vmem>> -> memref<1x1x128xi32, #tpu.memory_space<vmem>>
          %dma_wait3A_115 = tpu.memref_squeeze %dma_wait3A_114 : memref<1x1x128xi32, #tpu.memory_space<vmem>> -> memref<128xi32, #tpu.memory_space<vmem>>
          %dma_wait3A_116 = arith.constant 0 : i32
          %dma_wait3A_117 = arith.constant 0 : i32
          %dma_wait3A_118 = tpu.memref_slice %arg10[%dma_wait3A_116, %dma_wait3A_117] : memref<10240x128xf32, #tpu.memory_space<vmem_shared>> -> memref<10240x128xf32, #tpu.memory_space<vmem_shared>>
          tpu.wait_indirect_dma semaphore(%run_scoped3A_98 : memref<!tpu.dma_semaphore, #tpu.memory_space<semaphore_mem>>) src(%dma_wait3A_112 : memref<128x128xf32, #tpu.memory_space<vmem>>) dst(%dma_wait3A_118 : memref<10240x128xf32, #tpu.memory_space<vmem_shared>>)
          tpu.yield
        }) : () -> ()
      }
      %convert_element_type3A_72 = arith.extui %lt3A_57 : i1 to i32
      %cond3A_73 = arith.constant 0 : i32
      %cond3A_74 = arith.cmpi ne, %convert_element_type3A_72, %cond3A_73 : i32
      scf.if %cond3A_74 {
        %add3A_75 = arith.constant 1 : i32
        %add3A_76 = arith.addi %while3A_49, %add3A_75 : i32
        %mul3A_77 = arith.constant 16 : i32
        %mul3A_78 = arith.muli %add3A_76, %mul3A_77 : i32
        %add3A_79 = arith.addi %mul3A_2, %mul3A_78 : i32
        %dma_wait3A = arith.constant 0 : i32
        %dma_wait3A_80 = arith.constant 0 : i32
        %dma_wait3A_81 = tpu.memref_slice %arg7[%rem3A_54, %dma_wait3A, %dma_wait3A_80] : memref<2x16x128xi32, #tpu.memory_space<vmem>> -> memref<1x16x128xi32, #tpu.memory_space<vmem>>
        %dma_wait3A_82 = tpu.memref_squeeze %dma_wait3A_81 : memref<1x16x128xi32, #tpu.memory_space<vmem>> -> memref<16x128xi32, #tpu.memory_space<vmem>>
        %dma_wait3A_83 = arith.constant 0 : i32
        %dma_wait3A_84 = tpu.memref_slice %arg3[%add3A_79, %dma_wait3A_83] : memref<2560x128xi32, #tpu.memory_space<hbm>> -> memref<16x128xi32, #tpu.memory_space<hbm>>
        %dma_wait3A_85 = arith.constant 0 : i32
        %dma_wait3A_86 = arith.constant 0 : i32
        %dma_wait3A_87 = tpu.memref_slice %arg7[%rem3A_54, %dma_wait3A_85, %dma_wait3A_86] : memref<2x16x128xi32, #tpu.memory_space<vmem>> -> memref<1x16x128xi32, #tpu.memory_space<vmem>>
        %dma_wait3A_88 = tpu.memref_squeeze %dma_wait3A_87 : memref<1x16x128xi32, #tpu.memory_space<vmem>> -> memref<16x128xi32, #tpu.memory_space<vmem>>
        %dma_wait3A_89 = arith.constant 0 : i32
        %dma_wait3A_90 = tpu.memref_slice %arg3[%add3A_79, %dma_wait3A_89] : memref<2560x128xi32, #tpu.memory_space<hbm>> -> memref<16x128xi32, #tpu.memory_space<hbm>>
        tpu.wait_dma2 semaphore(%arg12 : memref<!tpu.dma_semaphore, #tpu.memory_space<semaphore_mem>>) src(%dma_wait3A_90 : memref<16x128xi32, #tpu.memory_space<hbm>>) dst(%dma_wait3A_88 : memref<16x128xi32, #tpu.memory_space<vmem>>)
        %add3A_91 = arith.constant 1 : i32
        %add3A_92 = arith.addi %while3A_49, %add3A_91 : i32
        %mul3A_93 = arith.constant 16 : i32
        %mul3A_94 = arith.muli %add3A_92, %mul3A_93 : i32
        %add3A_95 = arith.addi %mul3A_2, %mul3A_94 : i32
        %dma_wait3A_96 = arith.constant 0 : i32
        %dma_wait3A_97 = arith.constant 0 : i32
        %dma_wait3A_98 = tpu.memref_slice %arg8[%rem3A_54, %dma_wait3A_96, %dma_wait3A_97] : memref<2x16x128xi32, #tpu.memory_space<vmem>> -> memref<1x16x128xi32, #tpu.memory_space<vmem>>
        %dma_wait3A_99 = tpu.memref_squeeze %dma_wait3A_98 : memref<1x16x128xi32, #tpu.memory_space<vmem>> -> memref<16x128xi32, #tpu.memory_space<vmem>>
        %dma_wait3A_100 = arith.constant 0 : i32
        %dma_wait3A_101 = tpu.memref_slice %arg4[%add3A_95, %dma_wait3A_100] : memref<2560x128xi32, #tpu.memory_space<hbm>> -> memref<16x128xi32, #tpu.memory_space<hbm>>
        %dma_wait3A_102 = arith.constant 0 : i32
        %dma_wait3A_103 = arith.constant 0 : i32
        %dma_wait3A_104 = tpu.memref_slice %arg8[%rem3A_54, %dma_wait3A_102, %dma_wait3A_103] : memref<2x16x128xi32, #tpu.memory_space<vmem>> -> memref<1x16x128xi32, #tpu.memory_space<vmem>>
        %dma_wait3A_105 = tpu.memref_squeeze %dma_wait3A_104 : memref<1x16x128xi32, #tpu.memory_space<vmem>> -> memref<16x128xi32, #tpu.memory_space<vmem>>
        %dma_wait3A_106 = arith.constant 0 : i32
        %dma_wait3A_107 = tpu.memref_slice %arg4[%add3A_95, %dma_wait3A_106] : memref<2560x128xi32, #tpu.memory_space<hbm>> -> memref<16x128xi32, #tpu.memory_space<hbm>>
        tpu.wait_dma2 semaphore(%arg12 : memref<!tpu.dma_semaphore, #tpu.memory_space<semaphore_mem>>) src(%dma_wait3A_107 : memref<16x128xi32, #tpu.memory_space<hbm>>) dst(%dma_wait3A_105 : memref<16x128xi32, #tpu.memory_space<vmem>>)
        %dma_start3A_108 = arith.constant 0 : i32
        %dma_start3A_109 = arith.constant 0 : i32
        %dma_start3A_110 = arith.constant 0 : i32
        %dma_start3A_111 = arith.constant 0 : i32
        %dma_start3A_112 = arith.constant 0 : i32
        %dma_start3A_113 = tpu.memref_slice %arg9[%dma_start3A_109, %dma_start3A_111, %dma_start3A_112] : memref<2x128x128xf32, #tpu.memory_space<vmem>> -> memref<1x128x128xf32, #tpu.memory_space<vmem>>
        %dma_start3A_114 = tpu.memref_squeeze %dma_start3A_113 : memref<1x128x128xf32, #tpu.memory_space<vmem>> -> memref<128x128xf32, #tpu.memory_space<vmem>>
        %dma_start3A_115 = arith.constant 0 : i32
        %dma_start3A_116 = tpu.memref_slice %arg7[%rem3A_54, %dma_start3A_108, %dma_start3A_115] : memref<2x16x128xi32, #tpu.memory_space<vmem>> -> memref<1x1x128xi32, #tpu.memory_space<vmem>>
        %dma_start3A_117 = tpu.memref_squeeze %dma_start3A_116 : memref<1x1x128xi32, #tpu.memory_space<vmem>> -> memref<128xi32, #tpu.memory_space<vmem>>
        %dma_start3A_118 = arith.constant 0 : i32
        %dma_start3A_119 = arith.constant 0 : i32
        %dma_start3A_120 = tpu.memref_slice %arg2[%dma_start3A_118, %dma_start3A_119] : memref<10240x128xf32, #tpu.memory_space<hbm>> -> memref<10240x128xf32, #tpu.memory_space<hbm>>
        %dma_start3A_121 = tpu.memref_slice %arg11[%dma_start3A_110] : memref<2x!tpu.dma_semaphore, #tpu.memory_space<semaphore_mem>> -> memref<1x!tpu.dma_semaphore, #tpu.memory_space<semaphore_mem>>
        %dma_start3A_122 = tpu.memref_squeeze %dma_start3A_121 : memref<1x!tpu.dma_semaphore, #tpu.memory_space<semaphore_mem>> -> memref<!tpu.dma_semaphore, #tpu.memory_space<semaphore_mem>>
        tpu.enqueue_indirect_dma source(%dma_start3A_120 : memref<10240x128xf32, #tpu.memory_space<hbm>>) target(%dma_start3A_114 : memref<128x128xf32, #tpu.memory_space<vmem>>) offsets(%dma_start3A_117 : memref<128xi32, #tpu.memory_space<vmem>>) semaphore(%dma_start3A_122 : memref<!tpu.dma_semaphore, #tpu.memory_space<semaphore_mem>>)
      } else {
      }
    }
    %barrier3A_38 = arith.constant 0 : index
    tpu.barrier barrier_id(%barrier3A_38)
    %eq3A_39 = arith.constant 0 : i32
    %eq3A_40 = arith.cmpi eq, %arg0, %eq3A_39 : i32
    %convert_element_type3A_41 = arith.extui %eq3A_40 : i1 to i32
    %cond3A_42 = arith.constant 0 : i32
    %cond3A_43 = arith.cmpi ne, %convert_element_type3A_41, %cond3A_42 : i32
    scf.if %cond3A_43 {
      "tpu.region"() ({
        %run_scoped3A_49 = tpu.sem_alloc : memref<!tpu.dma_semaphore, #tpu.memory_space<semaphore_mem>>
        %dma_start3A_50 = arith.constant 0 : i32
        %dma_start3A_51 = tpu.memref_slice %arg5[%mul3A_4, %dma_start3A_50] : memref<10240x128xf32, #tpu.memory_space<hbm>> -> memref<640x128xf32, #tpu.memory_space<hbm>>
        %dma_start3A_52 = arith.constant 0 : i32
        %dma_start3A_53 = tpu.memref_slice %arg10[%mul3A_4, %dma_start3A_52] : memref<10240x128xf32, #tpu.memory_space<vmem_shared>> -> memref<640x128xf32, #tpu.memory_space<vmem_shared>>
        tpu.enqueue_dma source(%dma_start3A_53 : memref<640x128xf32, #tpu.memory_space<vmem_shared>>) target(%dma_start3A_51 : memref<640x128xf32, #tpu.memory_space<hbm>>) target_semaphore(%run_scoped3A_49 : memref<!tpu.dma_semaphore, #tpu.memory_space<semaphore_mem>>)
        %dma_wait3A = arith.constant 0 : i32
        %dma_wait3A_54 = tpu.memref_slice %arg5[%mul3A_4, %dma_wait3A] : memref<10240x128xf32, #tpu.memory_space<hbm>> -> memref<640x128xf32, #tpu.memory_space<hbm>>
        %dma_wait3A_55 = arith.constant 0 : i32
        %dma_wait3A_56 = tpu.memref_slice %arg10[%mul3A_4, %dma_wait3A_55] : memref<10240x128xf32, #tpu.memory_space<vmem_shared>> -> memref<640x128xf32, #tpu.memory_space<vmem_shared>>
        tpu.wait_dma2 semaphore(%run_scoped3A_49 : memref<!tpu.dma_semaphore, #tpu.memory_space<semaphore_mem>>) src(%dma_wait3A_56 : memref<640x128xf32, #tpu.memory_space<vmem_shared>>) dst(%dma_wait3A_54 : memref<640x128xf32, #tpu.memory_space<hbm>>)
        tpu.yield
      }) : () -> ()
    } else {
    }
    %eq3A_44 = arith.constant 1 : i32
    %eq3A_45 = arith.cmpi eq, %arg0, %eq3A_44 : i32
    %convert_element_type3A_46 = arith.extui %eq3A_45 : i1 to i32
    %cond3A_47 = arith.constant 0 : i32
    %cond3A_48 = arith.cmpi ne, %convert_element_type3A_46, %cond3A_47 : i32
    scf.if %cond3A_48 {
      "tpu.region"() ({
        %run_scoped3A_49 = tpu.sem_alloc : memref<!tpu.dma_semaphore, #tpu.memory_space<semaphore_mem>>
        %dma_start3A_50 = arith.constant 0 : i32
        %dma_start3A_51 = tpu.memref_slice %arg6[%mul3A_4, %dma_start3A_50] : memref<10240x128xf32, #tpu.memory_space<hbm>> -> memref<640x128xf32, #tpu.memory_space<hbm>>
        %dma_start3A_52 = arith.constant 0 : i32
        %dma_start3A_53 = tpu.memref_slice %arg10[%mul3A_4, %dma_start3A_52] : memref<10240x128xf32, #tpu.memory_space<vmem_shared>> -> memref<640x128xf32, #tpu.memory_space<vmem_shared>>
        tpu.enqueue_dma source(%dma_start3A_53 : memref<640x128xf32, #tpu.memory_space<vmem_shared>>) target(%dma_start3A_51 : memref<640x128xf32, #tpu.memory_space<hbm>>) target_semaphore(%run_scoped3A_49 : memref<!tpu.dma_semaphore, #tpu.memory_space<semaphore_mem>>)
        %dma_wait3A = arith.constant 0 : i32
        %dma_wait3A_54 = tpu.memref_slice %arg6[%mul3A_4, %dma_wait3A] : memref<10240x128xf32, #tpu.memory_space<hbm>> -> memref<640x128xf32, #tpu.memory_space<hbm>>
        %dma_wait3A_55 = arith.constant 0 : i32
        %dma_wait3A_56 = tpu.memref_slice %arg10[%mul3A_4, %dma_wait3A_55] : memref<10240x128xf32, #tpu.memory_space<vmem_shared>> -> memref<640x128xf32, #tpu.memory_space<vmem_shared>>
        tpu.wait_dma2 semaphore(%run_scoped3A_49 : memref<!tpu.dma_semaphore, #tpu.memory_space<semaphore_mem>>) src(%dma_wait3A_56 : memref<640x128xf32, #tpu.memory_space<vmem_shared>>) dst(%dma_wait3A_54 : memref<640x128xf32, #tpu.memory_space<hbm>>)
        tpu.yield
      }) : () -> ()
    } else {
    }
    return
  }
}

#map = affine_map<(d0, d1) -> (0, 0)>
#map1 = affine_map<(d0, d1) -> (0)>
module attributes {stable_mosaic.version = 14 : i64} {
  func.func @_deg_body(%arg0: i32, %arg1: i32, %arg2: memref<2560x128xi32, #tpu.memory_space<hbm>>, %arg3: memref<10240xf32, #tpu.memory_space<hbm>>, %arg4: memref<10240xf32, #tpu.memory_space<hbm>>, %arg5: memref<80x128xi32, #tpu.memory_space<vmem>>, %arg6: memref<640xf32, #tpu.memory_space<vmem>>, %arg7: memref<128xf32, #tpu.memory_space<vmem>>, %arg8: memref<10240xf32, #tpu.memory_space<vmem_shared>>) attributes {dimension_semantics = [#tpu.dimension_semantics<core_parallel>, #tpu.dimension_semantics<subcore_parallel>], iteration_bounds = array<i64: 2, 16>, scalar_prefetch = 0 : i64, scratch_operands = 4 : i64, tpu.core_type = #tpu.core_type<sc_vector_subcore>, window_params = [{transform_indices = #map}, {transform_indices = #map1}, {transform_indices = #map1}]} {
    %mul3A = arith.constant 16 : i32
    %mul3A_0 = arith.muli %arg0, %mul3A : i32
    %add3A = arith.addi %mul3A_0, %arg1 : i32
    %while3A = arith.constant 0 : i32
    %while3A_1 = arith.constant 0 : i32
    %while3A_2 = arith.constant 40 : i32
    %while3A_3 = arith.subi %while3A_2, %while3A_1 : i32
    %while3A_4 = arith.addi %while3A_1, %while3A_3 : i32
    %while3A_5 = arith.constant 1 : i32
    %while3A_6 = arith.divsi %while3A_3, %while3A_5 : i32
    %while3A_7 = arith.muli %while3A_6, %while3A_5 : i32
    %while3A_8 = arith.addi %while3A_1, %while3A_7 : i32
    %while3A_9 = arith.constant 1 : i32
    scf.for %while3A_45 = %while3A_1 to %while3A_8 step %while3A_9  : i32 {
      %broadcast_in_dim3A = arith.constant 0.000000e+00 : f32
      %broadcast_in_dim3A_46 = vector.broadcast %broadcast_in_dim3A : f32 to vector<16xf32>
      %mul3A_47 = arith.constant 16 : i32
      %mul3A_48 = arith.muli %while3A_45, %mul3A_47 : i32
      %swap3A = arith.index_cast %mul3A_48 : i32 to index
      %swap3A_49 = tpu.vector_load %arg6[%swap3A] {strides = array<i32>} : memref<640xf32, #tpu.memory_space<vmem>>, vector<16xf32>,
      %swap3A_50 = vector.shape_cast %swap3A_49 : vector<16xf32> to vector<16xf32>
      %swap3A_51 = vector.shape_cast %broadcast_in_dim3A_46 : vector<16xf32> to vector<16xf32>
      tpu.vector_store %arg6[%swap3A], %swap3A_51 {strides = array<i32>} : memref<640xf32, #tpu.memory_space<vmem>>, vector<16xf32>,
    }
    %while3A_10 = arith.constant 1 : i32
    scf.for %while3A_45 = %while3A_8 to %while3A_4 step %while3A_10  : i32 {
      %broadcast_in_dim3A = arith.constant 0.000000e+00 : f32
      %broadcast_in_dim3A_46 = vector.broadcast %broadcast_in_dim3A : f32 to vector<16xf32>
      %mul3A_47 = arith.constant 16 : i32
      %mul3A_48 = arith.muli %while3A_45, %mul3A_47 : i32
      %swap3A = arith.index_cast %mul3A_48 : i32 to index
      %swap3A_49 = tpu.vector_load %arg6[%swap3A] {strides = array<i32>} : memref<640xf32, #tpu.memory_space<vmem>>, vector<16xf32>,
      %swap3A_50 = vector.shape_cast %swap3A_49 : vector<16xf32> to vector<16xf32>
      %swap3A_51 = vector.shape_cast %broadcast_in_dim3A_46 : vector<16xf32> to vector<16xf32>
      tpu.vector_store %arg6[%swap3A], %swap3A_51 {strides = array<i32>} : memref<640xf32, #tpu.memory_space<vmem>>, vector<16xf32>,
    }
    %while3A_11 = arith.constant 0 : i32
    %while3A_12 = arith.constant 0 : i32
    %while3A_13 = arith.constant 8 : i32
    %while3A_14 = arith.subi %while3A_13, %while3A_12 : i32
    %while3A_15 = arith.addi %while3A_12, %while3A_14 : i32
    %while3A_16 = arith.constant 1 : i32
    %while3A_17 = arith.divsi %while3A_14, %while3A_16 : i32
    %while3A_18 = arith.muli %while3A_17, %while3A_16 : i32
    %while3A_19 = arith.addi %while3A_12, %while3A_18 : i32
    %while3A_20 = arith.constant 1 : i32
    scf.for %while3A_45 = %while3A_12 to %while3A_19 step %while3A_20  : i32 {
      %broadcast_in_dim3A = arith.constant 1.000000e+00 : f32
      %broadcast_in_dim3A_46 = vector.broadcast %broadcast_in_dim3A : f32 to vector<16xf32>
      %mul3A_47 = arith.constant 16 : i32
      %mul3A_48 = arith.muli %while3A_45, %mul3A_47 : i32
      %swap3A = arith.index_cast %mul3A_48 : i32 to index
      %swap3A_49 = tpu.vector_load %arg7[%swap3A] {strides = array<i32>} : memref<128xf32, #tpu.memory_space<vmem>>, vector<16xf32>,
      %swap3A_50 = vector.shape_cast %swap3A_49 : vector<16xf32> to vector<16xf32>
      %swap3A_51 = vector.shape_cast %broadcast_in_dim3A_46 : vector<16xf32> to vector<16xf32>
      tpu.vector_store %arg7[%swap3A], %swap3A_51 {strides = array<i32>} : memref<128xf32, #tpu.memory_space<vmem>>, vector<16xf32>,
    }
    %while3A_21 = arith.constant 1 : i32
    scf.for %while3A_45 = %while3A_19 to %while3A_15 step %while3A_21  : i32 {
      %broadcast_in_dim3A = arith.constant 1.000000e+00 : f32
      %broadcast_in_dim3A_46 = vector.broadcast %broadcast_in_dim3A : f32 to vector<16xf32>
      %mul3A_47 = arith.constant 16 : i32
      %mul3A_48 = arith.muli %while3A_45, %mul3A_47 : i32
      %swap3A = arith.index_cast %mul3A_48 : i32 to index
      %swap3A_49 = tpu.vector_load %arg7[%swap3A] {strides = array<i32>} : memref<128xf32, #tpu.memory_space<vmem>>, vector<16xf32>,
      %swap3A_50 = vector.shape_cast %swap3A_49 : vector<16xf32> to vector<16xf32>
      %swap3A_51 = vector.shape_cast %broadcast_in_dim3A_46 : vector<16xf32> to vector<16xf32>
      tpu.vector_store %arg7[%swap3A], %swap3A_51 {strides = array<i32>} : memref<128xf32, #tpu.memory_space<vmem>>, vector<16xf32>,
    }
    %mul3A_22 = arith.constant 640 : i32
    %mul3A_23 = arith.muli %arg1, %mul3A_22 : i32
    %mul3A_24 = arith.constant 80 : i32
    %mul3A_25 = arith.muli %add3A, %mul3A_24 : i32
    "tpu.region"() ({
      %run_scoped3A = tpu.sem_alloc : memref<!tpu.dma_semaphore, #tpu.memory_space<semaphore_mem>>
      %dma_start3A = arith.constant 0 : i32
      %dma_start3A_45 = tpu.memref_slice %arg2[%mul3A_25, %dma_start3A] : memref<2560x128xi32, #tpu.memory_space<hbm>> -> memref<80x128xi32, #tpu.memory_space<hbm>>
      %dma_start3A_46 = arith.constant 0 : i32
      %dma_start3A_47 = tpu.memref_slice %arg2[%mul3A_25, %dma_start3A_46] : memref<2560x128xi32, #tpu.memory_space<hbm>> -> memref<80x128xi32, #tpu.memory_space<hbm>>
      tpu.enqueue_dma source(%dma_start3A_47 : memref<80x128xi32, #tpu.memory_space<hbm>>) target(%arg5 : memref<80x128xi32, #tpu.memory_space<vmem>>) target_semaphore(%run_scoped3A : memref<!tpu.dma_semaphore, #tpu.memory_space<semaphore_mem>>)
      %dma_wait3A = arith.constant 0 : i32
      %dma_wait3A_48 = tpu.memref_slice %arg2[%mul3A_25, %dma_wait3A] : memref<2560x128xi32, #tpu.memory_space<hbm>> -> memref<80x128xi32, #tpu.memory_space<hbm>>
      %dma_wait3A_49 = arith.constant 0 : i32
      %dma_wait3A_50 = tpu.memref_slice %arg2[%mul3A_25, %dma_wait3A_49] : memref<2560x128xi32, #tpu.memory_space<hbm>> -> memref<80x128xi32, #tpu.memory_space<hbm>>
      tpu.wait_dma2 semaphore(%run_scoped3A : memref<!tpu.dma_semaphore, #tpu.memory_space<semaphore_mem>>) src(%dma_wait3A_50 : memref<80x128xi32, #tpu.memory_space<hbm>>) dst(%arg5 : memref<80x128xi32, #tpu.memory_space<vmem>>)
      tpu.yield
    }) : () -> ()
    "tpu.region"() ({
      %run_scoped3A = tpu.sem_alloc : memref<!tpu.dma_semaphore, #tpu.memory_space<semaphore_mem>>
      %dma_start3A = tpu.memref_slice %arg8[%mul3A_23] : memref<10240xf32, #tpu.memory_space<vmem_shared>> -> memref<640xf32, #tpu.memory_space<vmem_shared>>
      %dma_start3A_45 = tpu.memref_slice %arg8[%mul3A_23] : memref<10240xf32, #tpu.memory_space<vmem_shared>> -> memref<640xf32, #tpu.memory_space<vmem_shared>>
      tpu.enqueue_dma source(%arg6 : memref<640xf32, #tpu.memory_space<vmem>>) target(%dma_start3A_45 : memref<640xf32, #tpu.memory_space<vmem_shared>>) target_semaphore(%run_scoped3A : memref<!tpu.dma_semaphore, #tpu.memory_space<semaphore_mem>>)
      %dma_wait3A = tpu.memref_slice %arg8[%mul3A_23] : memref<10240xf32, #tpu.memory_space<vmem_shared>> -> memref<640xf32, #tpu.memory_space<vmem_shared>>
      %dma_wait3A_46 = tpu.memref_slice %arg8[%mul3A_23] : memref<10240xf32, #tpu.memory_space<vmem_shared>> -> memref<640xf32, #tpu.memory_space<vmem_shared>>
      tpu.wait_dma2 semaphore(%run_scoped3A : memref<!tpu.dma_semaphore, #tpu.memory_space<semaphore_mem>>) src(%arg6 : memref<640xf32, #tpu.memory_space<vmem>>) dst(%dma_wait3A_46 : memref<640xf32, #tpu.memory_space<vmem_shared>>)
      tpu.yield
    }) : () -> ()
    %barrier3A = arith.constant 0 : index
    tpu.barrier barrier_id(%barrier3A)
    %while3A_26 = arith.constant 0 : i32
    %while3A_27 = arith.constant 0 : i32
    %while3A_28 = arith.constant 80 : i32
    %while3A_29 = arith.subi %while3A_28, %while3A_27 : i32
    %while3A_30 = arith.addi %while3A_27, %while3A_29 : i32
    %while3A_31 = arith.constant 1 : i32
    %while3A_32 = arith.divsi %while3A_29, %while3A_31 : i32
    %while3A_33 = arith.muli %while3A_32, %while3A_31 : i32
    %while3A_34 = arith.addi %while3A_27, %while3A_33 : i32
    %while3A_35 = arith.constant 1 : i32
    scf.for %while3A_45 = %while3A_27 to %while3A_34 step %while3A_35  : i32 {
      "tpu.region"() ({
        %run_scoped3A = tpu.sem_alloc : memref<!tpu.dma_semaphore, #tpu.memory_space<semaphore_mem>>
        %dma_start3A = arith.constant 0 : i32
        %dma_start3A_46 = tpu.memref_slice %arg5[%while3A_45, %dma_start3A] : memref<80x128xi32, #tpu.memory_space<vmem>> -> memref<1x128xi32, #tpu.memory_space<vmem>>
        %dma_start3A_47 = tpu.memref_squeeze %dma_start3A_46 : memref<1x128xi32, #tpu.memory_space<vmem>> -> memref<128xi32, #tpu.memory_space<vmem>>
        %dma_start3A_48 = arith.constant 0 : i32
        %dma_start3A_49 = tpu.memref_slice %arg8[%dma_start3A_48] : memref<10240xf32, #tpu.memory_space<vmem_shared>> -> memref<10240xf32, #tpu.memory_space<vmem_shared>>
        tpu.enqueue_indirect_dma source(%arg7 : memref<128xf32, #tpu.memory_space<vmem>>) target(%dma_start3A_49 : memref<10240xf32, #tpu.memory_space<vmem_shared>>) offsets(%dma_start3A_47 : memref<128xi32, #tpu.memory_space<vmem>>) semaphore(%run_scoped3A : memref<!tpu.dma_semaphore, #tpu.memory_space<semaphore_mem>>) {add = true}
        %dma_wait3A = arith.constant 0 : i32
        %dma_wait3A_50 = tpu.memref_slice %arg5[%while3A_45, %dma_wait3A] : memref<80x128xi32, #tpu.memory_space<vmem>> -> memref<1x128xi32, #tpu.memory_space<vmem>>
        %dma_wait3A_51 = tpu.memref_squeeze %dma_wait3A_50 : memref<1x128xi32, #tpu.memory_space<vmem>> -> memref<128xi32, #tpu.memory_space<vmem>>
        %dma_wait3A_52 = arith.constant 0 : i32
        %dma_wait3A_53 = tpu.memref_slice %arg8[%dma_wait3A_52] : memref<10240xf32, #tpu.memory_space<vmem_shared>> -> memref<10240xf32, #tpu.memory_space<vmem_shared>>
        tpu.wait_indirect_dma semaphore(%run_scoped3A : memref<!tpu.dma_semaphore, #tpu.memory_space<semaphore_mem>>) src(%arg7 : memref<128xf32, #tpu.memory_space<vmem>>) dst(%dma_wait3A_53 : memref<10240xf32, #tpu.memory_space<vmem_shared>>)
        tpu.yield
      }) : () -> ()
    }
    %while3A_36 = arith.constant 1 : i32
    scf.for %while3A_45 = %while3A_34 to %while3A_30 step %while3A_36  : i32 {
      "tpu.region"() ({
        %run_scoped3A = tpu.sem_alloc : memref<!tpu.dma_semaphore, #tpu.memory_space<semaphore_mem>>
        %dma_start3A = arith.constant 0 : i32
        %dma_start3A_46 = tpu.memref_slice %arg5[%while3A_45, %dma_start3A] : memref<80x128xi32, #tpu.memory_space<vmem>> -> memref<1x128xi32, #tpu.memory_space<vmem>>
        %dma_start3A_47 = tpu.memref_squeeze %dma_start3A_46 : memref<1x128xi32, #tpu.memory_space<vmem>> -> memref<128xi32, #tpu.memory_space<vmem>>
        %dma_start3A_48 = arith.constant 0 : i32
        %dma_start3A_49 = tpu.memref_slice %arg8[%dma_start3A_48] : memref<10240xf32, #tpu.memory_space<vmem_shared>> -> memref<10240xf32, #tpu.memory_space<vmem_shared>>
        tpu.enqueue_indirect_dma source(%arg7 : memref<128xf32, #tpu.memory_space<vmem>>) target(%dma_start3A_49 : memref<10240xf32, #tpu.memory_space<vmem_shared>>) offsets(%dma_start3A_47 : memref<128xi32, #tpu.memory_space<vmem>>) semaphore(%run_scoped3A : memref<!tpu.dma_semaphore, #tpu.memory_space<semaphore_mem>>) {add = true}
        %dma_wait3A = arith.constant 0 : i32
        %dma_wait3A_50 = tpu.memref_slice %arg5[%while3A_45, %dma_wait3A] : memref<80x128xi32, #tpu.memory_space<vmem>> -> memref<1x128xi32, #tpu.memory_space<vmem>>
        %dma_wait3A_51 = tpu.memref_squeeze %dma_wait3A_50 : memref<1x128xi32, #tpu.memory_space<vmem>> -> memref<128xi32, #tpu.memory_space<vmem>>
        %dma_wait3A_52 = arith.constant 0 : i32
        %dma_wait3A_53 = tpu.memref_slice %arg8[%dma_wait3A_52] : memref<10240xf32, #tpu.memory_space<vmem_shared>> -> memref<10240xf32, #tpu.memory_space<vmem_shared>>
        tpu.wait_indirect_dma semaphore(%run_scoped3A : memref<!tpu.dma_semaphore, #tpu.memory_space<semaphore_mem>>) src(%arg7 : memref<128xf32, #tpu.memory_space<vmem>>) dst(%dma_wait3A_53 : memref<10240xf32, #tpu.memory_space<vmem_shared>>)
        tpu.yield
      }) : () -> ()
    }
    %barrier3A_37 = arith.constant 0 : index
    tpu.barrier barrier_id(%barrier3A_37)
    %eq3A = arith.constant 0 : i32
    %eq3A_38 = arith.cmpi eq, %arg0, %eq3A : i32
    %convert_element_type3A = arith.extui %eq3A_38 : i1 to i32
    %cond3A = arith.constant 0 : i32
    %cond3A_39 = arith.cmpi ne, %convert_element_type3A, %cond3A : i32
    scf.if %cond3A_39 {
      "tpu.region"() ({
        %run_scoped3A = tpu.sem_alloc : memref<!tpu.dma_semaphore, #tpu.memory_space<semaphore_mem>>
        %dma_start3A = tpu.memref_slice %arg3[%mul3A_23] : memref<10240xf32, #tpu.memory_space<hbm>> -> memref<640xf32, #tpu.memory_space<hbm>>
        %dma_start3A_45 = tpu.memref_slice %arg8[%mul3A_23] : memref<10240xf32, #tpu.memory_space<vmem_shared>> -> memref<640xf32, #tpu.memory_space<vmem_shared>>
        tpu.enqueue_dma source(%dma_start3A_45 : memref<640xf32, #tpu.memory_space<vmem_shared>>) target(%dma_start3A : memref<640xf32, #tpu.memory_space<hbm>>) target_semaphore(%run_scoped3A : memref<!tpu.dma_semaphore, #tpu.memory_space<semaphore_mem>>)
        %dma_wait3A = tpu.memref_slice %arg3[%mul3A_23] : memref<10240xf32, #tpu.memory_space<hbm>> -> memref<640xf32, #tpu.memory_space<hbm>>
        %dma_wait3A_46 = tpu.memref_slice %arg8[%mul3A_23] : memref<10240xf32, #tpu.memory_space<vmem_shared>> -> memref<640xf32, #tpu.memory_space<vmem_shared>>
        tpu.wait_dma2 semaphore(%run_scoped3A : memref<!tpu.dma_semaphore, #tpu.memory_space<semaphore_mem>>) src(%dma_wait3A_46 : memref<640xf32, #tpu.memory_space<vmem_shared>>) dst(%dma_wait3A : memref<640xf32, #tpu.memory_space<hbm>>)
        tpu.yield
      }) : () -> ()
    } else {
    }
    %eq3A_40 = arith.constant 1 : i32
    %eq3A_41 = arith.cmpi eq, %arg0, %eq3A_40 : i32
    %convert_element_type3A_42 = arith.extui %eq3A_41 : i1 to i32
    %cond3A_43 = arith.constant 0 : i32
    %cond3A_44 = arith.cmpi ne, %convert_element_type3A_42, %cond3A_43 : i32
    scf.if %cond3A_44 {
      "tpu.region"() ({
        %run_scoped3A = tpu.sem_alloc : memref<!tpu.dma_semaphore, #tpu.memory_space<semaphore_mem>>
        %dma_start3A = tpu.memref_slice %arg4[%mul3A_23] : memref<10240xf32, #tpu.memory_space<hbm>> -> memref<640xf32, #tpu.memory_space<hbm>>
        %dma_start3A_45 = tpu.memref_slice %arg8[%mul3A_23] : memref<10240xf32, #tpu.memory_space<vmem_shared>> -> memref<640xf32, #tpu.memory_space<vmem_shared>>
        tpu.enqueue_dma source(%dma_start3A_45 : memref<640xf32, #tpu.memory_space<vmem_shared>>) target(%dma_start3A : memref<640xf32, #tpu.memory_space<hbm>>) target_semaphore(%run_scoped3A : memref<!tpu.dma_semaphore, #tpu.memory_space<semaphore_mem>>)
        %dma_wait3A = tpu.memref_slice %arg4[%mul3A_23] : memref<10240xf32, #tpu.memory_space<hbm>> -> memref<640xf32, #tpu.memory_space<hbm>>
        %dma_wait3A_46 = tpu.memref_slice %arg8[%mul3A_23] : memref<10240xf32, #tpu.memory_space<vmem_shared>> -> memref<640xf32, #tpu.memory_space<vmem_shared>>
        tpu.wait_dma2 semaphore(%run_scoped3A : memref<!tpu.dma_semaphore, #tpu.memory_space<semaphore_mem>>) src(%dma_wait3A_46 : memref<640xf32, #tpu.memory_space<vmem_shared>>) dst(%dma_wait3A : memref<640xf32, #tpu.memory_space<hbm>>)
        tpu.yield
      }) : () -> ()
    } else {
    }
    return
  }
}

#map = affine_map<(d0, d1) -> (0, 0)>
module attributes {stable_mosaic.version = 14 : i64} {
  func.func @_agg_body(%arg0: i32, %arg1: i32, %arg2: memref<10240x128xf32, #tpu.memory_space<hbm>>, %arg3: memref<2560x128xi32, #tpu.memory_space<hbm>>, %arg4: memref<2560x128xi32, #tpu.memory_space<hbm>>, %arg5: memref<10240x128xf32, #tpu.memory_space<hbm>>, %arg6: memref<10240x128xf32, #tpu.memory_space<hbm>>, %arg7: memref<2x16x128xi32, #tpu.memory_space<vmem>>, %arg8: memref<2x16x128xi32, #tpu.memory_space<vmem>>, %arg9: memref<2x128x128xf32, #tpu.memory_space<vmem>>, %arg10: memref<10240x128xf32, #tpu.memory_space<vmem_shared>>, %arg11: memref<2x!tpu.dma_semaphore, #tpu.memory_space<semaphore_mem>>, %arg12: memref<!tpu.dma_semaphore, #tpu.memory_space<semaphore_mem>>) attributes {dimension_semantics = [#tpu.dimension_semantics<core_parallel>, #tpu.dimension_semantics<subcore_parallel>], iteration_bounds = array<i64: 2, 16>, scalar_prefetch = 0 : i64, scratch_operands = 6 : i64, tpu.core_type = #tpu.core_type<sc_vector_subcore>, window_params = [{transform_indices = #map}, {transform_indices = #map}, {transform_indices = #map}, {transform_indices = #map}, {transform_indices = #map}]} {
    %mul3A = arith.constant 16 : i32
    %mul3A_0 = arith.muli %arg0, %mul3A : i32
    %add3A = arith.addi %mul3A_0, %arg1 : i32
    %mul3A_1 = arith.constant 80 : i32
    %mul3A_2 = arith.muli %add3A, %mul3A_1 : i32
    %mul3A_3 = arith.constant 640 : i32
    %mul3A_4 = arith.muli %arg1, %mul3A_3 : i32
    %eq3A = arith.constant 0 : i32
    %eq3A_5 = arith.cmpi eq, %arg0, %eq3A : i32
    %convert_element_type3A = arith.extui %eq3A_5 : i1 to i32
    %cond3A = arith.constant 0 : i32
    %cond3A_6 = arith.cmpi ne, %convert_element_type3A, %cond3A : i32
    scf.if %cond3A_6 {
      "tpu.region"() ({
        %run_scoped3A_49 = tpu.sem_alloc : memref<!tpu.dma_semaphore, #tpu.memory_space<semaphore_mem>>
        %dma_start3A_50 = arith.constant 0 : i32
        %dma_start3A_51 = tpu.memref_slice %arg10[%mul3A_4, %dma_start3A_50] : memref<10240x128xf32, #tpu.memory_space<vmem_shared>> -> memref<640x128xf32, #tpu.memory_space<vmem_shared>>
        %dma_start3A_52 = arith.constant 0 : i32
        %dma_start3A_53 = tpu.memref_slice %arg2[%mul3A_4, %dma_start3A_52] : memref<10240x128xf32, #tpu.memory_space<hbm>> -> memref<640x128xf32, #tpu.memory_space<hbm>>
        tpu.enqueue_dma source(%dma_start3A_53 : memref<640x128xf32, #tpu.memory_space<hbm>>) target(%dma_start3A_51 : memref<640x128xf32, #tpu.memory_space<vmem_shared>>) target_semaphore(%run_scoped3A_49 : memref<!tpu.dma_semaphore, #tpu.memory_space<semaphore_mem>>)
        %dma_wait3A = arith.constant 0 : i32
        %dma_wait3A_54 = tpu.memref_slice %arg10[%mul3A_4, %dma_wait3A] : memref<10240x128xf32, #tpu.memory_space<vmem_shared>> -> memref<640x128xf32, #tpu.memory_space<vmem_shared>>
        %dma_wait3A_55 = arith.constant 0 : i32
        %dma_wait3A_56 = tpu.memref_slice %arg2[%mul3A_4, %dma_wait3A_55] : memref<10240x128xf32, #tpu.memory_space<hbm>> -> memref<640x128xf32, #tpu.memory_space<hbm>>
        tpu.wait_dma2 semaphore(%run_scoped3A_49 : memref<!tpu.dma_semaphore, #tpu.memory_space<semaphore_mem>>) src(%dma_wait3A_56 : memref<640x128xf32, #tpu.memory_space<hbm>>) dst(%dma_wait3A_54 : memref<640x128xf32, #tpu.memory_space<vmem_shared>>)
        tpu.yield
      }) : () -> ()
    } else {
    }
    %eq3A_7 = arith.constant 1 : i32
    %eq3A_8 = arith.cmpi eq, %arg0, %eq3A_7 : i32
    %convert_element_type3A_9 = arith.extui %eq3A_8 : i1 to i32
    %cond3A_10 = arith.constant 0 : i32
    %cond3A_11 = arith.cmpi ne, %convert_element_type3A_9, %cond3A_10 : i32
    scf.if %cond3A_11 {
      %while3A_49 = arith.constant 0 : i32
      %while3A_50 = arith.constant 0 : i32
      %while3A_51 = arith.constant 128 : i32
      %while3A_52 = arith.subi %while3A_51, %while3A_50 : i32
      %while3A_53 = arith.addi %while3A_50, %while3A_52 : i32
      %while3A_54 = arith.constant 1 : i32
      %while3A_55 = arith.divsi %while3A_52, %while3A_54 : i32
      %while3A_56 = arith.muli %while3A_55, %while3A_54 : i32
      %while3A_57 = arith.addi %while3A_50, %while3A_56 : i32
      %while3A_58 = arith.constant 1 : i32
      scf.for %while3A_85 = %while3A_50 to %while3A_57 step %while3A_58  : i32 {
        %broadcast_in_dim3A = arith.constant 0.000000e+00 : f32
        %broadcast_in_dim3A_86 = vector.broadcast %broadcast_in_dim3A : f32 to vector<16xf32>
        %swap3A = arith.constant 0 : i32
        %swap3A_87 = arith.constant 0 : i32
        %swap3A_88 = arith.index_cast %swap3A : i32 to index
        %swap3A_89 = arith.index_cast %while3A_85 : i32 to index
        %swap3A_90 = arith.index_cast %swap3A_87 : i32 to index
        %swap3A_91 = tpu.vector_load %arg9[%swap3A_88, %swap3A_89, %swap3A_90] {strides = array<i32>} : memref<2x128x128xf32, #tpu.memory_space<vmem>>, vector<1x1x16xf32>,
        %swap3A_92 = vector.shape_cast %swap3A_91 : vector<1x1x16xf32> to vector<16xf32>
        %swap3A_93 = vector.shape_cast %broadcast_in_dim3A_86 : vector<16xf32> to vector<1x1x16xf32>
        tpu.vector_store %arg9[%swap3A_88, %swap3A_89, %swap3A_90], %swap3A_93 {strides = array<i32>} : memref<2x128x128xf32, #tpu.memory_space<vmem>>, vector<1x1x16xf32>,
        %broadcast_in_dim3A_94 = arith.constant 0.000000e+00 : f32
        %broadcast_in_dim3A_95 = vector.broadcast %broadcast_in_dim3A_94 : f32 to vector<16xf32>
        %swap3A_96 = arith.constant 0 : i32
        %swap3A_97 = arith.constant 16 : i32
        %swap3A_98 = arith.index_cast %swap3A_96 : i32 to index
        %swap3A_99 = arith.index_cast %while3A_85 : i32 to index
        %swap3A_100 = arith.index_cast %swap3A_97 : i32 to index
        %swap3A_101 = tpu.vector_load %arg9[%swap3A_98, %swap3A_99, %swap3A_100] {strides = array<i32>} : memref<2x128x128xf32, #tpu.memory_space<vmem>>, vector<1x1x16xf32>,
        %swap3A_102 = vector.shape_cast %swap3A_101 : vector<1x1x16xf32> to vector<16xf32>
        %swap3A_103 = vector.shape_cast %broadcast_in_dim3A_95 : vector<16xf32> to vector<1x1x16xf32>
        tpu.vector_store %arg9[%swap3A_98, %swap3A_99, %swap3A_100], %swap3A_103 {strides = array<i32>} : memref<2x128x128xf32, #tpu.memory_space<vmem>>, vector<1x1x16xf32>,
        %broadcast_in_dim3A_104 = arith.constant 0.000000e+00 : f32
        %broadcast_in_dim3A_105 = vector.broadcast %broadcast_in_dim3A_104 : f32 to vector<16xf32>
        %swap3A_106 = arith.constant 0 : i32
        %swap3A_107 = arith.constant 32 : i32
        %swap3A_108 = arith.index_cast %swap3A_106 : i32 to index
        %swap3A_109 = arith.index_cast %while3A_85 : i32 to index
        %swap3A_110 = arith.index_cast %swap3A_107 : i32 to index
        %swap3A_111 = tpu.vector_load %arg9[%swap3A_108, %swap3A_109, %swap3A_110] {strides = array<i32>} : memref<2x128x128xf32, #tpu.memory_space<vmem>>, vector<1x1x16xf32>,
        %swap3A_112 = vector.shape_cast %swap3A_111 : vector<1x1x16xf32> to vector<16xf32>
        %swap3A_113 = vector.shape_cast %broadcast_in_dim3A_105 : vector<16xf32> to vector<1x1x16xf32>
        tpu.vector_store %arg9[%swap3A_108, %swap3A_109, %swap3A_110], %swap3A_113 {strides = array<i32>} : memref<2x128x128xf32, #tpu.memory_space<vmem>>, vector<1x1x16xf32>,
        %broadcast_in_dim3A_114 = arith.constant 0.000000e+00 : f32
        %broadcast_in_dim3A_115 = vector.broadcast %broadcast_in_dim3A_114 : f32 to vector<16xf32>
        %swap3A_116 = arith.constant 0 : i32
        %swap3A_117 = arith.constant 48 : i32
        %swap3A_118 = arith.index_cast %swap3A_116 : i32 to index
        %swap3A_119 = arith.index_cast %while3A_85 : i32 to index
        %swap3A_120 = arith.index_cast %swap3A_117 : i32 to index
        %swap3A_121 = tpu.vector_load %arg9[%swap3A_118, %swap3A_119, %swap3A_120] {strides = array<i32>} : memref<2x128x128xf32, #tpu.memory_space<vmem>>, vector<1x1x16xf32>,
        %swap3A_122 = vector.shape_cast %swap3A_121 : vector<1x1x16xf32> to vector<16xf32>
        %swap3A_123 = vector.shape_cast %broadcast_in_dim3A_115 : vector<16xf32> to vector<1x1x16xf32>
        tpu.vector_store %arg9[%swap3A_118, %swap3A_119, %swap3A_120], %swap3A_123 {strides = array<i32>} : memref<2x128x128xf32, #tpu.memory_space<vmem>>, vector<1x1x16xf32>,
        %broadcast_in_dim3A_124 = arith.constant 0.000000e+00 : f32
        %broadcast_in_dim3A_125 = vector.broadcast %broadcast_in_dim3A_124 : f32 to vector<16xf32>
        %swap3A_126 = arith.constant 0 : i32
        %swap3A_127 = arith.constant 64 : i32
        %swap3A_128 = arith.index_cast %swap3A_126 : i32 to index
        %swap3A_129 = arith.index_cast %while3A_85 : i32 to index
        %swap3A_130 = arith.index_cast %swap3A_127 : i32 to index
        %swap3A_131 = tpu.vector_load %arg9[%swap3A_128, %swap3A_129, %swap3A_130] {strides = array<i32>} : memref<2x128x128xf32, #tpu.memory_space<vmem>>, vector<1x1x16xf32>,
        %swap3A_132 = vector.shape_cast %swap3A_131 : vector<1x1x16xf32> to vector<16xf32>
        %swap3A_133 = vector.shape_cast %broadcast_in_dim3A_125 : vector<16xf32> to vector<1x1x16xf32>
        tpu.vector_store %arg9[%swap3A_128, %swap3A_129, %swap3A_130], %swap3A_133 {strides = array<i32>} : memref<2x128x128xf32, #tpu.memory_space<vmem>>, vector<1x1x16xf32>,
        %broadcast_in_dim3A_134 = arith.constant 0.000000e+00 : f32
        %broadcast_in_dim3A_135 = vector.broadcast %broadcast_in_dim3A_134 : f32 to vector<16xf32>
        %swap3A_136 = arith.constant 0 : i32
        %swap3A_137 = arith.constant 80 : i32
        %swap3A_138 = arith.index_cast %swap3A_136 : i32 to index
        %swap3A_139 = arith.index_cast %while3A_85 : i32 to index
        %swap3A_140 = arith.index_cast %swap3A_137 : i32 to index
        %swap3A_141 = tpu.vector_load %arg9[%swap3A_138, %swap3A_139, %swap3A_140] {strides = array<i32>} : memref<2x128x128xf32, #tpu.memory_space<vmem>>, vector<1x1x16xf32>,
        %swap3A_142 = vector.shape_cast %swap3A_141 : vector<1x1x16xf32> to vector<16xf32>
        %swap3A_143 = vector.shape_cast %broadcast_in_dim3A_135 : vector<16xf32> to vector<1x1x16xf32>
        tpu.vector_store %arg9[%swap3A_138, %swap3A_139, %swap3A_140], %swap3A_143 {strides = array<i32>} : memref<2x128x128xf32, #tpu.memory_space<vmem>>, vector<1x1x16xf32>,
        %broadcast_in_dim3A_144 = arith.constant 0.000000e+00 : f32
        %broadcast_in_dim3A_145 = vector.broadcast %broadcast_in_dim3A_144 : f32 to vector<16xf32>
        %swap3A_146 = arith.constant 0 : i32
        %swap3A_147 = arith.constant 96 : i32
        %swap3A_148 = arith.index_cast %swap3A_146 : i32 to index
        %swap3A_149 = arith.index_cast %while3A_85 : i32 to index
        %swap3A_150 = arith.index_cast %swap3A_147 : i32 to index
        %swap3A_151 = tpu.vector_load %arg9[%swap3A_148, %swap3A_149, %swap3A_150] {strides = array<i32>} : memref<2x128x128xf32, #tpu.memory_space<vmem>>, vector<1x1x16xf32>,
        %swap3A_152 = vector.shape_cast %swap3A_151 : vector<1x1x16xf32> to vector<16xf32>
        %swap3A_153 = vector.shape_cast %broadcast_in_dim3A_145 : vector<16xf32> to vector<1x1x16xf32>
        tpu.vector_store %arg9[%swap3A_148, %swap3A_149, %swap3A_150], %swap3A_153 {strides = array<i32>} : memref<2x128x128xf32, #tpu.memory_space<vmem>>, vector<1x1x16xf32>,
        %broadcast_in_dim3A_154 = arith.constant 0.000000e+00 : f32
        %broadcast_in_dim3A_155 = vector.broadcast %broadcast_in_dim3A_154 : f32 to vector<16xf32>
        %swap3A_156 = arith.constant 0 : i32
        %swap3A_157 = arith.constant 112 : i32
        %swap3A_158 = arith.index_cast %swap3A_156 : i32 to index
        %swap3A_159 = arith.index_cast %while3A_85 : i32 to index
        %swap3A_160 = arith.index_cast %swap3A_157 : i32 to index
        %swap3A_161 = tpu.vector_load %arg9[%swap3A_158, %swap3A_159, %swap3A_160] {strides = array<i32>} : memref<2x128x128xf32, #tpu.memory_space<vmem>>, vector<1x1x16xf32>,
        %swap3A_162 = vector.shape_cast %swap3A_161 : vector<1x1x16xf32> to vector<16xf32>
        %swap3A_163 = vector.shape_cast %broadcast_in_dim3A_155 : vector<16xf32> to vector<1x1x16xf32>
        tpu.vector_store %arg9[%swap3A_158, %swap3A_159, %swap3A_160], %swap3A_163 {strides = array<i32>} : memref<2x128x128xf32, #tpu.memory_space<vmem>>, vector<1x1x16xf32>,
      }
      %while3A_59 = arith.constant 1 : i32
      scf.for %while3A_85 = %while3A_57 to %while3A_53 step %while3A_59  : i32 {
        %broadcast_in_dim3A = arith.constant 0.000000e+00 : f32
        %broadcast_in_dim3A_86 = vector.broadcast %broadcast_in_dim3A : f32 to vector<16xf32>
        %swap3A = arith.constant 0 : i32
        %swap3A_87 = arith.constant 0 : i32
        %swap3A_88 = arith.index_cast %swap3A : i32 to index
        %swap3A_89 = arith.index_cast %while3A_85 : i32 to index
        %swap3A_90 = arith.index_cast %swap3A_87 : i32 to index
        %swap3A_91 = tpu.vector_load %arg9[%swap3A_88, %swap3A_89, %swap3A_90] {strides = array<i32>} : memref<2x128x128xf32, #tpu.memory_space<vmem>>, vector<1x1x16xf32>,
        %swap3A_92 = vector.shape_cast %swap3A_91 : vector<1x1x16xf32> to vector<16xf32>
        %swap3A_93 = vector.shape_cast %broadcast_in_dim3A_86 : vector<16xf32> to vector<1x1x16xf32>
        tpu.vector_store %arg9[%swap3A_88, %swap3A_89, %swap3A_90], %swap3A_93 {strides = array<i32>} : memref<2x128x128xf32, #tpu.memory_space<vmem>>, vector<1x1x16xf32>,
        %broadcast_in_dim3A_94 = arith.constant 0.000000e+00 : f32
        %broadcast_in_dim3A_95 = vector.broadcast %broadcast_in_dim3A_94 : f32 to vector<16xf32>
        %swap3A_96 = arith.constant 0 : i32
        %swap3A_97 = arith.constant 16 : i32
        %swap3A_98 = arith.index_cast %swap3A_96 : i32 to index
        %swap3A_99 = arith.index_cast %while3A_85 : i32 to index
        %swap3A_100 = arith.index_cast %swap3A_97 : i32 to index
        %swap3A_101 = tpu.vector_load %arg9[%swap3A_98, %swap3A_99, %swap3A_100] {strides = array<i32>} : memref<2x128x128xf32, #tpu.memory_space<vmem>>, vector<1x1x16xf32>,
        %swap3A_102 = vector.shape_cast %swap3A_101 : vector<1x1x16xf32> to vector<16xf32>
        %swap3A_103 = vector.shape_cast %broadcast_in_dim3A_95 : vector<16xf32> to vector<1x1x16xf32>
        tpu.vector_store %arg9[%swap3A_98, %swap3A_99, %swap3A_100], %swap3A_103 {strides = array<i32>} : memref<2x128x128xf32, #tpu.memory_space<vmem>>, vector<1x1x16xf32>,
        %broadcast_in_dim3A_104 = arith.constant 0.000000e+00 : f32
        %broadcast_in_dim3A_105 = vector.broadcast %broadcast_in_dim3A_104 : f32 to vector<16xf32>
        %swap3A_106 = arith.constant 0 : i32
        %swap3A_107 = arith.constant 32 : i32
        %swap3A_108 = arith.index_cast %swap3A_106 : i32 to index
        %swap3A_109 = arith.index_cast %while3A_85 : i32 to index
        %swap3A_110 = arith.index_cast %swap3A_107 : i32 to index
        %swap3A_111 = tpu.vector_load %arg9[%swap3A_108, %swap3A_109, %swap3A_110] {strides = array<i32>} : memref<2x128x128xf32, #tpu.memory_space<vmem>>, vector<1x1x16xf32>,
        %swap3A_112 = vector.shape_cast %swap3A_111 : vector<1x1x16xf32> to vector<16xf32>
        %swap3A_113 = vector.shape_cast %broadcast_in_dim3A_105 : vector<16xf32> to vector<1x1x16xf32>
        tpu.vector_store %arg9[%swap3A_108, %swap3A_109, %swap3A_110], %swap3A_113 {strides = array<i32>} : memref<2x128x128xf32, #tpu.memory_space<vmem>>, vector<1x1x16xf32>,
        %broadcast_in_dim3A_114 = arith.constant 0.000000e+00 : f32
        %broadcast_in_dim3A_115 = vector.broadcast %broadcast_in_dim3A_114 : f32 to vector<16xf32>
        %swap3A_116 = arith.constant 0 : i32
        %swap3A_117 = arith.constant 48 : i32
        %swap3A_118 = arith.index_cast %swap3A_116 : i32 to index
        %swap3A_119 = arith.index_cast %while3A_85 : i32 to index
        %swap3A_120 = arith.index_cast %swap3A_117 : i32 to index
        %swap3A_121 = tpu.vector_load %arg9[%swap3A_118, %swap3A_119, %swap3A_120] {strides = array<i32>} : memref<2x128x128xf32, #tpu.memory_space<vmem>>, vector<1x1x16xf32>,
        %swap3A_122 = vector.shape_cast %swap3A_121 : vector<1x1x16xf32> to vector<16xf32>
        %swap3A_123 = vector.shape_cast %broadcast_in_dim3A_115 : vector<16xf32> to vector<1x1x16xf32>
        tpu.vector_store %arg9[%swap3A_118, %swap3A_119, %swap3A_120], %swap3A_123 {strides = array<i32>} : memref<2x128x128xf32, #tpu.memory_space<vmem>>, vector<1x1x16xf32>,
        %broadcast_in_dim3A_124 = arith.constant 0.000000e+00 : f32
        %broadcast_in_dim3A_125 = vector.broadcast %broadcast_in_dim3A_124 : f32 to vector<16xf32>
        %swap3A_126 = arith.constant 0 : i32
        %swap3A_127 = arith.constant 64 : i32
        %swap3A_128 = arith.index_cast %swap3A_126 : i32 to index
        %swap3A_129 = arith.index_cast %while3A_85 : i32 to index
        %swap3A_130 = arith.index_cast %swap3A_127 : i32 to index
        %swap3A_131 = tpu.vector_load %arg9[%swap3A_128, %swap3A_129, %swap3A_130] {strides = array<i32>} : memref<2x128x128xf32, #tpu.memory_space<vmem>>, vector<1x1x16xf32>,
        %swap3A_132 = vector.shape_cast %swap3A_131 : vector<1x1x16xf32> to vector<16xf32>
        %swap3A_133 = vector.shape_cast %broadcast_in_dim3A_125 : vector<16xf32> to vector<1x1x16xf32>
        tpu.vector_store %arg9[%swap3A_128, %swap3A_129, %swap3A_130], %swap3A_133 {strides = array<i32>} : memref<2x128x128xf32, #tpu.memory_space<vmem>>, vector<1x1x16xf32>,
        %broadcast_in_dim3A_134 = arith.constant 0.000000e+00 : f32
        %broadcast_in_dim3A_135 = vector.broadcast %broadcast_in_dim3A_134 : f32 to vector<16xf32>
        %swap3A_136 = arith.constant 0 : i32
        %swap3A_137 = arith.constant 80 : i32
        %swap3A_138 = arith.index_cast %swap3A_136 : i32 to index
        %swap3A_139 = arith.index_cast %while3A_85 : i32 to index
        %swap3A_140 = arith.index_cast %swap3A_137 : i32 to index
        %swap3A_141 = tpu.vector_load %arg9[%swap3A_138, %swap3A_139, %swap3A_140] {strides = array<i32>} : memref<2x128x128xf32, #tpu.memory_space<vmem>>, vector<1x1x16xf32>,
        %swap3A_142 = vector.shape_cast %swap3A_141 : vector<1x1x16xf32> to vector<16xf32>
        %swap3A_143 = vector.shape_cast %broadcast_in_dim3A_135 : vector<16xf32> to vector<1x1x16xf32>
        tpu.vector_store %arg9[%swap3A_138, %swap3A_139, %swap3A_140], %swap3A_143 {strides = array<i32>} : memref<2x128x128xf32, #tpu.memory_space<vmem>>, vector<1x1x16xf32>,
        %broadcast_in_dim3A_144 = arith.constant 0.000000e+00 : f32
        %broadcast_in_dim3A_145 = vector.broadcast %broadcast_in_dim3A_144 : f32 to vector<16xf32>
        %swap3A_146 = arith.constant 0 : i32
        %swap3A_147 = arith.constant 96 : i32
        %swap3A_148 = arith.index_cast %swap3A_146 : i32 to index
        %swap3A_149 = arith.index_cast %while3A_85 : i32 to index
        %swap3A_150 = arith.index_cast %swap3A_147 : i32 to index
        %swap3A_151 = tpu.vector_load %arg9[%swap3A_148, %swap3A_149, %swap3A_150] {strides = array<i32>} : memref<2x128x128xf32, #tpu.memory_space<vmem>>, vector<1x1x16xf32>,
        %swap3A_152 = vector.shape_cast %swap3A_151 : vector<1x1x16xf32> to vector<16xf32>
        %swap3A_153 = vector.shape_cast %broadcast_in_dim3A_145 : vector<16xf32> to vector<1x1x16xf32>
        tpu.vector_store %arg9[%swap3A_148, %swap3A_149, %swap3A_150], %swap3A_153 {strides = array<i32>} : memref<2x128x128xf32, #tpu.memory_space<vmem>>, vector<1x1x16xf32>,
        %broadcast_in_dim3A_154 = arith.constant 0.000000e+00 : f32
        %broadcast_in_dim3A_155 = vector.broadcast %broadcast_in_dim3A_154 : f32 to vector<16xf32>
        %swap3A_156 = arith.constant 0 : i32
        %swap3A_157 = arith.constant 112 : i32
        %swap3A_158 = arith.index_cast %swap3A_156 : i32 to index
        %swap3A_159 = arith.index_cast %while3A_85 : i32 to index
        %swap3A_160 = arith.index_cast %swap3A_157 : i32 to index
        %swap3A_161 = tpu.vector_load %arg9[%swap3A_158, %swap3A_159, %swap3A_160] {strides = array<i32>} : memref<2x128x128xf32, #tpu.memory_space<vmem>>, vector<1x1x16xf32>,
        %swap3A_162 = vector.shape_cast %swap3A_161 : vector<1x1x16xf32> to vector<16xf32>
        %swap3A_163 = vector.shape_cast %broadcast_in_dim3A_155 : vector<16xf32> to vector<1x1x16xf32>
        tpu.vector_store %arg9[%swap3A_158, %swap3A_159, %swap3A_160], %swap3A_163 {strides = array<i32>} : memref<2x128x128xf32, #tpu.memory_space<vmem>>, vector<1x1x16xf32>,
      }
      %mul3A_60 = arith.constant 640 : i32
      %mul3A_61 = arith.muli %arg1, %mul3A_60 : i32
      %add3A_62 = arith.constant 0 : i32
      %add3A_63 = arith.addi %mul3A_61, %add3A_62 : i32
      %run_scoped3A_64 = arith.constant 0 : i32
      "tpu.region"() ({
        %run_scoped3A_85 = tpu.sem_alloc : memref<!tpu.dma_semaphore, #tpu.memory_space<semaphore_mem>>
        %dma_start3A_86 = arith.constant 0 : i32
        %dma_start3A_87 = arith.constant 0 : i32
        %dma_start3A_88 = tpu.memref_slice %arg9[%run_scoped3A_64, %dma_start3A_86, %dma_start3A_87] : memref<2x128x128xf32, #tpu.memory_space<vmem>> -> memref<1x128x128xf32, #tpu.memory_space<vmem>>
        %dma_start3A_89 = tpu.memref_squeeze %dma_start3A_88 : memref<1x128x128xf32, #tpu.memory_space<vmem>> -> memref<128x128xf32, #tpu.memory_space<vmem>>
        %dma_start3A_90 = arith.constant 0 : i32
        %dma_start3A_91 = tpu.memref_slice %arg10[%add3A_63, %dma_start3A_90] : memref<10240x128xf32, #tpu.memory_space<vmem_shared>> -> memref<128x128xf32, #tpu.memory_space<vmem_shared>>
        %dma_start3A_92 = arith.constant 0 : i32
        %dma_start3A_93 = tpu.memref_slice %arg10[%add3A_63, %dma_start3A_92] : memref<10240x128xf32, #tpu.memory_space<vmem_shared>> -> memref<128x128xf32, #tpu.memory_space<vmem_shared>>
        %dma_start3A_94 = arith.constant 0 : i32
        %dma_start3A_95 = arith.constant 0 : i32
        %dma_start3A_96 = tpu.memref_slice %arg9[%run_scoped3A_64, %dma_start3A_94, %dma_start3A_95] : memref<2x128x128xf32, #tpu.memory_space<vmem>> -> memref<1x128x128xf32, #tpu.memory_space<vmem>>
        %dma_start3A_97 = tpu.memref_squeeze %dma_start3A_96 : memref<1x128x128xf32, #tpu.memory_space<vmem>> -> memref<128x128xf32, #tpu.memory_space<vmem>>
        tpu.enqueue_dma source(%dma_start3A_97 : memref<128x128xf32, #tpu.memory_space<vmem>>) target(%dma_start3A_93 : memref<128x128xf32, #tpu.memory_space<vmem_shared>>) target_semaphore(%run_scoped3A_85 : memref<!tpu.dma_semaphore, #tpu.memory_space<semaphore_mem>>)
        %dma_wait3A = arith.constant 0 : i32
        %dma_wait3A_98 = arith.constant 0 : i32
        %dma_wait3A_99 = tpu.memref_slice %arg9[%run_scoped3A_64, %dma_wait3A, %dma_wait3A_98] : memref<2x128x128xf32, #tpu.memory_space<vmem>> -> memref<1x128x128xf32, #tpu.memory_space<vmem>>
        %dma_wait3A_100 = tpu.memref_squeeze %dma_wait3A_99 : memref<1x128x128xf32, #tpu.memory_space<vmem>> -> memref<128x128xf32, #tpu.memory_space<vmem>>
        %dma_wait3A_101 = arith.constant 0 : i32
        %dma_wait3A_102 = tpu.memref_slice %arg10[%add3A_63, %dma_wait3A_101] : memref<10240x128xf32, #tpu.memory_space<vmem_shared>> -> memref<128x128xf32, #tpu.memory_space<vmem_shared>>
        %dma_wait3A_103 = arith.constant 0 : i32
        %dma_wait3A_104 = tpu.memref_slice %arg10[%add3A_63, %dma_wait3A_103] : memref<10240x128xf32, #tpu.memory_space<vmem_shared>> -> memref<128x128xf32, #tpu.memory_space<vmem_shared>>
        %dma_wait3A_105 = arith.constant 0 : i32
        %dma_wait3A_106 = arith.constant 0 : i32
        %dma_wait3A_107 = tpu.memref_slice %arg9[%run_scoped3A_64, %dma_wait3A_105, %dma_wait3A_106] : memref<2x128x128xf32, #tpu.memory_space<vmem>> -> memref<1x128x128xf32, #tpu.memory_space<vmem>>
        %dma_wait3A_108 = tpu.memref_squeeze %dma_wait3A_107 : memref<1x128x128xf32, #tpu.memory_space<vmem>> -> memref<128x128xf32, #tpu.memory_space<vmem>>
        tpu.wait_dma2 semaphore(%run_scoped3A_85 : memref<!tpu.dma_semaphore, #tpu.memory_space<semaphore_mem>>) src(%dma_wait3A_108 : memref<128x128xf32, #tpu.memory_space<vmem>>) dst(%dma_wait3A_104 : memref<128x128xf32, #tpu.memory_space<vmem_shared>>)
        tpu.yield
      }) : () -> ()
      %mul3A_65 = arith.constant 640 : i32
      %mul3A_66 = arith.muli %arg1, %mul3A_65 : i32
      %add3A_67 = arith.constant 128 : i32
      %add3A_68 = arith.addi %mul3A_66, %add3A_67 : i32
      %run_scoped3A_69 = arith.constant 0 : i32
      "tpu.region"() ({
        %run_scoped3A_85 = tpu.sem_alloc : memref<!tpu.dma_semaphore, #tpu.memory_space<semaphore_mem>>
        %dma_start3A_86 = arith.constant 0 : i32
        %dma_start3A_87 = arith.constant 0 : i32
        %dma_start3A_88 = tpu.memref_slice %arg9[%run_scoped3A_69, %dma_start3A_86, %dma_start3A_87] : memref<2x128x128xf32, #tpu.memory_space<vmem>> -> memref<1x128x128xf32, #tpu.memory_space<vmem>>
        %dma_start3A_89 = tpu.memref_squeeze %dma_start3A_88 : memref<1x128x128xf32, #tpu.memory_space<vmem>> -> memref<128x128xf32, #tpu.memory_space<vmem>>
        %dma_start3A_90 = arith.constant 0 : i32
        %dma_start3A_91 = tpu.memref_slice %arg10[%add3A_68, %dma_start3A_90] : memref<10240x128xf32, #tpu.memory_space<vmem_shared>> -> memref<128x128xf32, #tpu.memory_space<vmem_shared>>
        %dma_start3A_92 = arith.constant 0 : i32
        %dma_start3A_93 = tpu.memref_slice %arg10[%add3A_68, %dma_start3A_92] : memref<10240x128xf32, #tpu.memory_space<vmem_shared>> -> memref<128x128xf32, #tpu.memory_space<vmem_shared>>
        %dma_start3A_94 = arith.constant 0 : i32
        %dma_start3A_95 = arith.constant 0 : i32
        %dma_start3A_96 = tpu.memref_slice %arg9[%run_scoped3A_69, %dma_start3A_94, %dma_start3A_95] : memref<2x128x128xf32, #tpu.memory_space<vmem>> -> memref<1x128x128xf32, #tpu.memory_space<vmem>>
        %dma_start3A_97 = tpu.memref_squeeze %dma_start3A_96 : memref<1x128x128xf32, #tpu.memory_space<vmem>> -> memref<128x128xf32, #tpu.memory_space<vmem>>
        tpu.enqueue_dma source(%dma_start3A_97 : memref<128x128xf32, #tpu.memory_space<vmem>>) target(%dma_start3A_93 : memref<128x128xf32, #tpu.memory_space<vmem_shared>>) target_semaphore(%run_scoped3A_85 : memref<!tpu.dma_semaphore, #tpu.memory_space<semaphore_mem>>)
        %dma_wait3A = arith.constant 0 : i32
        %dma_wait3A_98 = arith.constant 0 : i32
        %dma_wait3A_99 = tpu.memref_slice %arg9[%run_scoped3A_69, %dma_wait3A, %dma_wait3A_98] : memref<2x128x128xf32, #tpu.memory_space<vmem>> -> memref<1x128x128xf32, #tpu.memory_space<vmem>>
        %dma_wait3A_100 = tpu.memref_squeeze %dma_wait3A_99 : memref<1x128x128xf32, #tpu.memory_space<vmem>> -> memref<128x128xf32, #tpu.memory_space<vmem>>
        %dma_wait3A_101 = arith.constant 0 : i32
        %dma_wait3A_102 = tpu.memref_slice %arg10[%add3A_68, %dma_wait3A_101] : memref<10240x128xf32, #tpu.memory_space<vmem_shared>> -> memref<128x128xf32, #tpu.memory_space<vmem_shared>>
        %dma_wait3A_103 = arith.constant 0 : i32
        %dma_wait3A_104 = tpu.memref_slice %arg10[%add3A_68, %dma_wait3A_103] : memref<10240x128xf32, #tpu.memory_space<vmem_shared>> -> memref<128x128xf32, #tpu.memory_space<vmem_shared>>
        %dma_wait3A_105 = arith.constant 0 : i32
        %dma_wait3A_106 = arith.constant 0 : i32
        %dma_wait3A_107 = tpu.memref_slice %arg9[%run_scoped3A_69, %dma_wait3A_105, %dma_wait3A_106] : memref<2x128x128xf32, #tpu.memory_space<vmem>> -> memref<1x128x128xf32, #tpu.memory_space<vmem>>
        %dma_wait3A_108 = tpu.memref_squeeze %dma_wait3A_107 : memref<1x128x128xf32, #tpu.memory_space<vmem>> -> memref<128x128xf32, #tpu.memory_space<vmem>>
        tpu.wait_dma2 semaphore(%run_scoped3A_85 : memref<!tpu.dma_semaphore, #tpu.memory_space<semaphore_mem>>) src(%dma_wait3A_108 : memref<128x128xf32, #tpu.memory_space<vmem>>) dst(%dma_wait3A_104 : memref<128x128xf32, #tpu.memory_space<vmem_shared>>)
        tpu.yield
      }) : () -> ()
      %mul3A_70 = arith.constant 640 : i32
      %mul3A_71 = arith.muli %arg1, %mul3A_70 : i32
      %add3A_72 = arith.constant 256 : i32
      %add3A_73 = arith.addi %mul3A_71, %add3A_72 : i32
      %run_scoped3A_74 = arith.constant 0 : i32
      "tpu.region"() ({
        %run_scoped3A_85 = tpu.sem_alloc : memref<!tpu.dma_semaphore, #tpu.memory_space<semaphore_mem>>
        %dma_start3A_86 = arith.constant 0 : i32
        %dma_start3A_87 = arith.constant 0 : i32
        %dma_start3A_88 = tpu.memref_slice %arg9[%run_scoped3A_74, %dma_start3A_86, %dma_start3A_87] : memref<2x128x128xf32, #tpu.memory_space<vmem>> -> memref<1x128x128xf32, #tpu.memory_space<vmem>>
        %dma_start3A_89 = tpu.memref_squeeze %dma_start3A_88 : memref<1x128x128xf32, #tpu.memory_space<vmem>> -> memref<128x128xf32, #tpu.memory_space<vmem>>
        %dma_start3A_90 = arith.constant 0 : i32
        %dma_start3A_91 = tpu.memref_slice %arg10[%add3A_73, %dma_start3A_90] : memref<10240x128xf32, #tpu.memory_space<vmem_shared>> -> memref<128x128xf32, #tpu.memory_space<vmem_shared>>
        %dma_start3A_92 = arith.constant 0 : i32
        %dma_start3A_93 = tpu.memref_slice %arg10[%add3A_73, %dma_start3A_92] : memref<10240x128xf32, #tpu.memory_space<vmem_shared>> -> memref<128x128xf32, #tpu.memory_space<vmem_shared>>
        %dma_start3A_94 = arith.constant 0 : i32
        %dma_start3A_95 = arith.constant 0 : i32
        %dma_start3A_96 = tpu.memref_slice %arg9[%run_scoped3A_74, %dma_start3A_94, %dma_start3A_95] : memref<2x128x128xf32, #tpu.memory_space<vmem>> -> memref<1x128x128xf32, #tpu.memory_space<vmem>>
        %dma_start3A_97 = tpu.memref_squeeze %dma_start3A_96 : memref<1x128x128xf32, #tpu.memory_space<vmem>> -> memref<128x128xf32, #tpu.memory_space<vmem>>
        tpu.enqueue_dma source(%dma_start3A_97 : memref<128x128xf32, #tpu.memory_space<vmem>>) target(%dma_start3A_93 : memref<128x128xf32, #tpu.memory_space<vmem_shared>>) target_semaphore(%run_scoped3A_85 : memref<!tpu.dma_semaphore, #tpu.memory_space<semaphore_mem>>)
        %dma_wait3A = arith.constant 0 : i32
        %dma_wait3A_98 = arith.constant 0 : i32
        %dma_wait3A_99 = tpu.memref_slice %arg9[%run_scoped3A_74, %dma_wait3A, %dma_wait3A_98] : memref<2x128x128xf32, #tpu.memory_space<vmem>> -> memref<1x128x128xf32, #tpu.memory_space<vmem>>
        %dma_wait3A_100 = tpu.memref_squeeze %dma_wait3A_99 : memref<1x128x128xf32, #tpu.memory_space<vmem>> -> memref<128x128xf32, #tpu.memory_space<vmem>>
        %dma_wait3A_101 = arith.constant 0 : i32
        %dma_wait3A_102 = tpu.memref_slice %arg10[%add3A_73, %dma_wait3A_101] : memref<10240x128xf32, #tpu.memory_space<vmem_shared>> -> memref<128x128xf32, #tpu.memory_space<vmem_shared>>
        %dma_wait3A_103 = arith.constant 0 : i32
        %dma_wait3A_104 = tpu.memref_slice %arg10[%add3A_73, %dma_wait3A_103] : memref<10240x128xf32, #tpu.memory_space<vmem_shared>> -> memref<128x128xf32, #tpu.memory_space<vmem_shared>>
        %dma_wait3A_105 = arith.constant 0 : i32
        %dma_wait3A_106 = arith.constant 0 : i32
        %dma_wait3A_107 = tpu.memref_slice %arg9[%run_scoped3A_74, %dma_wait3A_105, %dma_wait3A_106] : memref<2x128x128xf32, #tpu.memory_space<vmem>> -> memref<1x128x128xf32, #tpu.memory_space<vmem>>
        %dma_wait3A_108 = tpu.memref_squeeze %dma_wait3A_107 : memref<1x128x128xf32, #tpu.memory_space<vmem>> -> memref<128x128xf32, #tpu.memory_space<vmem>>
        tpu.wait_dma2 semaphore(%run_scoped3A_85 : memref<!tpu.dma_semaphore, #tpu.memory_space<semaphore_mem>>) src(%dma_wait3A_108 : memref<128x128xf32, #tpu.memory_space<vmem>>) dst(%dma_wait3A_104 : memref<128x128xf32, #tpu.memory_space<vmem_shared>>)
        tpu.yield
      }) : () -> ()
      %mul3A_75 = arith.constant 640 : i32
      %mul3A_76 = arith.muli %arg1, %mul3A_75 : i32
      %add3A_77 = arith.constant 384 : i32
      %add3A_78 = arith.addi %mul3A_76, %add3A_77 : i32
      %run_scoped3A_79 = arith.constant 0 : i32
      "tpu.region"() ({
        %run_scoped3A_85 = tpu.sem_alloc : memref<!tpu.dma_semaphore, #tpu.memory_space<semaphore_mem>>
        %dma_start3A_86 = arith.constant 0 : i32
        %dma_start3A_87 = arith.constant 0 : i32
        %dma_start3A_88 = tpu.memref_slice %arg9[%run_scoped3A_79, %dma_start3A_86, %dma_start3A_87] : memref<2x128x128xf32, #tpu.memory_space<vmem>> -> memref<1x128x128xf32, #tpu.memory_space<vmem>>
        %dma_start3A_89 = tpu.memref_squeeze %dma_start3A_88 : memref<1x128x128xf32, #tpu.memory_space<vmem>> -> memref<128x128xf32, #tpu.memory_space<vmem>>
        %dma_start3A_90 = arith.constant 0 : i32
        %dma_start3A_91 = tpu.memref_slice %arg10[%add3A_78, %dma_start3A_90] : memref<10240x128xf32, #tpu.memory_space<vmem_shared>> -> memref<128x128xf32, #tpu.memory_space<vmem_shared>>
        %dma_start3A_92 = arith.constant 0 : i32
        %dma_start3A_93 = tpu.memref_slice %arg10[%add3A_78, %dma_start3A_92] : memref<10240x128xf32, #tpu.memory_space<vmem_shared>> -> memref<128x128xf32, #tpu.memory_space<vmem_shared>>
        %dma_start3A_94 = arith.constant 0 : i32
        %dma_start3A_95 = arith.constant 0 : i32
        %dma_start3A_96 = tpu.memref_slice %arg9[%run_scoped3A_79, %dma_start3A_94, %dma_start3A_95] : memref<2x128x128xf32, #tpu.memory_space<vmem>> -> memref<1x128x128xf32, #tpu.memory_space<vmem>>
        %dma_start3A_97 = tpu.memref_squeeze %dma_start3A_96 : memref<1x128x128xf32, #tpu.memory_space<vmem>> -> memref<128x128xf32, #tpu.memory_space<vmem>>
        tpu.enqueue_dma source(%dma_start3A_97 : memref<128x128xf32, #tpu.memory_space<vmem>>) target(%dma_start3A_93 : memref<128x128xf32, #tpu.memory_space<vmem_shared>>) target_semaphore(%run_scoped3A_85 : memref<!tpu.dma_semaphore, #tpu.memory_space<semaphore_mem>>)
        %dma_wait3A = arith.constant 0 : i32
        %dma_wait3A_98 = arith.constant 0 : i32
        %dma_wait3A_99 = tpu.memref_slice %arg9[%run_scoped3A_79, %dma_wait3A, %dma_wait3A_98] : memref<2x128x128xf32, #tpu.memory_space<vmem>> -> memref<1x128x128xf32, #tpu.memory_space<vmem>>
        %dma_wait3A_100 = tpu.memref_squeeze %dma_wait3A_99 : memref<1x128x128xf32, #tpu.memory_space<vmem>> -> memref<128x128xf32, #tpu.memory_space<vmem>>
        %dma_wait3A_101 = arith.constant 0 : i32
        %dma_wait3A_102 = tpu.memref_slice %arg10[%add3A_78, %dma_wait3A_101] : memref<10240x128xf32, #tpu.memory_space<vmem_shared>> -> memref<128x128xf32, #tpu.memory_space<vmem_shared>>
        %dma_wait3A_103 = arith.constant 0 : i32
        %dma_wait3A_104 = tpu.memref_slice %arg10[%add3A_78, %dma_wait3A_103] : memref<10240x128xf32, #tpu.memory_space<vmem_shared>> -> memref<128x128xf32, #tpu.memory_space<vmem_shared>>
        %dma_wait3A_105 = arith.constant 0 : i32
        %dma_wait3A_106 = arith.constant 0 : i32
        %dma_wait3A_107 = tpu.memref_slice %arg9[%run_scoped3A_79, %dma_wait3A_105, %dma_wait3A_106] : memref<2x128x128xf32, #tpu.memory_space<vmem>> -> memref<1x128x128xf32, #tpu.memory_space<vmem>>
        %dma_wait3A_108 = tpu.memref_squeeze %dma_wait3A_107 : memref<1x128x128xf32, #tpu.memory_space<vmem>> -> memref<128x128xf32, #tpu.memory_space<vmem>>
        tpu.wait_dma2 semaphore(%run_scoped3A_85 : memref<!tpu.dma_semaphore, #tpu.memory_space<semaphore_mem>>) src(%dma_wait3A_108 : memref<128x128xf32, #tpu.memory_space<vmem>>) dst(%dma_wait3A_104 : memref<128x128xf32, #tpu.memory_space<vmem_shared>>)
        tpu.yield
      }) : () -> ()
      %mul3A_80 = arith.constant 640 : i32
      %mul3A_81 = arith.muli %arg1, %mul3A_80 : i32
      %add3A_82 = arith.constant 512 : i32
      %add3A_83 = arith.addi %mul3A_81, %add3A_82 : i32
      %run_scoped3A_84 = arith.constant 0 : i32
      "tpu.region"() ({
        %run_scoped3A_85 = tpu.sem_alloc : memref<!tpu.dma_semaphore, #tpu.memory_space<semaphore_mem>>
        %dma_start3A_86 = arith.constant 0 : i32
        %dma_start3A_87 = arith.constant 0 : i32
        %dma_start3A_88 = tpu.memref_slice %arg9[%run_scoped3A_84, %dma_start3A_86, %dma_start3A_87] : memref<2x128x128xf32, #tpu.memory_space<vmem>> -> memref<1x128x128xf32, #tpu.memory_space<vmem>>
        %dma_start3A_89 = tpu.memref_squeeze %dma_start3A_88 : memref<1x128x128xf32, #tpu.memory_space<vmem>> -> memref<128x128xf32, #tpu.memory_space<vmem>>
        %dma_start3A_90 = arith.constant 0 : i32
        %dma_start3A_91 = tpu.memref_slice %arg10[%add3A_83, %dma_start3A_90] : memref<10240x128xf32, #tpu.memory_space<vmem_shared>> -> memref<128x128xf32, #tpu.memory_space<vmem_shared>>
        %dma_start3A_92 = arith.constant 0 : i32
        %dma_start3A_93 = tpu.memref_slice %arg10[%add3A_83, %dma_start3A_92] : memref<10240x128xf32, #tpu.memory_space<vmem_shared>> -> memref<128x128xf32, #tpu.memory_space<vmem_shared>>
        %dma_start3A_94 = arith.constant 0 : i32
        %dma_start3A_95 = arith.constant 0 : i32
        %dma_start3A_96 = tpu.memref_slice %arg9[%run_scoped3A_84, %dma_start3A_94, %dma_start3A_95] : memref<2x128x128xf32, #tpu.memory_space<vmem>> -> memref<1x128x128xf32, #tpu.memory_space<vmem>>
        %dma_start3A_97 = tpu.memref_squeeze %dma_start3A_96 : memref<1x128x128xf32, #tpu.memory_space<vmem>> -> memref<128x128xf32, #tpu.memory_space<vmem>>
        tpu.enqueue_dma source(%dma_start3A_97 : memref<128x128xf32, #tpu.memory_space<vmem>>) target(%dma_start3A_93 : memref<128x128xf32, #tpu.memory_space<vmem_shared>>) target_semaphore(%run_scoped3A_85 : memref<!tpu.dma_semaphore, #tpu.memory_space<semaphore_mem>>)
        %dma_wait3A = arith.constant 0 : i32
        %dma_wait3A_98 = arith.constant 0 : i32
        %dma_wait3A_99 = tpu.memref_slice %arg9[%run_scoped3A_84, %dma_wait3A, %dma_wait3A_98] : memref<2x128x128xf32, #tpu.memory_space<vmem>> -> memref<1x128x128xf32, #tpu.memory_space<vmem>>
        %dma_wait3A_100 = tpu.memref_squeeze %dma_wait3A_99 : memref<1x128x128xf32, #tpu.memory_space<vmem>> -> memref<128x128xf32, #tpu.memory_space<vmem>>
        %dma_wait3A_101 = arith.constant 0 : i32
        %dma_wait3A_102 = tpu.memref_slice %arg10[%add3A_83, %dma_wait3A_101] : memref<10240x128xf32, #tpu.memory_space<vmem_shared>> -> memref<128x128xf32, #tpu.memory_space<vmem_shared>>
        %dma_wait3A_103 = arith.constant 0 : i32
        %dma_wait3A_104 = tpu.memref_slice %arg10[%add3A_83, %dma_wait3A_103] : memref<10240x128xf32, #tpu.memory_space<vmem_shared>> -> memref<128x128xf32, #tpu.memory_space<vmem_shared>>
        %dma_wait3A_105 = arith.constant 0 : i32
        %dma_wait3A_106 = arith.constant 0 : i32
        %dma_wait3A_107 = tpu.memref_slice %arg9[%run_scoped3A_84, %dma_wait3A_105, %dma_wait3A_106] : memref<2x128x128xf32, #tpu.memory_space<vmem>> -> memref<1x128x128xf32, #tpu.memory_space<vmem>>
        %dma_wait3A_108 = tpu.memref_squeeze %dma_wait3A_107 : memref<1x128x128xf32, #tpu.memory_space<vmem>> -> memref<128x128xf32, #tpu.memory_space<vmem>>
        tpu.wait_dma2 semaphore(%run_scoped3A_85 : memref<!tpu.dma_semaphore, #tpu.memory_space<semaphore_mem>>) src(%dma_wait3A_108 : memref<128x128xf32, #tpu.memory_space<vmem>>) dst(%dma_wait3A_104 : memref<128x128xf32, #tpu.memory_space<vmem_shared>>)
        tpu.yield
      }) : () -> ()
    } else {
    }
    %run_scoped3A = arith.constant 0 : i32
    "tpu.region"() ({
      %run_scoped3A_49 = tpu.sem_alloc : memref<!tpu.dma_semaphore, #tpu.memory_space<semaphore_mem>>
      %dma_start3A_50 = arith.constant 0 : i32
      %dma_start3A_51 = arith.constant 0 : i32
      %dma_start3A_52 = tpu.memref_slice %arg7[%run_scoped3A, %dma_start3A_50, %dma_start3A_51] : memref<2x16x128xi32, #tpu.memory_space<vmem>> -> memref<1x16x128xi32, #tpu.memory_space<vmem>>
      %dma_start3A_53 = tpu.memref_squeeze %dma_start3A_52 : memref<1x16x128xi32, #tpu.memory_space<vmem>> -> memref<16x128xi32, #tpu.memory_space<vmem>>
      %dma_start3A_54 = arith.constant 0 : i32
      %dma_start3A_55 = tpu.memref_slice %arg3[%mul3A_2, %dma_start3A_54] : memref<2560x128xi32, #tpu.memory_space<hbm>> -> memref<16x128xi32, #tpu.memory_space<hbm>>
      %dma_start3A_56 = arith.constant 0 : i32
      %dma_start3A_57 = arith.constant 0 : i32
      %dma_start3A_58 = tpu.memref_slice %arg7[%run_scoped3A, %dma_start3A_56, %dma_start3A_57] : memref<2x16x128xi32, #tpu.memory_space<vmem>> -> memref<1x16x128xi32, #tpu.memory_space<vmem>>
      %dma_start3A_59 = tpu.memref_squeeze %dma_start3A_58 : memref<1x16x128xi32, #tpu.memory_space<vmem>> -> memref<16x128xi32, #tpu.memory_space<vmem>>
      %dma_start3A_60 = arith.constant 0 : i32
      %dma_start3A_61 = tpu.memref_slice %arg3[%mul3A_2, %dma_start3A_60] : memref<2560x128xi32, #tpu.memory_space<hbm>> -> memref<16x128xi32, #tpu.memory_space<hbm>>
      tpu.enqueue_dma source(%dma_start3A_61 : memref<16x128xi32, #tpu.memory_space<hbm>>) target(%dma_start3A_59 : memref<16x128xi32, #tpu.memory_space<vmem>>) target_semaphore(%run_scoped3A_49 : memref<!tpu.dma_semaphore, #tpu.memory_space<semaphore_mem>>)
      %dma_wait3A = arith.constant 0 : i32
      %dma_wait3A_62 = arith.constant 0 : i32
      %dma_wait3A_63 = tpu.memref_slice %arg7[%run_scoped3A, %dma_wait3A, %dma_wait3A_62] : memref<2x16x128xi32, #tpu.memory_space<vmem>> -> memref<1x16x128xi32, #tpu.memory_space<vmem>>
      %dma_wait3A_64 = tpu.memref_squeeze %dma_wait3A_63 : memref<1x16x128xi32, #tpu.memory_space<vmem>> -> memref<16x128xi32, #tpu.memory_space<vmem>>
      %dma_wait3A_65 = arith.constant 0 : i32
      %dma_wait3A_66 = tpu.memref_slice %arg3[%mul3A_2, %dma_wait3A_65] : memref<2560x128xi32, #tpu.memory_space<hbm>> -> memref<16x128xi32, #tpu.memory_space<hbm>>
      %dma_wait3A_67 = arith.constant 0 : i32
      %dma_wait3A_68 = arith.constant 0 : i32
      %dma_wait3A_69 = tpu.memref_slice %arg7[%run_scoped3A, %dma_wait3A_67, %dma_wait3A_68] : memref<2x16x128xi32, #tpu.memory_space<vmem>> -> memref<1x16x128xi32, #tpu.memory_space<vmem>>
      %dma_wait3A_70 = tpu.memref_squeeze %dma_wait3A_69 : memref<1x16x128xi32, #tpu.memory_space<vmem>> -> memref<16x128xi32, #tpu.memory_space<vmem>>
      %dma_wait3A_71 = arith.constant 0 : i32
      %dma_wait3A_72 = tpu.memref_slice %arg3[%mul3A_2, %dma_wait3A_71] : memref<2560x128xi32, #tpu.memory_space<hbm>> -> memref<16x128xi32, #tpu.memory_space<hbm>>
      tpu.wait_dma2 semaphore(%run_scoped3A_49 : memref<!tpu.dma_semaphore, #tpu.memory_space<semaphore_mem>>) src(%dma_wait3A_72 : memref<16x128xi32, #tpu.memory_space<hbm>>) dst(%dma_wait3A_70 : memref<16x128xi32, #tpu.memory_space<vmem>>)
      tpu.yield
    }) : () -> ()
    %run_scoped3A_12 = arith.constant 0 : i32
    "tpu.region"() ({
      %run_scoped3A_49 = tpu.sem_alloc : memref<!tpu.dma_semaphore, #tpu.memory_space<semaphore_mem>>
      %dma_start3A_50 = arith.constant 0 : i32
      %dma_start3A_51 = arith.constant 0 : i32
      %dma_start3A_52 = tpu.memref_slice %arg8[%run_scoped3A_12, %dma_start3A_50, %dma_start3A_51] : memref<2x16x128xi32, #tpu.memory_space<vmem>> -> memref<1x16x128xi32, #tpu.memory_space<vmem>>
      %dma_start3A_53 = tpu.memref_squeeze %dma_start3A_52 : memref<1x16x128xi32, #tpu.memory_space<vmem>> -> memref<16x128xi32, #tpu.memory_space<vmem>>
      %dma_start3A_54 = arith.constant 0 : i32
      %dma_start3A_55 = tpu.memref_slice %arg4[%mul3A_2, %dma_start3A_54] : memref<2560x128xi32, #tpu.memory_space<hbm>> -> memref<16x128xi32, #tpu.memory_space<hbm>>
      %dma_start3A_56 = arith.constant 0 : i32
      %dma_start3A_57 = arith.constant 0 : i32
      %dma_start3A_58 = tpu.memref_slice %arg8[%run_scoped3A_12, %dma_start3A_56, %dma_start3A_57] : memref<2x16x128xi32, #tpu.memory_space<vmem>> -> memref<1x16x128xi32, #tpu.memory_space<vmem>>
      %dma_start3A_59 = tpu.memref_squeeze %dma_start3A_58 : memref<1x16x128xi32, #tpu.memory_space<vmem>> -> memref<16x128xi32, #tpu.memory_space<vmem>>
      %dma_start3A_60 = arith.constant 0 : i32
      %dma_start3A_61 = tpu.memref_slice %arg4[%mul3A_2, %dma_start3A_60] : memref<2560x128xi32, #tpu.memory_space<hbm>> -> memref<16x128xi32, #tpu.memory_space<hbm>>
      tpu.enqueue_dma source(%dma_start3A_61 : memref<16x128xi32, #tpu.memory_space<hbm>>) target(%dma_start3A_59 : memref<16x128xi32, #tpu.memory_space<vmem>>) target_semaphore(%run_scoped3A_49 : memref<!tpu.dma_semaphore, #tpu.memory_space<semaphore_mem>>)
      %dma_wait3A = arith.constant 0 : i32
      %dma_wait3A_62 = arith.constant 0 : i32
      %dma_wait3A_63 = tpu.memref_slice %arg8[%run_scoped3A_12, %dma_wait3A, %dma_wait3A_62] : memref<2x16x128xi32, #tpu.memory_space<vmem>> -> memref<1x16x128xi32, #tpu.memory_space<vmem>>
      %dma_wait3A_64 = tpu.memref_squeeze %dma_wait3A_63 : memref<1x16x128xi32, #tpu.memory_space<vmem>> -> memref<16x128xi32, #tpu.memory_space<vmem>>
      %dma_wait3A_65 = arith.constant 0 : i32
      %dma_wait3A_66 = tpu.memref_slice %arg4[%mul3A_2, %dma_wait3A_65] : memref<2560x128xi32, #tpu.memory_space<hbm>> -> memref<16x128xi32, #tpu.memory_space<hbm>>
      %dma_wait3A_67 = arith.constant 0 : i32
      %dma_wait3A_68 = arith.constant 0 : i32
      %dma_wait3A_69 = tpu.memref_slice %arg8[%run_scoped3A_12, %dma_wait3A_67, %dma_wait3A_68] : memref<2x16x128xi32, #tpu.memory_space<vmem>> -> memref<1x16x128xi32, #tpu.memory_space<vmem>>
      %dma_wait3A_70 = tpu.memref_squeeze %dma_wait3A_69 : memref<1x16x128xi32, #tpu.memory_space<vmem>> -> memref<16x128xi32, #tpu.memory_space<vmem>>
      %dma_wait3A_71 = arith.constant 0 : i32
      %dma_wait3A_72 = tpu.memref_slice %arg4[%mul3A_2, %dma_wait3A_71] : memref<2560x128xi32, #tpu.memory_space<hbm>> -> memref<16x128xi32, #tpu.memory_space<hbm>>
      tpu.wait_dma2 semaphore(%run_scoped3A_49 : memref<!tpu.dma_semaphore, #tpu.memory_space<semaphore_mem>>) src(%dma_wait3A_72 : memref<16x128xi32, #tpu.memory_space<hbm>>) dst(%dma_wait3A_70 : memref<16x128xi32, #tpu.memory_space<vmem>>)
      tpu.yield
    }) : () -> ()
    %dma_start3A = arith.constant 0 : i32
    %dma_start3A_13 = arith.constant 0 : i32
    %dma_start3A_14 = arith.constant 0 : i32
    %dma_start3A_15 = arith.constant 0 : i32
    %dma_start3A_16 = arith.constant 0 : i32
    %dma_start3A_17 = arith.constant 0 : i32
    %dma_start3A_18 = tpu.memref_slice %arg9[%dma_start3A_14, %dma_start3A_16, %dma_start3A_17] : memref<2x128x128xf32, #tpu.memory_space<vmem>> -> memref<1x128x128xf32, #tpu.memory_space<vmem>>
    %dma_start3A_19 = tpu.memref_squeeze %dma_start3A_18 : memref<1x128x128xf32, #tpu.memory_space<vmem>> -> memref<128x128xf32, #tpu.memory_space<vmem>>
    %dma_start3A_20 = arith.constant 0 : i32
    %dma_start3A_21 = tpu.memref_slice %arg7[%dma_start3A, %dma_start3A_13, %dma_start3A_20] : memref<2x16x128xi32, #tpu.memory_space<vmem>> -> memref<1x1x128xi32, #tpu.memory_space<vmem>>
    %dma_start3A_22 = tpu.memref_squeeze %dma_start3A_21 : memref<1x1x128xi32, #tpu.memory_space<vmem>> -> memref<128xi32, #tpu.memory_space<vmem>>
    %dma_start3A_23 = arith.constant 0 : i32
    %dma_start3A_24 = arith.constant 0 : i32
    %dma_start3A_25 = tpu.memref_slice %arg2[%dma_start3A_23, %dma_start3A_24] : memref<10240x128xf32, #tpu.memory_space<hbm>> -> memref<10240x128xf32, #tpu.memory_space<hbm>>
    %dma_start3A_26 = tpu.memref_slice %arg11[%dma_start3A_15] : memref<2x!tpu.dma_semaphore, #tpu.memory_space<semaphore_mem>> -> memref<1x!tpu.dma_semaphore, #tpu.memory_space<semaphore_mem>>
    %dma_start3A_27 = tpu.memref_squeeze %dma_start3A_26 : memref<1x!tpu.dma_semaphore, #tpu.memory_space<semaphore_mem>> -> memref<!tpu.dma_semaphore, #tpu.memory_space<semaphore_mem>>
    tpu.enqueue_indirect_dma source(%dma_start3A_25 : memref<10240x128xf32, #tpu.memory_space<hbm>>) target(%dma_start3A_19 : memref<128x128xf32, #tpu.memory_space<vmem>>) offsets(%dma_start3A_22 : memref<128xi32, #tpu.memory_space<vmem>>) semaphore(%dma_start3A_27 : memref<!tpu.dma_semaphore, #tpu.memory_space<semaphore_mem>>)
    %barrier3A = arith.constant 0 : index
    tpu.barrier barrier_id(%barrier3A)
    %while3A = arith.constant 0 : i32
    %while3A_28 = arith.constant 0 : i32
    %while3A_29 = arith.constant 5 : i32
    %while3A_30 = arith.subi %while3A_29, %while3A_28 : i32
    %while3A_31 = arith.addi %while3A_28, %while3A_30 : i32
    %while3A_32 = arith.constant 1 : i32
    %while3A_33 = arith.divsi %while3A_30, %while3A_32 : i32
    %while3A_34 = arith.muli %while3A_33, %while3A_32 : i32
    %while3A_35 = arith.addi %while3A_28, %while3A_34 : i32
    %while3A_36 = arith.constant 1 : i32
    scf.for %while3A_49 = %while3A_28 to %while3A_35 step %while3A_36  : i32 {
      %rem3A = arith.constant 2 : i32
      %rem3A_50 = arith.remsi %while3A_49, %rem3A : i32
      %add3A_51 = arith.constant 1 : i32
      %add3A_52 = arith.addi %while3A_49, %add3A_51 : i32
      %rem3A_53 = arith.constant 2 : i32
      %rem3A_54 = arith.remsi %add3A_52, %rem3A_53 : i32
      %add3A_55 = arith.constant 1 : i32
      %add3A_56 = arith.addi %while3A_49, %add3A_55 : i32
      %lt3A = arith.constant 5 : i32
      %lt3A_57 = arith.cmpi slt, %add3A_56, %lt3A : i32
      %convert_element_type3A_58 = arith.extui %lt3A_57 : i1 to i32
      %cond3A_59 = arith.constant 0 : i32
      %cond3A_60 = arith.cmpi ne, %convert_element_type3A_58, %cond3A_59 : i32
      scf.if %cond3A_60 {
        %add3A_75 = arith.constant 1 : i32
        %add3A_76 = arith.addi %while3A_49, %add3A_75 : i32
        %mul3A_77 = arith.constant 16 : i32
        %mul3A_78 = arith.muli %add3A_76, %mul3A_77 : i32
        %add3A_79 = arith.addi %mul3A_2, %mul3A_78 : i32
        %dma_start3A_80 = arith.constant 0 : i32
        %dma_start3A_81 = arith.constant 0 : i32
        %dma_start3A_82 = tpu.memref_slice %arg7[%rem3A_54, %dma_start3A_80, %dma_start3A_81] : memref<2x16x128xi32, #tpu.memory_space<vmem>> -> memref<1x16x128xi32, #tpu.memory_space<vmem>>
        %dma_start3A_83 = tpu.memref_squeeze %dma_start3A_82 : memref<1x16x128xi32, #tpu.memory_space<vmem>> -> memref<16x128xi32, #tpu.memory_space<vmem>>
        %dma_start3A_84 = arith.constant 0 : i32
        %dma_start3A_85 = tpu.memref_slice %arg3[%add3A_79, %dma_start3A_84] : memref<2560x128xi32, #tpu.memory_space<hbm>> -> memref<16x128xi32, #tpu.memory_space<hbm>>
        %dma_start3A_86 = arith.constant 0 : i32
        %dma_start3A_87 = arith.constant 0 : i32
        %dma_start3A_88 = tpu.memref_slice %arg7[%rem3A_54, %dma_start3A_86, %dma_start3A_87] : memref<2x16x128xi32, #tpu.memory_space<vmem>> -> memref<1x16x128xi32, #tpu.memory_space<vmem>>
        %dma_start3A_89 = tpu.memref_squeeze %dma_start3A_88 : memref<1x16x128xi32, #tpu.memory_space<vmem>> -> memref<16x128xi32, #tpu.memory_space<vmem>>
        %dma_start3A_90 = arith.constant 0 : i32
        %dma_start3A_91 = tpu.memref_slice %arg3[%add3A_79, %dma_start3A_90] : memref<2560x128xi32, #tpu.memory_space<hbm>> -> memref<16x128xi32, #tpu.memory_space<hbm>>
        tpu.enqueue_dma source(%dma_start3A_91 : memref<16x128xi32, #tpu.memory_space<hbm>>) target(%dma_start3A_89 : memref<16x128xi32, #tpu.memory_space<vmem>>) target_semaphore(%arg12 : memref<!tpu.dma_semaphore, #tpu.memory_space<semaphore_mem>>)
        %add3A_92 = arith.constant 1 : i32
        %add3A_93 = arith.addi %while3A_49, %add3A_92 : i32
        %mul3A_94 = arith.constant 16 : i32
        %mul3A_95 = arith.muli %add3A_93, %mul3A_94 : i32
        %add3A_96 = arith.addi %mul3A_2, %mul3A_95 : i32
        %dma_start3A_97 = arith.constant 0 : i32
        %dma_start3A_98 = arith.constant 0 : i32
        %dma_start3A_99 = tpu.memref_slice %arg8[%rem3A_54, %dma_start3A_97, %dma_start3A_98] : memref<2x16x128xi32, #tpu.memory_space<vmem>> -> memref<1x16x128xi32, #tpu.memory_space<vmem>>
        %dma_start3A_100 = tpu.memref_squeeze %dma_start3A_99 : memref<1x16x128xi32, #tpu.memory_space<vmem>> -> memref<16x128xi32, #tpu.memory_space<vmem>>
        %dma_start3A_101 = arith.constant 0 : i32
        %dma_start3A_102 = tpu.memref_slice %arg4[%add3A_96, %dma_start3A_101] : memref<2560x128xi32, #tpu.memory_space<hbm>> -> memref<16x128xi32, #tpu.memory_space<hbm>>
        %dma_start3A_103 = arith.constant 0 : i32
        %dma_start3A_104 = arith.constant 0 : i32
        %dma_start3A_105 = tpu.memref_slice %arg8[%rem3A_54, %dma_start3A_103, %dma_start3A_104] : memref<2x16x128xi32, #tpu.memory_space<vmem>> -> memref<1x16x128xi32, #tpu.memory_space<vmem>>
        %dma_start3A_106 = tpu.memref_squeeze %dma_start3A_105 : memref<1x16x128xi32, #tpu.memory_space<vmem>> -> memref<16x128xi32, #tpu.memory_space<vmem>>
        %dma_start3A_107 = arith.constant 0 : i32
        %dma_start3A_108 = tpu.memref_slice %arg4[%add3A_96, %dma_start3A_107] : memref<2560x128xi32, #tpu.memory_space<hbm>> -> memref<16x128xi32, #tpu.memory_space<hbm>>
        tpu.enqueue_dma source(%dma_start3A_108 : memref<16x128xi32, #tpu.memory_space<hbm>>) target(%dma_start3A_106 : memref<16x128xi32, #tpu.memory_space<vmem>>) target_semaphore(%arg12 : memref<!tpu.dma_semaphore, #tpu.memory_space<semaphore_mem>>)
      } else {
      }
      %while3A_61 = arith.constant 0 : i32
      %while3A_62 = arith.constant 0 : i32
      %while3A_63 = arith.constant 16 : i32
      %while3A_64 = arith.subi %while3A_63, %while3A_62 : i32
      %while3A_65 = arith.addi %while3A_62, %while3A_64 : i32
      %while3A_66 = arith.constant 1 : i32
      %while3A_67 = arith.divsi %while3A_64, %while3A_66 : i32
      %while3A_68 = arith.muli %while3A_67, %while3A_66 : i32
      %while3A_69 = arith.addi %while3A_62, %while3A_68 : i32
      %while3A_70 = arith.constant 1 : i32
      scf.for %while3A_75 = %while3A_62 to %while3A_69 step %while3A_70  : i32 {
        %rem3A_76 = arith.constant 2 : i32
        %rem3A_77 = arith.remsi %while3A_75, %rem3A_76 : i32
        %add3A_78 = arith.constant 1 : i32
        %add3A_79 = arith.addi %while3A_75, %add3A_78 : i32
        %rem3A_80 = arith.constant 2 : i32
        %rem3A_81 = arith.remsi %add3A_79, %rem3A_80 : i32
        %lt3A_82 = arith.constant 15 : i32
        %lt3A_83 = arith.cmpi slt, %while3A_75, %lt3A_82 : i32
        %convert_element_type3A_84 = arith.extui %lt3A_83 : i1 to i32
        %cond3A_85 = arith.constant 0 : i32
        %cond3A_86 = arith.cmpi ne, %convert_element_type3A_84, %cond3A_85 : i32
        scf.if %cond3A_86 {
          %add3A_98 = arith.constant 1 : i32
          %add3A_99 = arith.addi %while3A_75, %add3A_98 : i32
          %dma_start3A_100 = arith.constant 0 : i32
          %dma_start3A_101 = arith.constant 0 : i32
          %dma_start3A_102 = tpu.memref_slice %arg9[%rem3A_81, %dma_start3A_100, %dma_start3A_101] : memref<2x128x128xf32, #tpu.memory_space<vmem>> -> memref<1x128x128xf32, #tpu.memory_space<vmem>>
          %dma_start3A_103 = tpu.memref_squeeze %dma_start3A_102 : memref<1x128x128xf32, #tpu.memory_space<vmem>> -> memref<128x128xf32, #tpu.memory_space<vmem>>
          %dma_start3A_104 = arith.constant 0 : i32
          %dma_start3A_105 = tpu.memref_slice %arg7[%rem3A_50, %add3A_99, %dma_start3A_104] : memref<2x16x128xi32, #tpu.memory_space<vmem>> -> memref<1x1x128xi32, #tpu.memory_space<vmem>>
          %dma_start3A_106 = tpu.memref_squeeze %dma_start3A_105 : memref<1x1x128xi32, #tpu.memory_space<vmem>> -> memref<128xi32, #tpu.memory_space<vmem>>
          %dma_start3A_107 = arith.constant 0 : i32
          %dma_start3A_108 = arith.constant 0 : i32
          %dma_start3A_109 = tpu.memref_slice %arg2[%dma_start3A_107, %dma_start3A_108] : memref<10240x128xf32, #tpu.memory_space<hbm>> -> memref<10240x128xf32, #tpu.memory_space<hbm>>
          %dma_start3A_110 = tpu.memref_slice %arg11[%rem3A_81] : memref<2x!tpu.dma_semaphore, #tpu.memory_space<semaphore_mem>> -> memref<1x!tpu.dma_semaphore, #tpu.memory_space<semaphore_mem>>
          %dma_start3A_111 = tpu.memref_squeeze %dma_start3A_110 : memref<1x!tpu.dma_semaphore, #tpu.memory_space<semaphore_mem>> -> memref<!tpu.dma_semaphore, #tpu.memory_space<semaphore_mem>>
          tpu.enqueue_indirect_dma source(%dma_start3A_109 : memref<10240x128xf32, #tpu.memory_space<hbm>>) target(%dma_start3A_103 : memref<128x128xf32, #tpu.memory_space<vmem>>) offsets(%dma_start3A_106 : memref<128xi32, #tpu.memory_space<vmem>>) semaphore(%dma_start3A_111 : memref<!tpu.dma_semaphore, #tpu.memory_space<semaphore_mem>>)
        } else {
        }
        %dma_wait3A = arith.constant 0 : i32
        %dma_wait3A_87 = arith.constant 0 : i32
        %dma_wait3A_88 = tpu.memref_slice %arg9[%rem3A_77, %dma_wait3A, %dma_wait3A_87] : memref<2x128x128xf32, #tpu.memory_space<vmem>> -> memref<1x128x128xf32, #tpu.memory_space<vmem>>
        %dma_wait3A_89 = tpu.memref_squeeze %dma_wait3A_88 : memref<1x128x128xf32, #tpu.memory_space<vmem>> -> memref<128x128xf32, #tpu.memory_space<vmem>>
        %dma_wait3A_90 = arith.constant 0 : i32
        %dma_wait3A_91 = tpu.memref_slice %arg7[%rem3A_50, %while3A_75, %dma_wait3A_90] : memref<2x16x128xi32, #tpu.memory_space<vmem>> -> memref<1x1x128xi32, #tpu.memory_space<vmem>>
        %dma_wait3A_92 = tpu.memref_squeeze %dma_wait3A_91 : memref<1x1x128xi32, #tpu.memory_space<vmem>> -> memref<128xi32, #tpu.memory_space<vmem>>
        %dma_wait3A_93 = arith.constant 0 : i32
        %dma_wait3A_94 = arith.constant 0 : i32
        %dma_wait3A_95 = tpu.memref_slice %arg2[%dma_wait3A_93, %dma_wait3A_94] : memref<10240x128xf32, #tpu.memory_space<hbm>> -> memref<10240x128xf32, #tpu.memory_space<hbm>>
        %dma_wait3A_96 = tpu.memref_slice %arg11[%rem3A_77] : memref<2x!tpu.dma_semaphore, #tpu.memory_space<semaphore_mem>> -> memref<1x!tpu.dma_semaphore, #tpu.memory_space<semaphore_mem>>
        %dma_wait3A_97 = tpu.memref_squeeze %dma_wait3A_96 : memref<1x!tpu.dma_semaphore, #tpu.memory_space<semaphore_mem>> -> memref<!tpu.dma_semaphore, #tpu.memory_space<semaphore_mem>>
        tpu.wait_indirect_dma semaphore(%dma_wait3A_97 : memref<!tpu.dma_semaphore, #tpu.memory_space<semaphore_mem>>) src(%dma_wait3A_95 : memref<10240x128xf32, #tpu.memory_space<hbm>>) dst(%dma_wait3A_89 : memref<128x128xf32, #tpu.memory_space<vmem>>)
        "tpu.region"() ({
          %run_scoped3A_98 = tpu.sem_alloc : memref<!tpu.dma_semaphore, #tpu.memory_space<semaphore_mem>>
          %dma_start3A_99 = arith.constant 0 : i32
          %dma_start3A_100 = arith.constant 0 : i32
          %dma_start3A_101 = tpu.memref_slice %arg9[%rem3A_77, %dma_start3A_99, %dma_start3A_100] : memref<2x128x128xf32, #tpu.memory_space<vmem>> -> memref<1x128x128xf32, #tpu.memory_space<vmem>>
          %dma_start3A_102 = tpu.memref_squeeze %dma_start3A_101 : memref<1x128x128xf32, #tpu.memory_space<vmem>> -> memref<128x128xf32, #tpu.memory_space<vmem>>
          %dma_start3A_103 = arith.constant 0 : i32
          %dma_start3A_104 = tpu.memref_slice %arg8[%rem3A_50, %while3A_75, %dma_start3A_103] : memref<2x16x128xi32, #tpu.memory_space<vmem>> -> memref<1x1x128xi32, #tpu.memory_space<vmem>>
          %dma_start3A_105 = tpu.memref_squeeze %dma_start3A_104 : memref<1x1x128xi32, #tpu.memory_space<vmem>> -> memref<128xi32, #tpu.memory_space<vmem>>
          %dma_start3A_106 = arith.constant 0 : i32
          %dma_start3A_107 = arith.constant 0 : i32
          %dma_start3A_108 = tpu.memref_slice %arg10[%dma_start3A_106, %dma_start3A_107] : memref<10240x128xf32, #tpu.memory_space<vmem_shared>> -> memref<10240x128xf32, #tpu.memory_space<vmem_shared>>
          tpu.enqueue_indirect_dma source(%dma_start3A_102 : memref<128x128xf32, #tpu.memory_space<vmem>>) target(%dma_start3A_108 : memref<10240x128xf32, #tpu.memory_space<vmem_shared>>) offsets(%dma_start3A_105 : memref<128xi32, #tpu.memory_space<vmem>>) semaphore(%run_scoped3A_98 : memref<!tpu.dma_semaphore, #tpu.memory_space<semaphore_mem>>) {add = true}
          %dma_wait3A_109 = arith.constant 0 : i32
          %dma_wait3A_110 = arith.constant 0 : i32
          %dma_wait3A_111 = tpu.memref_slice %arg9[%rem3A_77, %dma_wait3A_109, %dma_wait3A_110] : memref<2x128x128xf32, #tpu.memory_space<vmem>> -> memref<1x128x128xf32, #tpu.memory_space<vmem>>
          %dma_wait3A_112 = tpu.memref_squeeze %dma_wait3A_111 : memref<1x128x128xf32, #tpu.memory_space<vmem>> -> memref<128x128xf32, #tpu.memory_space<vmem>>
          %dma_wait3A_113 = arith.constant 0 : i32
          %dma_wait3A_114 = tpu.memref_slice %arg8[%rem3A_50, %while3A_75, %dma_wait3A_113] : memref<2x16x128xi32, #tpu.memory_space<vmem>> -> memref<1x1x128xi32, #tpu.memory_space<vmem>>
          %dma_wait3A_115 = tpu.memref_squeeze %dma_wait3A_114 : memref<1x1x128xi32, #tpu.memory_space<vmem>> -> memref<128xi32, #tpu.memory_space<vmem>>
          %dma_wait3A_116 = arith.constant 0 : i32
          %dma_wait3A_117 = arith.constant 0 : i32
          %dma_wait3A_118 = tpu.memref_slice %arg10[%dma_wait3A_116, %dma_wait3A_117] : memref<10240x128xf32, #tpu.memory_space<vmem_shared>> -> memref<10240x128xf32, #tpu.memory_space<vmem_shared>>
          tpu.wait_indirect_dma semaphore(%run_scoped3A_98 : memref<!tpu.dma_semaphore, #tpu.memory_space<semaphore_mem>>) src(%dma_wait3A_112 : memref<128x128xf32, #tpu.memory_space<vmem>>) dst(%dma_wait3A_118 : memref<10240x128xf32, #tpu.memory_space<vmem_shared>>)
          tpu.yield
        }) : () -> ()
      }
      %while3A_71 = arith.constant 1 : i32
      scf.for %while3A_75 = %while3A_69 to %while3A_65 step %while3A_71  : i32 {
        %rem3A_76 = arith.constant 2 : i32
        %rem3A_77 = arith.remsi %while3A_75, %rem3A_76 : i32
        %add3A_78 = arith.constant 1 : i32
        %add3A_79 = arith.addi %while3A_75, %add3A_78 : i32
        %rem3A_80 = arith.constant 2 : i32
        %rem3A_81 = arith.remsi %add3A_79, %rem3A_80 : i32
        %lt3A_82 = arith.constant 15 : i32
        %lt3A_83 = arith.cmpi slt, %while3A_75, %lt3A_82 : i32
        %convert_element_type3A_84 = arith.extui %lt3A_83 : i1 to i32
        %cond3A_85 = arith.constant 0 : i32
        %cond3A_86 = arith.cmpi ne, %convert_element_type3A_84, %cond3A_85 : i32
        scf.if %cond3A_86 {
          %add3A_98 = arith.constant 1 : i32
          %add3A_99 = arith.addi %while3A_75, %add3A_98 : i32
          %dma_start3A_100 = arith.constant 0 : i32
          %dma_start3A_101 = arith.constant 0 : i32
          %dma_start3A_102 = tpu.memref_slice %arg9[%rem3A_81, %dma_start3A_100, %dma_start3A_101] : memref<2x128x128xf32, #tpu.memory_space<vmem>> -> memref<1x128x128xf32, #tpu.memory_space<vmem>>
          %dma_start3A_103 = tpu.memref_squeeze %dma_start3A_102 : memref<1x128x128xf32, #tpu.memory_space<vmem>> -> memref<128x128xf32, #tpu.memory_space<vmem>>
          %dma_start3A_104 = arith.constant 0 : i32
          %dma_start3A_105 = tpu.memref_slice %arg7[%rem3A_50, %add3A_99, %dma_start3A_104] : memref<2x16x128xi32, #tpu.memory_space<vmem>> -> memref<1x1x128xi32, #tpu.memory_space<vmem>>
          %dma_start3A_106 = tpu.memref_squeeze %dma_start3A_105 : memref<1x1x128xi32, #tpu.memory_space<vmem>> -> memref<128xi32, #tpu.memory_space<vmem>>
          %dma_start3A_107 = arith.constant 0 : i32
          %dma_start3A_108 = arith.constant 0 : i32
          %dma_start3A_109 = tpu.memref_slice %arg2[%dma_start3A_107, %dma_start3A_108] : memref<10240x128xf32, #tpu.memory_space<hbm>> -> memref<10240x128xf32, #tpu.memory_space<hbm>>
          %dma_start3A_110 = tpu.memref_slice %arg11[%rem3A_81] : memref<2x!tpu.dma_semaphore, #tpu.memory_space<semaphore_mem>> -> memref<1x!tpu.dma_semaphore, #tpu.memory_space<semaphore_mem>>
          %dma_start3A_111 = tpu.memref_squeeze %dma_start3A_110 : memref<1x!tpu.dma_semaphore, #tpu.memory_space<semaphore_mem>> -> memref<!tpu.dma_semaphore, #tpu.memory_space<semaphore_mem>>
          tpu.enqueue_indirect_dma source(%dma_start3A_109 : memref<10240x128xf32, #tpu.memory_space<hbm>>) target(%dma_start3A_103 : memref<128x128xf32, #tpu.memory_space<vmem>>) offsets(%dma_start3A_106 : memref<128xi32, #tpu.memory_space<vmem>>) semaphore(%dma_start3A_111 : memref<!tpu.dma_semaphore, #tpu.memory_space<semaphore_mem>>)
        } else {
        }
        %dma_wait3A = arith.constant 0 : i32
        %dma_wait3A_87 = arith.constant 0 : i32
        %dma_wait3A_88 = tpu.memref_slice %arg9[%rem3A_77, %dma_wait3A, %dma_wait3A_87] : memref<2x128x128xf32, #tpu.memory_space<vmem>> -> memref<1x128x128xf32, #tpu.memory_space<vmem>>
        %dma_wait3A_89 = tpu.memref_squeeze %dma_wait3A_88 : memref<1x128x128xf32, #tpu.memory_space<vmem>> -> memref<128x128xf32, #tpu.memory_space<vmem>>
        %dma_wait3A_90 = arith.constant 0 : i32
        %dma_wait3A_91 = tpu.memref_slice %arg7[%rem3A_50, %while3A_75, %dma_wait3A_90] : memref<2x16x128xi32, #tpu.memory_space<vmem>> -> memref<1x1x128xi32, #tpu.memory_space<vmem>>
        %dma_wait3A_92 = tpu.memref_squeeze %dma_wait3A_91 : memref<1x1x128xi32, #tpu.memory_space<vmem>> -> memref<128xi32, #tpu.memory_space<vmem>>
        %dma_wait3A_93 = arith.constant 0 : i32
        %dma_wait3A_94 = arith.constant 0 : i32
        %dma_wait3A_95 = tpu.memref_slice %arg2[%dma_wait3A_93, %dma_wait3A_94] : memref<10240x128xf32, #tpu.memory_space<hbm>> -> memref<10240x128xf32, #tpu.memory_space<hbm>>
        %dma_wait3A_96 = tpu.memref_slice %arg11[%rem3A_77] : memref<2x!tpu.dma_semaphore, #tpu.memory_space<semaphore_mem>> -> memref<1x!tpu.dma_semaphore, #tpu.memory_space<semaphore_mem>>
        %dma_wait3A_97 = tpu.memref_squeeze %dma_wait3A_96 : memref<1x!tpu.dma_semaphore, #tpu.memory_space<semaphore_mem>> -> memref<!tpu.dma_semaphore, #tpu.memory_space<semaphore_mem>>
        tpu.wait_indirect_dma semaphore(%dma_wait3A_97 : memref<!tpu.dma_semaphore, #tpu.memory_space<semaphore_mem>>) src(%dma_wait3A_95 : memref<10240x128xf32, #tpu.memory_space<hbm>>) dst(%dma_wait3A_89 : memref<128x128xf32, #tpu.memory_space<vmem>>)
        "tpu.region"() ({
          %run_scoped3A_98 = tpu.sem_alloc : memref<!tpu.dma_semaphore, #tpu.memory_space<semaphore_mem>>
          %dma_start3A_99 = arith.constant 0 : i32
          %dma_start3A_100 = arith.constant 0 : i32
          %dma_start3A_101 = tpu.memref_slice %arg9[%rem3A_77, %dma_start3A_99, %dma_start3A_100] : memref<2x128x128xf32, #tpu.memory_space<vmem>> -> memref<1x128x128xf32, #tpu.memory_space<vmem>>
          %dma_start3A_102 = tpu.memref_squeeze %dma_start3A_101 : memref<1x128x128xf32, #tpu.memory_space<vmem>> -> memref<128x128xf32, #tpu.memory_space<vmem>>
          %dma_start3A_103 = arith.constant 0 : i32
          %dma_start3A_104 = tpu.memref_slice %arg8[%rem3A_50, %while3A_75, %dma_start3A_103] : memref<2x16x128xi32, #tpu.memory_space<vmem>> -> memref<1x1x128xi32, #tpu.memory_space<vmem>>
          %dma_start3A_105 = tpu.memref_squeeze %dma_start3A_104 : memref<1x1x128xi32, #tpu.memory_space<vmem>> -> memref<128xi32, #tpu.memory_space<vmem>>
          %dma_start3A_106 = arith.constant 0 : i32
          %dma_start3A_107 = arith.constant 0 : i32
          %dma_start3A_108 = tpu.memref_slice %arg10[%dma_start3A_106, %dma_start3A_107] : memref<10240x128xf32, #tpu.memory_space<vmem_shared>> -> memref<10240x128xf32, #tpu.memory_space<vmem_shared>>
          tpu.enqueue_indirect_dma source(%dma_start3A_102 : memref<128x128xf32, #tpu.memory_space<vmem>>) target(%dma_start3A_108 : memref<10240x128xf32, #tpu.memory_space<vmem_shared>>) offsets(%dma_start3A_105 : memref<128xi32, #tpu.memory_space<vmem>>) semaphore(%run_scoped3A_98 : memref<!tpu.dma_semaphore, #tpu.memory_space<semaphore_mem>>) {add = true}
          %dma_wait3A_109 = arith.constant 0 : i32
          %dma_wait3A_110 = arith.constant 0 : i32
          %dma_wait3A_111 = tpu.memref_slice %arg9[%rem3A_77, %dma_wait3A_109, %dma_wait3A_110] : memref<2x128x128xf32, #tpu.memory_space<vmem>> -> memref<1x128x128xf32, #tpu.memory_space<vmem>>
          %dma_wait3A_112 = tpu.memref_squeeze %dma_wait3A_111 : memref<1x128x128xf32, #tpu.memory_space<vmem>> -> memref<128x128xf32, #tpu.memory_space<vmem>>
          %dma_wait3A_113 = arith.constant 0 : i32
          %dma_wait3A_114 = tpu.memref_slice %arg8[%rem3A_50, %while3A_75, %dma_wait3A_113] : memref<2x16x128xi32, #tpu.memory_space<vmem>> -> memref<1x1x128xi32, #tpu.memory_space<vmem>>
          %dma_wait3A_115 = tpu.memref_squeeze %dma_wait3A_114 : memref<1x1x128xi32, #tpu.memory_space<vmem>> -> memref<128xi32, #tpu.memory_space<vmem>>
          %dma_wait3A_116 = arith.constant 0 : i32
          %dma_wait3A_117 = arith.constant 0 : i32
          %dma_wait3A_118 = tpu.memref_slice %arg10[%dma_wait3A_116, %dma_wait3A_117] : memref<10240x128xf32, #tpu.memory_space<vmem_shared>> -> memref<10240x128xf32, #tpu.memory_space<vmem_shared>>
          tpu.wait_indirect_dma semaphore(%run_scoped3A_98 : memref<!tpu.dma_semaphore, #tpu.memory_space<semaphore_mem>>) src(%dma_wait3A_112 : memref<128x128xf32, #tpu.memory_space<vmem>>) dst(%dma_wait3A_118 : memref<10240x128xf32, #tpu.memory_space<vmem_shared>>)
          tpu.yield
        }) : () -> ()
      }
      %convert_element_type3A_72 = arith.extui %lt3A_57 : i1 to i32
      %cond3A_73 = arith.constant 0 : i32
      %cond3A_74 = arith.cmpi ne, %convert_element_type3A_72, %cond3A_73 : i32
      scf.if %cond3A_74 {
        %add3A_75 = arith.constant 1 : i32
        %add3A_76 = arith.addi %while3A_49, %add3A_75 : i32
        %mul3A_77 = arith.constant 16 : i32
        %mul3A_78 = arith.muli %add3A_76, %mul3A_77 : i32
        %add3A_79 = arith.addi %mul3A_2, %mul3A_78 : i32
        %dma_wait3A = arith.constant 0 : i32
        %dma_wait3A_80 = arith.constant 0 : i32
        %dma_wait3A_81 = tpu.memref_slice %arg7[%rem3A_54, %dma_wait3A, %dma_wait3A_80] : memref<2x16x128xi32, #tpu.memory_space<vmem>> -> memref<1x16x128xi32, #tpu.memory_space<vmem>>
        %dma_wait3A_82 = tpu.memref_squeeze %dma_wait3A_81 : memref<1x16x128xi32, #tpu.memory_space<vmem>> -> memref<16x128xi32, #tpu.memory_space<vmem>>
        %dma_wait3A_83 = arith.constant 0 : i32
        %dma_wait3A_84 = tpu.memref_slice %arg3[%add3A_79, %dma_wait3A_83] : memref<2560x128xi32, #tpu.memory_space<hbm>> -> memref<16x128xi32, #tpu.memory_space<hbm>>
        %dma_wait3A_85 = arith.constant 0 : i32
        %dma_wait3A_86 = arith.constant 0 : i32
        %dma_wait3A_87 = tpu.memref_slice %arg7[%rem3A_54, %dma_wait3A_85, %dma_wait3A_86] : memref<2x16x128xi32, #tpu.memory_space<vmem>> -> memref<1x16x128xi32, #tpu.memory_space<vmem>>
        %dma_wait3A_88 = tpu.memref_squeeze %dma_wait3A_87 : memref<1x16x128xi32, #tpu.memory_space<vmem>> -> memref<16x128xi32, #tpu.memory_space<vmem>>
        %dma_wait3A_89 = arith.constant 0 : i32
        %dma_wait3A_90 = tpu.memref_slice %arg3[%add3A_79, %dma_wait3A_89] : memref<2560x128xi32, #tpu.memory_space<hbm>> -> memref<16x128xi32, #tpu.memory_space<hbm>>
        tpu.wait_dma2 semaphore(%arg12 : memref<!tpu.dma_semaphore, #tpu.memory_space<semaphore_mem>>) src(%dma_wait3A_90 : memref<16x128xi32, #tpu.memory_space<hbm>>) dst(%dma_wait3A_88 : memref<16x128xi32, #tpu.memory_space<vmem>>)
        %add3A_91 = arith.constant 1 : i32
        %add3A_92 = arith.addi %while3A_49, %add3A_91 : i32
        %mul3A_93 = arith.constant 16 : i32
        %mul3A_94 = arith.muli %add3A_92, %mul3A_93 : i32
        %add3A_95 = arith.addi %mul3A_2, %mul3A_94 : i32
        %dma_wait3A_96 = arith.constant 0 : i32
        %dma_wait3A_97 = arith.constant 0 : i32
        %dma_wait3A_98 = tpu.memref_slice %arg8[%rem3A_54, %dma_wait3A_96, %dma_wait3A_97] : memref<2x16x128xi32, #tpu.memory_space<vmem>> -> memref<1x16x128xi32, #tpu.memory_space<vmem>>
        %dma_wait3A_99 = tpu.memref_squeeze %dma_wait3A_98 : memref<1x16x128xi32, #tpu.memory_space<vmem>> -> memref<16x128xi32, #tpu.memory_space<vmem>>
        %dma_wait3A_100 = arith.constant 0 : i32
        %dma_wait3A_101 = tpu.memref_slice %arg4[%add3A_95, %dma_wait3A_100] : memref<2560x128xi32, #tpu.memory_space<hbm>> -> memref<16x128xi32, #tpu.memory_space<hbm>>
        %dma_wait3A_102 = arith.constant 0 : i32
        %dma_wait3A_103 = arith.constant 0 : i32
        %dma_wait3A_104 = tpu.memref_slice %arg8[%rem3A_54, %dma_wait3A_102, %dma_wait3A_103] : memref<2x16x128xi32, #tpu.memory_space<vmem>> -> memref<1x16x128xi32, #tpu.memory_space<vmem>>
        %dma_wait3A_105 = tpu.memref_squeeze %dma_wait3A_104 : memref<1x16x128xi32, #tpu.memory_space<vmem>> -> memref<16x128xi32, #tpu.memory_space<vmem>>
        %dma_wait3A_106 = arith.constant 0 : i32
        %dma_wait3A_107 = tpu.memref_slice %arg4[%add3A_95, %dma_wait3A_106] : memref<2560x128xi32, #tpu.memory_space<hbm>> -> memref<16x128xi32, #tpu.memory_space<hbm>>
        tpu.wait_dma2 semaphore(%arg12 : memref<!tpu.dma_semaphore, #tpu.memory_space<semaphore_mem>>) src(%dma_wait3A_107 : memref<16x128xi32, #tpu.memory_space<hbm>>) dst(%dma_wait3A_105 : memref<16x128xi32, #tpu.memory_space<vmem>>)
        %dma_start3A_108 = arith.constant 0 : i32
        %dma_start3A_109 = arith.constant 0 : i32
        %dma_start3A_110 = arith.constant 0 : i32
        %dma_start3A_111 = arith.constant 0 : i32
        %dma_start3A_112 = arith.constant 0 : i32
        %dma_start3A_113 = tpu.memref_slice %arg9[%dma_start3A_109, %dma_start3A_111, %dma_start3A_112] : memref<2x128x128xf32, #tpu.memory_space<vmem>> -> memref<1x128x128xf32, #tpu.memory_space<vmem>>
        %dma_start3A_114 = tpu.memref_squeeze %dma_start3A_113 : memref<1x128x128xf32, #tpu.memory_space<vmem>> -> memref<128x128xf32, #tpu.memory_space<vmem>>
        %dma_start3A_115 = arith.constant 0 : i32
        %dma_start3A_116 = tpu.memref_slice %arg7[%rem3A_54, %dma_start3A_108, %dma_start3A_115] : memref<2x16x128xi32, #tpu.memory_space<vmem>> -> memref<1x1x128xi32, #tpu.memory_space<vmem>>
        %dma_start3A_117 = tpu.memref_squeeze %dma_start3A_116 : memref<1x1x128xi32, #tpu.memory_space<vmem>> -> memref<128xi32, #tpu.memory_space<vmem>>
        %dma_start3A_118 = arith.constant 0 : i32
        %dma_start3A_119 = arith.constant 0 : i32
        %dma_start3A_120 = tpu.memref_slice %arg2[%dma_start3A_118, %dma_start3A_119] : memref<10240x128xf32, #tpu.memory_space<hbm>> -> memref<10240x128xf32, #tpu.memory_space<hbm>>
        %dma_start3A_121 = tpu.memref_slice %arg11[%dma_start3A_110] : memref<2x!tpu.dma_semaphore, #tpu.memory_space<semaphore_mem>> -> memref<1x!tpu.dma_semaphore, #tpu.memory_space<semaphore_mem>>
        %dma_start3A_122 = tpu.memref_squeeze %dma_start3A_121 : memref<1x!tpu.dma_semaphore, #tpu.memory_space<semaphore_mem>> -> memref<!tpu.dma_semaphore, #tpu.memory_space<semaphore_mem>>
        tpu.enqueue_indirect_dma source(%dma_start3A_120 : memref<10240x128xf32, #tpu.memory_space<hbm>>) target(%dma_start3A_114 : memref<128x128xf32, #tpu.memory_space<vmem>>) offsets(%dma_start3A_117 : memref<128xi32, #tpu.memory_space<vmem>>) semaphore(%dma_start3A_122 : memref<!tpu.dma_semaphore, #tpu.memory_space<semaphore_mem>>)
      } else {
      }
    }
    %while3A_37 = arith.constant 1 : i32
    scf.for %while3A_49 = %while3A_35 to %while3A_31 step %while3A_37  : i32 {
      %rem3A = arith.constant 2 : i32
      %rem3A_50 = arith.remsi %while3A_49, %rem3A : i32
      %add3A_51 = arith.constant 1 : i32
      %add3A_52 = arith.addi %while3A_49, %add3A_51 : i32
      %rem3A_53 = arith.constant 2 : i32
      %rem3A_54 = arith.remsi %add3A_52, %rem3A_53 : i32
      %add3A_55 = arith.constant 1 : i32
      %add3A_56 = arith.addi %while3A_49, %add3A_55 : i32
      %lt3A = arith.constant 5 : i32
      %lt3A_57 = arith.cmpi slt, %add3A_56, %lt3A : i32
      %convert_element_type3A_58 = arith.extui %lt3A_57 : i1 to i32
      %cond3A_59 = arith.constant 0 : i32
      %cond3A_60 = arith.cmpi ne, %convert_element_type3A_58, %cond3A_59 : i32
      scf.if %cond3A_60 {
        %add3A_75 = arith.constant 1 : i32
        %add3A_76 = arith.addi %while3A_49, %add3A_75 : i32
        %mul3A_77 = arith.constant 16 : i32
        %mul3A_78 = arith.muli %add3A_76, %mul3A_77 : i32
        %add3A_79 = arith.addi %mul3A_2, %mul3A_78 : i32
        %dma_start3A_80 = arith.constant 0 : i32
        %dma_start3A_81 = arith.constant 0 : i32
        %dma_start3A_82 = tpu.memref_slice %arg7[%rem3A_54, %dma_start3A_80, %dma_start3A_81] : memref<2x16x128xi32, #tpu.memory_space<vmem>> -> memref<1x16x128xi32, #tpu.memory_space<vmem>>
        %dma_start3A_83 = tpu.memref_squeeze %dma_start3A_82 : memref<1x16x128xi32, #tpu.memory_space<vmem>> -> memref<16x128xi32, #tpu.memory_space<vmem>>
        %dma_start3A_84 = arith.constant 0 : i32
        %dma_start3A_85 = tpu.memref_slice %arg3[%add3A_79, %dma_start3A_84] : memref<2560x128xi32, #tpu.memory_space<hbm>> -> memref<16x128xi32, #tpu.memory_space<hbm>>
        %dma_start3A_86 = arith.constant 0 : i32
        %dma_start3A_87 = arith.constant 0 : i32
        %dma_start3A_88 = tpu.memref_slice %arg7[%rem3A_54, %dma_start3A_86, %dma_start3A_87] : memref<2x16x128xi32, #tpu.memory_space<vmem>> -> memref<1x16x128xi32, #tpu.memory_space<vmem>>
        %dma_start3A_89 = tpu.memref_squeeze %dma_start3A_88 : memref<1x16x128xi32, #tpu.memory_space<vmem>> -> memref<16x128xi32, #tpu.memory_space<vmem>>
        %dma_start3A_90 = arith.constant 0 : i32
        %dma_start3A_91 = tpu.memref_slice %arg3[%add3A_79, %dma_start3A_90] : memref<2560x128xi32, #tpu.memory_space<hbm>> -> memref<16x128xi32, #tpu.memory_space<hbm>>
        tpu.enqueue_dma source(%dma_start3A_91 : memref<16x128xi32, #tpu.memory_space<hbm>>) target(%dma_start3A_89 : memref<16x128xi32, #tpu.memory_space<vmem>>) target_semaphore(%arg12 : memref<!tpu.dma_semaphore, #tpu.memory_space<semaphore_mem>>)
        %add3A_92 = arith.constant 1 : i32
        %add3A_93 = arith.addi %while3A_49, %add3A_92 : i32
        %mul3A_94 = arith.constant 16 : i32
        %mul3A_95 = arith.muli %add3A_93, %mul3A_94 : i32
        %add3A_96 = arith.addi %mul3A_2, %mul3A_95 : i32
        %dma_start3A_97 = arith.constant 0 : i32
        %dma_start3A_98 = arith.constant 0 : i32
        %dma_start3A_99 = tpu.memref_slice %arg8[%rem3A_54, %dma_start3A_97, %dma_start3A_98] : memref<2x16x128xi32, #tpu.memory_space<vmem>> -> memref<1x16x128xi32, #tpu.memory_space<vmem>>
        %dma_start3A_100 = tpu.memref_squeeze %dma_start3A_99 : memref<1x16x128xi32, #tpu.memory_space<vmem>> -> memref<16x128xi32, #tpu.memory_space<vmem>>
        %dma_start3A_101 = arith.constant 0 : i32
        %dma_start3A_102 = tpu.memref_slice %arg4[%add3A_96, %dma_start3A_101] : memref<2560x128xi32, #tpu.memory_space<hbm>> -> memref<16x128xi32, #tpu.memory_space<hbm>>
        %dma_start3A_103 = arith.constant 0 : i32
        %dma_start3A_104 = arith.constant 0 : i32
        %dma_start3A_105 = tpu.memref_slice %arg8[%rem3A_54, %dma_start3A_103, %dma_start3A_104] : memref<2x16x128xi32, #tpu.memory_space<vmem>> -> memref<1x16x128xi32, #tpu.memory_space<vmem>>
        %dma_start3A_106 = tpu.memref_squeeze %dma_start3A_105 : memref<1x16x128xi32, #tpu.memory_space<vmem>> -> memref<16x128xi32, #tpu.memory_space<vmem>>
        %dma_start3A_107 = arith.constant 0 : i32
        %dma_start3A_108 = tpu.memref_slice %arg4[%add3A_96, %dma_start3A_107] : memref<2560x128xi32, #tpu.memory_space<hbm>> -> memref<16x128xi32, #tpu.memory_space<hbm>>
        tpu.enqueue_dma source(%dma_start3A_108 : memref<16x128xi32, #tpu.memory_space<hbm>>) target(%dma_start3A_106 : memref<16x128xi32, #tpu.memory_space<vmem>>) target_semaphore(%arg12 : memref<!tpu.dma_semaphore, #tpu.memory_space<semaphore_mem>>)
      } else {
      }
      %while3A_61 = arith.constant 0 : i32
      %while3A_62 = arith.constant 0 : i32
      %while3A_63 = arith.constant 16 : i32
      %while3A_64 = arith.subi %while3A_63, %while3A_62 : i32
      %while3A_65 = arith.addi %while3A_62, %while3A_64 : i32
      %while3A_66 = arith.constant 1 : i32
      %while3A_67 = arith.divsi %while3A_64, %while3A_66 : i32
      %while3A_68 = arith.muli %while3A_67, %while3A_66 : i32
      %while3A_69 = arith.addi %while3A_62, %while3A_68 : i32
      %while3A_70 = arith.constant 1 : i32
      scf.for %while3A_75 = %while3A_62 to %while3A_69 step %while3A_70  : i32 {
        %rem3A_76 = arith.constant 2 : i32
        %rem3A_77 = arith.remsi %while3A_75, %rem3A_76 : i32
        %add3A_78 = arith.constant 1 : i32
        %add3A_79 = arith.addi %while3A_75, %add3A_78 : i32
        %rem3A_80 = arith.constant 2 : i32
        %rem3A_81 = arith.remsi %add3A_79, %rem3A_80 : i32
        %lt3A_82 = arith.constant 15 : i32
        %lt3A_83 = arith.cmpi slt, %while3A_75, %lt3A_82 : i32
        %convert_element_type3A_84 = arith.extui %lt3A_83 : i1 to i32
        %cond3A_85 = arith.constant 0 : i32
        %cond3A_86 = arith.cmpi ne, %convert_element_type3A_84, %cond3A_85 : i32
        scf.if %cond3A_86 {
          %add3A_98 = arith.constant 1 : i32
          %add3A_99 = arith.addi %while3A_75, %add3A_98 : i32
          %dma_start3A_100 = arith.constant 0 : i32
          %dma_start3A_101 = arith.constant 0 : i32
          %dma_start3A_102 = tpu.memref_slice %arg9[%rem3A_81, %dma_start3A_100, %dma_start3A_101] : memref<2x128x128xf32, #tpu.memory_space<vmem>> -> memref<1x128x128xf32, #tpu.memory_space<vmem>>
          %dma_start3A_103 = tpu.memref_squeeze %dma_start3A_102 : memref<1x128x128xf32, #tpu.memory_space<vmem>> -> memref<128x128xf32, #tpu.memory_space<vmem>>
          %dma_start3A_104 = arith.constant 0 : i32
          %dma_start3A_105 = tpu.memref_slice %arg7[%rem3A_50, %add3A_99, %dma_start3A_104] : memref<2x16x128xi32, #tpu.memory_space<vmem>> -> memref<1x1x128xi32, #tpu.memory_space<vmem>>
          %dma_start3A_106 = tpu.memref_squeeze %dma_start3A_105 : memref<1x1x128xi32, #tpu.memory_space<vmem>> -> memref<128xi32, #tpu.memory_space<vmem>>
          %dma_start3A_107 = arith.constant 0 : i32
          %dma_start3A_108 = arith.constant 0 : i32
          %dma_start3A_109 = tpu.memref_slice %arg2[%dma_start3A_107, %dma_start3A_108] : memref<10240x128xf32, #tpu.memory_space<hbm>> -> memref<10240x128xf32, #tpu.memory_space<hbm>>
          %dma_start3A_110 = tpu.memref_slice %arg11[%rem3A_81] : memref<2x!tpu.dma_semaphore, #tpu.memory_space<semaphore_mem>> -> memref<1x!tpu.dma_semaphore, #tpu.memory_space<semaphore_mem>>
          %dma_start3A_111 = tpu.memref_squeeze %dma_start3A_110 : memref<1x!tpu.dma_semaphore, #tpu.memory_space<semaphore_mem>> -> memref<!tpu.dma_semaphore, #tpu.memory_space<semaphore_mem>>
          tpu.enqueue_indirect_dma source(%dma_start3A_109 : memref<10240x128xf32, #tpu.memory_space<hbm>>) target(%dma_start3A_103 : memref<128x128xf32, #tpu.memory_space<vmem>>) offsets(%dma_start3A_106 : memref<128xi32, #tpu.memory_space<vmem>>) semaphore(%dma_start3A_111 : memref<!tpu.dma_semaphore, #tpu.memory_space<semaphore_mem>>)
        } else {
        }
        %dma_wait3A = arith.constant 0 : i32
        %dma_wait3A_87 = arith.constant 0 : i32
        %dma_wait3A_88 = tpu.memref_slice %arg9[%rem3A_77, %dma_wait3A, %dma_wait3A_87] : memref<2x128x128xf32, #tpu.memory_space<vmem>> -> memref<1x128x128xf32, #tpu.memory_space<vmem>>
        %dma_wait3A_89 = tpu.memref_squeeze %dma_wait3A_88 : memref<1x128x128xf32, #tpu.memory_space<vmem>> -> memref<128x128xf32, #tpu.memory_space<vmem>>
        %dma_wait3A_90 = arith.constant 0 : i32
        %dma_wait3A_91 = tpu.memref_slice %arg7[%rem3A_50, %while3A_75, %dma_wait3A_90] : memref<2x16x128xi32, #tpu.memory_space<vmem>> -> memref<1x1x128xi32, #tpu.memory_space<vmem>>
        %dma_wait3A_92 = tpu.memref_squeeze %dma_wait3A_91 : memref<1x1x128xi32, #tpu.memory_space<vmem>> -> memref<128xi32, #tpu.memory_space<vmem>>
        %dma_wait3A_93 = arith.constant 0 : i32
        %dma_wait3A_94 = arith.constant 0 : i32
        %dma_wait3A_95 = tpu.memref_slice %arg2[%dma_wait3A_93, %dma_wait3A_94] : memref<10240x128xf32, #tpu.memory_space<hbm>> -> memref<10240x128xf32, #tpu.memory_space<hbm>>
        %dma_wait3A_96 = tpu.memref_slice %arg11[%rem3A_77] : memref<2x!tpu.dma_semaphore, #tpu.memory_space<semaphore_mem>> -> memref<1x!tpu.dma_semaphore, #tpu.memory_space<semaphore_mem>>
        %dma_wait3A_97 = tpu.memref_squeeze %dma_wait3A_96 : memref<1x!tpu.dma_semaphore, #tpu.memory_space<semaphore_mem>> -> memref<!tpu.dma_semaphore, #tpu.memory_space<semaphore_mem>>
        tpu.wait_indirect_dma semaphore(%dma_wait3A_97 : memref<!tpu.dma_semaphore, #tpu.memory_space<semaphore_mem>>) src(%dma_wait3A_95 : memref<10240x128xf32, #tpu.memory_space<hbm>>) dst(%dma_wait3A_89 : memref<128x128xf32, #tpu.memory_space<vmem>>)
        "tpu.region"() ({
          %run_scoped3A_98 = tpu.sem_alloc : memref<!tpu.dma_semaphore, #tpu.memory_space<semaphore_mem>>
          %dma_start3A_99 = arith.constant 0 : i32
          %dma_start3A_100 = arith.constant 0 : i32
          %dma_start3A_101 = tpu.memref_slice %arg9[%rem3A_77, %dma_start3A_99, %dma_start3A_100] : memref<2x128x128xf32, #tpu.memory_space<vmem>> -> memref<1x128x128xf32, #tpu.memory_space<vmem>>
          %dma_start3A_102 = tpu.memref_squeeze %dma_start3A_101 : memref<1x128x128xf32, #tpu.memory_space<vmem>> -> memref<128x128xf32, #tpu.memory_space<vmem>>
          %dma_start3A_103 = arith.constant 0 : i32
          %dma_start3A_104 = tpu.memref_slice %arg8[%rem3A_50, %while3A_75, %dma_start3A_103] : memref<2x16x128xi32, #tpu.memory_space<vmem>> -> memref<1x1x128xi32, #tpu.memory_space<vmem>>
          %dma_start3A_105 = tpu.memref_squeeze %dma_start3A_104 : memref<1x1x128xi32, #tpu.memory_space<vmem>> -> memref<128xi32, #tpu.memory_space<vmem>>
          %dma_start3A_106 = arith.constant 0 : i32
          %dma_start3A_107 = arith.constant 0 : i32
          %dma_start3A_108 = tpu.memref_slice %arg10[%dma_start3A_106, %dma_start3A_107] : memref<10240x128xf32, #tpu.memory_space<vmem_shared>> -> memref<10240x128xf32, #tpu.memory_space<vmem_shared>>
          tpu.enqueue_indirect_dma source(%dma_start3A_102 : memref<128x128xf32, #tpu.memory_space<vmem>>) target(%dma_start3A_108 : memref<10240x128xf32, #tpu.memory_space<vmem_shared>>) offsets(%dma_start3A_105 : memref<128xi32, #tpu.memory_space<vmem>>) semaphore(%run_scoped3A_98 : memref<!tpu.dma_semaphore, #tpu.memory_space<semaphore_mem>>) {add = true}
          %dma_wait3A_109 = arith.constant 0 : i32
          %dma_wait3A_110 = arith.constant 0 : i32
          %dma_wait3A_111 = tpu.memref_slice %arg9[%rem3A_77, %dma_wait3A_109, %dma_wait3A_110] : memref<2x128x128xf32, #tpu.memory_space<vmem>> -> memref<1x128x128xf32, #tpu.memory_space<vmem>>
          %dma_wait3A_112 = tpu.memref_squeeze %dma_wait3A_111 : memref<1x128x128xf32, #tpu.memory_space<vmem>> -> memref<128x128xf32, #tpu.memory_space<vmem>>
          %dma_wait3A_113 = arith.constant 0 : i32
          %dma_wait3A_114 = tpu.memref_slice %arg8[%rem3A_50, %while3A_75, %dma_wait3A_113] : memref<2x16x128xi32, #tpu.memory_space<vmem>> -> memref<1x1x128xi32, #tpu.memory_space<vmem>>
          %dma_wait3A_115 = tpu.memref_squeeze %dma_wait3A_114 : memref<1x1x128xi32, #tpu.memory_space<vmem>> -> memref<128xi32, #tpu.memory_space<vmem>>
          %dma_wait3A_116 = arith.constant 0 : i32
          %dma_wait3A_117 = arith.constant 0 : i32
          %dma_wait3A_118 = tpu.memref_slice %arg10[%dma_wait3A_116, %dma_wait3A_117] : memref<10240x128xf32, #tpu.memory_space<vmem_shared>> -> memref<10240x128xf32, #tpu.memory_space<vmem_shared>>
          tpu.wait_indirect_dma semaphore(%run_scoped3A_98 : memref<!tpu.dma_semaphore, #tpu.memory_space<semaphore_mem>>) src(%dma_wait3A_112 : memref<128x128xf32, #tpu.memory_space<vmem>>) dst(%dma_wait3A_118 : memref<10240x128xf32, #tpu.memory_space<vmem_shared>>)
          tpu.yield
        }) : () -> ()
      }
      %while3A_71 = arith.constant 1 : i32
      scf.for %while3A_75 = %while3A_69 to %while3A_65 step %while3A_71  : i32 {
        %rem3A_76 = arith.constant 2 : i32
        %rem3A_77 = arith.remsi %while3A_75, %rem3A_76 : i32
        %add3A_78 = arith.constant 1 : i32
        %add3A_79 = arith.addi %while3A_75, %add3A_78 : i32
        %rem3A_80 = arith.constant 2 : i32
        %rem3A_81 = arith.remsi %add3A_79, %rem3A_80 : i32
        %lt3A_82 = arith.constant 15 : i32
        %lt3A_83 = arith.cmpi slt, %while3A_75, %lt3A_82 : i32
        %convert_element_type3A_84 = arith.extui %lt3A_83 : i1 to i32
        %cond3A_85 = arith.constant 0 : i32
        %cond3A_86 = arith.cmpi ne, %convert_element_type3A_84, %cond3A_85 : i32
        scf.if %cond3A_86 {
          %add3A_98 = arith.constant 1 : i32
          %add3A_99 = arith.addi %while3A_75, %add3A_98 : i32
          %dma_start3A_100 = arith.constant 0 : i32
          %dma_start3A_101 = arith.constant 0 : i32
          %dma_start3A_102 = tpu.memref_slice %arg9[%rem3A_81, %dma_start3A_100, %dma_start3A_101] : memref<2x128x128xf32, #tpu.memory_space<vmem>> -> memref<1x128x128xf32, #tpu.memory_space<vmem>>
          %dma_start3A_103 = tpu.memref_squeeze %dma_start3A_102 : memref<1x128x128xf32, #tpu.memory_space<vmem>> -> memref<128x128xf32, #tpu.memory_space<vmem>>
          %dma_start3A_104 = arith.constant 0 : i32
          %dma_start3A_105 = tpu.memref_slice %arg7[%rem3A_50, %add3A_99, %dma_start3A_104] : memref<2x16x128xi32, #tpu.memory_space<vmem>> -> memref<1x1x128xi32, #tpu.memory_space<vmem>>
          %dma_start3A_106 = tpu.memref_squeeze %dma_start3A_105 : memref<1x1x128xi32, #tpu.memory_space<vmem>> -> memref<128xi32, #tpu.memory_space<vmem>>
          %dma_start3A_107 = arith.constant 0 : i32
          %dma_start3A_108 = arith.constant 0 : i32
          %dma_start3A_109 = tpu.memref_slice %arg2[%dma_start3A_107, %dma_start3A_108] : memref<10240x128xf32, #tpu.memory_space<hbm>> -> memref<10240x128xf32, #tpu.memory_space<hbm>>
          %dma_start3A_110 = tpu.memref_slice %arg11[%rem3A_81] : memref<2x!tpu.dma_semaphore, #tpu.memory_space<semaphore_mem>> -> memref<1x!tpu.dma_semaphore, #tpu.memory_space<semaphore_mem>>
          %dma_start3A_111 = tpu.memref_squeeze %dma_start3A_110 : memref<1x!tpu.dma_semaphore, #tpu.memory_space<semaphore_mem>> -> memref<!tpu.dma_semaphore, #tpu.memory_space<semaphore_mem>>
          tpu.enqueue_indirect_dma source(%dma_start3A_109 : memref<10240x128xf32, #tpu.memory_space<hbm>>) target(%dma_start3A_103 : memref<128x128xf32, #tpu.memory_space<vmem>>) offsets(%dma_start3A_106 : memref<128xi32, #tpu.memory_space<vmem>>) semaphore(%dma_start3A_111 : memref<!tpu.dma_semaphore, #tpu.memory_space<semaphore_mem>>)
        } else {
        }
        %dma_wait3A = arith.constant 0 : i32
        %dma_wait3A_87 = arith.constant 0 : i32
        %dma_wait3A_88 = tpu.memref_slice %arg9[%rem3A_77, %dma_wait3A, %dma_wait3A_87] : memref<2x128x128xf32, #tpu.memory_space<vmem>> -> memref<1x128x128xf32, #tpu.memory_space<vmem>>
        %dma_wait3A_89 = tpu.memref_squeeze %dma_wait3A_88 : memref<1x128x128xf32, #tpu.memory_space<vmem>> -> memref<128x128xf32, #tpu.memory_space<vmem>>
        %dma_wait3A_90 = arith.constant 0 : i32
        %dma_wait3A_91 = tpu.memref_slice %arg7[%rem3A_50, %while3A_75, %dma_wait3A_90] : memref<2x16x128xi32, #tpu.memory_space<vmem>> -> memref<1x1x128xi32, #tpu.memory_space<vmem>>
        %dma_wait3A_92 = tpu.memref_squeeze %dma_wait3A_91 : memref<1x1x128xi32, #tpu.memory_space<vmem>> -> memref<128xi32, #tpu.memory_space<vmem>>
        %dma_wait3A_93 = arith.constant 0 : i32
        %dma_wait3A_94 = arith.constant 0 : i32
        %dma_wait3A_95 = tpu.memref_slice %arg2[%dma_wait3A_93, %dma_wait3A_94] : memref<10240x128xf32, #tpu.memory_space<hbm>> -> memref<10240x128xf32, #tpu.memory_space<hbm>>
        %dma_wait3A_96 = tpu.memref_slice %arg11[%rem3A_77] : memref<2x!tpu.dma_semaphore, #tpu.memory_space<semaphore_mem>> -> memref<1x!tpu.dma_semaphore, #tpu.memory_space<semaphore_mem>>
        %dma_wait3A_97 = tpu.memref_squeeze %dma_wait3A_96 : memref<1x!tpu.dma_semaphore, #tpu.memory_space<semaphore_mem>> -> memref<!tpu.dma_semaphore, #tpu.memory_space<semaphore_mem>>
        tpu.wait_indirect_dma semaphore(%dma_wait3A_97 : memref<!tpu.dma_semaphore, #tpu.memory_space<semaphore_mem>>) src(%dma_wait3A_95 : memref<10240x128xf32, #tpu.memory_space<hbm>>) dst(%dma_wait3A_89 : memref<128x128xf32, #tpu.memory_space<vmem>>)
        "tpu.region"() ({
          %run_scoped3A_98 = tpu.sem_alloc : memref<!tpu.dma_semaphore, #tpu.memory_space<semaphore_mem>>
          %dma_start3A_99 = arith.constant 0 : i32
          %dma_start3A_100 = arith.constant 0 : i32
          %dma_start3A_101 = tpu.memref_slice %arg9[%rem3A_77, %dma_start3A_99, %dma_start3A_100] : memref<2x128x128xf32, #tpu.memory_space<vmem>> -> memref<1x128x128xf32, #tpu.memory_space<vmem>>
          %dma_start3A_102 = tpu.memref_squeeze %dma_start3A_101 : memref<1x128x128xf32, #tpu.memory_space<vmem>> -> memref<128x128xf32, #tpu.memory_space<vmem>>
          %dma_start3A_103 = arith.constant 0 : i32
          %dma_start3A_104 = tpu.memref_slice %arg8[%rem3A_50, %while3A_75, %dma_start3A_103] : memref<2x16x128xi32, #tpu.memory_space<vmem>> -> memref<1x1x128xi32, #tpu.memory_space<vmem>>
          %dma_start3A_105 = tpu.memref_squeeze %dma_start3A_104 : memref<1x1x128xi32, #tpu.memory_space<vmem>> -> memref<128xi32, #tpu.memory_space<vmem>>
          %dma_start3A_106 = arith.constant 0 : i32
          %dma_start3A_107 = arith.constant 0 : i32
          %dma_start3A_108 = tpu.memref_slice %arg10[%dma_start3A_106, %dma_start3A_107] : memref<10240x128xf32, #tpu.memory_space<vmem_shared>> -> memref<10240x128xf32, #tpu.memory_space<vmem_shared>>
          tpu.enqueue_indirect_dma source(%dma_start3A_102 : memref<128x128xf32, #tpu.memory_space<vmem>>) target(%dma_start3A_108 : memref<10240x128xf32, #tpu.memory_space<vmem_shared>>) offsets(%dma_start3A_105 : memref<128xi32, #tpu.memory_space<vmem>>) semaphore(%run_scoped3A_98 : memref<!tpu.dma_semaphore, #tpu.memory_space<semaphore_mem>>) {add = true}
          %dma_wait3A_109 = arith.constant 0 : i32
          %dma_wait3A_110 = arith.constant 0 : i32
          %dma_wait3A_111 = tpu.memref_slice %arg9[%rem3A_77, %dma_wait3A_109, %dma_wait3A_110] : memref<2x128x128xf32, #tpu.memory_space<vmem>> -> memref<1x128x128xf32, #tpu.memory_space<vmem>>
          %dma_wait3A_112 = tpu.memref_squeeze %dma_wait3A_111 : memref<1x128x128xf32, #tpu.memory_space<vmem>> -> memref<128x128xf32, #tpu.memory_space<vmem>>
          %dma_wait3A_113 = arith.constant 0 : i32
          %dma_wait3A_114 = tpu.memref_slice %arg8[%rem3A_50, %while3A_75, %dma_wait3A_113] : memref<2x16x128xi32, #tpu.memory_space<vmem>> -> memref<1x1x128xi32, #tpu.memory_space<vmem>>
          %dma_wait3A_115 = tpu.memref_squeeze %dma_wait3A_114 : memref<1x1x128xi32, #tpu.memory_space<vmem>> -> memref<128xi32, #tpu.memory_space<vmem>>
          %dma_wait3A_116 = arith.constant 0 : i32
          %dma_wait3A_117 = arith.constant 0 : i32
          %dma_wait3A_118 = tpu.memref_slice %arg10[%dma_wait3A_116, %dma_wait3A_117] : memref<10240x128xf32, #tpu.memory_space<vmem_shared>> -> memref<10240x128xf32, #tpu.memory_space<vmem_shared>>
          tpu.wait_indirect_dma semaphore(%run_scoped3A_98 : memref<!tpu.dma_semaphore, #tpu.memory_space<semaphore_mem>>) src(%dma_wait3A_112 : memref<128x128xf32, #tpu.memory_space<vmem>>) dst(%dma_wait3A_118 : memref<10240x128xf32, #tpu.memory_space<vmem_shared>>)
          tpu.yield
        }) : () -> ()
      }
      %convert_element_type3A_72 = arith.extui %lt3A_57 : i1 to i32
      %cond3A_73 = arith.constant 0 : i32
      %cond3A_74 = arith.cmpi ne, %convert_element_type3A_72, %cond3A_73 : i32
      scf.if %cond3A_74 {
        %add3A_75 = arith.constant 1 : i32
        %add3A_76 = arith.addi %while3A_49, %add3A_75 : i32
        %mul3A_77 = arith.constant 16 : i32
        %mul3A_78 = arith.muli %add3A_76, %mul3A_77 : i32
        %add3A_79 = arith.addi %mul3A_2, %mul3A_78 : i32
        %dma_wait3A = arith.constant 0 : i32
        %dma_wait3A_80 = arith.constant 0 : i32
        %dma_wait3A_81 = tpu.memref_slice %arg7[%rem3A_54, %dma_wait3A, %dma_wait3A_80] : memref<2x16x128xi32, #tpu.memory_space<vmem>> -> memref<1x16x128xi32, #tpu.memory_space<vmem>>
        %dma_wait3A_82 = tpu.memref_squeeze %dma_wait3A_81 : memref<1x16x128xi32, #tpu.memory_space<vmem>> -> memref<16x128xi32, #tpu.memory_space<vmem>>
        %dma_wait3A_83 = arith.constant 0 : i32
        %dma_wait3A_84 = tpu.memref_slice %arg3[%add3A_79, %dma_wait3A_83] : memref<2560x128xi32, #tpu.memory_space<hbm>> -> memref<16x128xi32, #tpu.memory_space<hbm>>
        %dma_wait3A_85 = arith.constant 0 : i32
        %dma_wait3A_86 = arith.constant 0 : i32
        %dma_wait3A_87 = tpu.memref_slice %arg7[%rem3A_54, %dma_wait3A_85, %dma_wait3A_86] : memref<2x16x128xi32, #tpu.memory_space<vmem>> -> memref<1x16x128xi32, #tpu.memory_space<vmem>>
        %dma_wait3A_88 = tpu.memref_squeeze %dma_wait3A_87 : memref<1x16x128xi32, #tpu.memory_space<vmem>> -> memref<16x128xi32, #tpu.memory_space<vmem>>
        %dma_wait3A_89 = arith.constant 0 : i32
        %dma_wait3A_90 = tpu.memref_slice %arg3[%add3A_79, %dma_wait3A_89] : memref<2560x128xi32, #tpu.memory_space<hbm>> -> memref<16x128xi32, #tpu.memory_space<hbm>>
        tpu.wait_dma2 semaphore(%arg12 : memref<!tpu.dma_semaphore, #tpu.memory_space<semaphore_mem>>) src(%dma_wait3A_90 : memref<16x128xi32, #tpu.memory_space<hbm>>) dst(%dma_wait3A_88 : memref<16x128xi32, #tpu.memory_space<vmem>>)
        %add3A_91 = arith.constant 1 : i32
        %add3A_92 = arith.addi %while3A_49, %add3A_91 : i32
        %mul3A_93 = arith.constant 16 : i32
        %mul3A_94 = arith.muli %add3A_92, %mul3A_93 : i32
        %add3A_95 = arith.addi %mul3A_2, %mul3A_94 : i32
        %dma_wait3A_96 = arith.constant 0 : i32
        %dma_wait3A_97 = arith.constant 0 : i32
        %dma_wait3A_98 = tpu.memref_slice %arg8[%rem3A_54, %dma_wait3A_96, %dma_wait3A_97] : memref<2x16x128xi32, #tpu.memory_space<vmem>> -> memref<1x16x128xi32, #tpu.memory_space<vmem>>
        %dma_wait3A_99 = tpu.memref_squeeze %dma_wait3A_98 : memref<1x16x128xi32, #tpu.memory_space<vmem>> -> memref<16x128xi32, #tpu.memory_space<vmem>>
        %dma_wait3A_100 = arith.constant 0 : i32
        %dma_wait3A_101 = tpu.memref_slice %arg4[%add3A_95, %dma_wait3A_100] : memref<2560x128xi32, #tpu.memory_space<hbm>> -> memref<16x128xi32, #tpu.memory_space<hbm>>
        %dma_wait3A_102 = arith.constant 0 : i32
        %dma_wait3A_103 = arith.constant 0 : i32
        %dma_wait3A_104 = tpu.memref_slice %arg8[%rem3A_54, %dma_wait3A_102, %dma_wait3A_103] : memref<2x16x128xi32, #tpu.memory_space<vmem>> -> memref<1x16x128xi32, #tpu.memory_space<vmem>>
        %dma_wait3A_105 = tpu.memref_squeeze %dma_wait3A_104 : memref<1x16x128xi32, #tpu.memory_space<vmem>> -> memref<16x128xi32, #tpu.memory_space<vmem>>
        %dma_wait3A_106 = arith.constant 0 : i32
        %dma_wait3A_107 = tpu.memref_slice %arg4[%add3A_95, %dma_wait3A_106] : memref<2560x128xi32, #tpu.memory_space<hbm>> -> memref<16x128xi32, #tpu.memory_space<hbm>>
        tpu.wait_dma2 semaphore(%arg12 : memref<!tpu.dma_semaphore, #tpu.memory_space<semaphore_mem>>) src(%dma_wait3A_107 : memref<16x128xi32, #tpu.memory_space<hbm>>) dst(%dma_wait3A_105 : memref<16x128xi32, #tpu.memory_space<vmem>>)
        %dma_start3A_108 = arith.constant 0 : i32
        %dma_start3A_109 = arith.constant 0 : i32
        %dma_start3A_110 = arith.constant 0 : i32
        %dma_start3A_111 = arith.constant 0 : i32
        %dma_start3A_112 = arith.constant 0 : i32
        %dma_start3A_113 = tpu.memref_slice %arg9[%dma_start3A_109, %dma_start3A_111, %dma_start3A_112] : memref<2x128x128xf32, #tpu.memory_space<vmem>> -> memref<1x128x128xf32, #tpu.memory_space<vmem>>
        %dma_start3A_114 = tpu.memref_squeeze %dma_start3A_113 : memref<1x128x128xf32, #tpu.memory_space<vmem>> -> memref<128x128xf32, #tpu.memory_space<vmem>>
        %dma_start3A_115 = arith.constant 0 : i32
        %dma_start3A_116 = tpu.memref_slice %arg7[%rem3A_54, %dma_start3A_108, %dma_start3A_115] : memref<2x16x128xi32, #tpu.memory_space<vmem>> -> memref<1x1x128xi32, #tpu.memory_space<vmem>>
        %dma_start3A_117 = tpu.memref_squeeze %dma_start3A_116 : memref<1x1x128xi32, #tpu.memory_space<vmem>> -> memref<128xi32, #tpu.memory_space<vmem>>
        %dma_start3A_118 = arith.constant 0 : i32
        %dma_start3A_119 = arith.constant 0 : i32
        %dma_start3A_120 = tpu.memref_slice %arg2[%dma_start3A_118, %dma_start3A_119] : memref<10240x128xf32, #tpu.memory_space<hbm>> -> memref<10240x128xf32, #tpu.memory_space<hbm>>
        %dma_start3A_121 = tpu.memref_slice %arg11[%dma_start3A_110] : memref<2x!tpu.dma_semaphore, #tpu.memory_space<semaphore_mem>> -> memref<1x!tpu.dma_semaphore, #tpu.memory_space<semaphore_mem>>
        %dma_start3A_122 = tpu.memref_squeeze %dma_start3A_121 : memref<1x!tpu.dma_semaphore, #tpu.memory_space<semaphore_mem>> -> memref<!tpu.dma_semaphore, #tpu.memory_space<semaphore_mem>>
        tpu.enqueue_indirect_dma source(%dma_start3A_120 : memref<10240x128xf32, #tpu.memory_space<hbm>>) target(%dma_start3A_114 : memref<128x128xf32, #tpu.memory_space<vmem>>) offsets(%dma_start3A_117 : memref<128xi32, #tpu.memory_space<vmem>>) semaphore(%dma_start3A_122 : memref<!tpu.dma_semaphore, #tpu.memory_space<semaphore_mem>>)
      } else {
      }
    }
    %barrier3A_38 = arith.constant 0 : index
    tpu.barrier barrier_id(%barrier3A_38)
    %eq3A_39 = arith.constant 0 : i32
    %eq3A_40 = arith.cmpi eq, %arg0, %eq3A_39 : i32
    %convert_element_type3A_41 = arith.extui %eq3A_40 : i1 to i32
    %cond3A_42 = arith.constant 0 : i32
    %cond3A_43 = arith.cmpi ne, %convert_element_type3A_41, %cond3A_42 : i32
    scf.if %cond3A_43 {
      "tpu.region"() ({
        %run_scoped3A_49 = tpu.sem_alloc : memref<!tpu.dma_semaphore, #tpu.memory_space<semaphore_mem>>
        %dma_start3A_50 = arith.constant 0 : i32
        %dma_start3A_51 = tpu.memref_slice %arg5[%mul3A_4, %dma_start3A_50] : memref<10240x128xf32, #tpu.memory_space<hbm>> -> memref<640x128xf32, #tpu.memory_space<hbm>>
        %dma_start3A_52 = arith.constant 0 : i32
        %dma_start3A_53 = tpu.memref_slice %arg10[%mul3A_4, %dma_start3A_52] : memref<10240x128xf32, #tpu.memory_space<vmem_shared>> -> memref<640x128xf32, #tpu.memory_space<vmem_shared>>
        tpu.enqueue_dma source(%dma_start3A_53 : memref<640x128xf32, #tpu.memory_space<vmem_shared>>) target(%dma_start3A_51 : memref<640x128xf32, #tpu.memory_space<hbm>>) target_semaphore(%run_scoped3A_49 : memref<!tpu.dma_semaphore, #tpu.memory_space<semaphore_mem>>)
        %dma_wait3A = arith.constant 0 : i32
        %dma_wait3A_54 = tpu.memref_slice %arg5[%mul3A_4, %dma_wait3A] : memref<10240x128xf32, #tpu.memory_space<hbm>> -> memref<640x128xf32, #tpu.memory_space<hbm>>
        %dma_wait3A_55 = arith.constant 0 : i32
        %dma_wait3A_56 = tpu.memref_slice %arg10[%mul3A_4, %dma_wait3A_55] : memref<10240x128xf32, #tpu.memory_space<vmem_shared>> -> memref<640x128xf32, #tpu.memory_space<vmem_shared>>
        tpu.wait_dma2 semaphore(%run_scoped3A_49 : memref<!tpu.dma_semaphore, #tpu.memory_space<semaphore_mem>>) src(%dma_wait3A_56 : memref<640x128xf32, #tpu.memory_space<vmem_shared>>) dst(%dma_wait3A_54 : memref<640x128xf32, #tpu.memory_space<hbm>>)
        tpu.yield
      }) : () -> ()
    } else {
    }
    %eq3A_44 = arith.constant 1 : i32
    %eq3A_45 = arith.cmpi eq, %arg0, %eq3A_44 : i32
    %convert_element_type3A_46 = arith.extui %eq3A_45 : i1 to i32
    %cond3A_47 = arith.constant 0 : i32
    %cond3A_48 = arith.cmpi ne, %convert_element_type3A_46, %cond3A_47 : i32
    scf.if %cond3A_48 {
      "tpu.region"() ({
        %run_scoped3A_49 = tpu.sem_alloc : memref<!tpu.dma_semaphore, #tpu.memory_space<semaphore_mem>>
        %dma_start3A_50 = arith.constant 0 : i32
        %dma_start3A_51 = tpu.memref_slice %arg6[%mul3A_4, %dma_start3A_50] : memref<10240x128xf32, #tpu.memory_space<hbm>> -> memref<640x128xf32, #tpu.memory_space<hbm>>
        %dma_start3A_52 = arith.constant 0 : i32
        %dma_start3A_53 = tpu.memref_slice %arg10[%mul3A_4, %dma_start3A_52] : memref<10240x128xf32, #tpu.memory_space<vmem_shared>> -> memref<640x128xf32, #tpu.memory_space<vmem_shared>>
        tpu.enqueue_dma source(%dma_start3A_53 : memref<640x128xf32, #tpu.memory_space<vmem_shared>>) target(%dma_start3A_51 : memref<640x128xf32, #tpu.memory_space<hbm>>) target_semaphore(%run_scoped3A_49 : memref<!tpu.dma_semaphore, #tpu.memory_space<semaphore_mem>>)
        %dma_wait3A = arith.constant 0 : i32
        %dma_wait3A_54 = tpu.memref_slice %arg6[%mul3A_4, %dma_wait3A] : memref<10240x128xf32, #tpu.memory_space<hbm>> -> memref<640x128xf32, #tpu.memory_space<hbm>>
        %dma_wait3A_55 = arith.constant 0 : i32
        %dma_wait3A_56 = tpu.memref_slice %arg10[%mul3A_4, %dma_wait3A_55] : memref<10240x128xf32, #tpu.memory_space<vmem_shared>> -> memref<640x128xf32, #tpu.memory_space<vmem_shared>>
        tpu.wait_dma2 semaphore(%run_scoped3A_49 : memref<!tpu.dma_semaphore, #tpu.memory_space<semaphore_mem>>) src(%dma_wait3A_56 : memref<640x128xf32, #tpu.memory_space<vmem_shared>>) dst(%dma_wait3A_54 : memref<640x128xf32, #tpu.memory_space<hbm>>)
        tpu.yield
      }) : () -> ()
    } else {
    }
    return
  }
}

module attributes {stable_mosaic.version = 14 : i64} {
  func.func @_tc1_body(%arg0: i32, %arg1: memref<1x1x1024xf32, #tpu.memory_space<vmem>>, %arg2: memref<1x1x1024xf32, #tpu.memory_space<vmem>>, %arg3: memref<1024x128xf32, #tpu.memory_space<vmem>>, %arg4: memref<128x128xf32, #tpu.memory_space<vmem>>, %arg5: memref<1024x128xf32, #tpu.memory_space<vmem>>, %arg6: memref<1x1x1024xf32, #tpu.memory_space<vmem>>) attributes {dimension_semantics = [#tpu.dimension_semantics<arbitrary>], iteration_bounds = array<i64: 10>, scalar_prefetch = 0 : i64, scratch_operands = 0 : i64, tpu.core_type = #tpu.core_type<tc>, window_params = [{transform_indices = @transform_0, window_bounds = array<i64: 1, 1, 1024>}, {transform_indices = @transform_1, window_bounds = array<i64: 1, 1, 1024>}, {transform_indices = @transform_2, window_bounds = array<i64: 1024, 128>}, {pipeline_mode = #tpu.pipeline_mode<synchronous>, transform_indices = @transform_3, window_bounds = array<i64: 128, 128>}, {transform_indices = @transform_4, window_bounds = array<i64: 1024, 128>}, {transform_indices = @transform_5, window_bounds = array<i64: 1, 1, 1024>}]} {
    %get3A = arith.constant 0 : index
    %get3A_0 = arith.constant 0 : index
    %get3A_1 = arith.constant 0 : index
    %get3A_2 = vector.load %arg1[%get3A, %get3A_0, %get3A_1] : memref<1x1x1024xf32, #tpu.memory_space<vmem>>, vector<1x1x1024xf32>
    %get3A_3 = vector.shape_cast %get3A_2 : vector<1x1x1024xf32> to vector<1024xf32>
    %get3A_4 = arith.constant 0 : index
    %get3A_5 = arith.constant 0 : index
    %get3A_6 = arith.constant 0 : index
    %get3A_7 = vector.load %arg2[%get3A_4, %get3A_5, %get3A_6] : memref<1x1x1024xf32, #tpu.memory_space<vmem>>, vector<1x1x1024xf32>
    %get3A_8 = vector.shape_cast %get3A_7 : vector<1x1x1024xf32> to vector<1024xf32>
    %add3A = arith.addf %get3A_3, %get3A_8 : vector<1024xf32>
    %add3A_9 = arith.constant 1.000000e+00 : f32
    %add3A_10 = vector.broadcast %add3A_9 : f32 to vector<1024xf32>
    %add3A_11 = arith.addf %add3A, %add3A_10 : vector<1024xf32>
    %rsqrt3A = math.rsqrt %add3A_11 : vector<1024xf32>
    %get3A_12 = arith.constant 0 : index
    %get3A_13 = arith.constant 0 : index
    %get3A_14 = vector.load %arg3[%get3A_12, %get3A_13] : memref<1024x128xf32, #tpu.memory_space<vmem>>, vector<1024x128xf32>
    %get3A_15 = arith.constant 0 : index
    %get3A_16 = arith.constant 0 : index
    %get3A_17 = vector.load %arg4[%get3A_15, %get3A_16] : memref<128x128xf32, #tpu.memory_space<vmem>>, vector<128x128xf32>
    %dot_general3A = arith.constant dense<0.000000e+00> : vector<1024x128xf32>
    %dot_general3A_18 = tpu.matmul %get3A_14, %get3A_17, %dot_general3A {dimension_numbers = #tpu.dot_dimension_numbers<[1], [0], [0], [1], [0, 0, 1, 1], [], []>, precision = #tpu.contract_precision<fp32>, transpose_lhs_hint = false} : vector<1024x128xf32>, vector<128x128xf32>, vector<1024x128xf32> -> vector<1024x128xf32>
    %broadcast_in_dim3A = vector.shape_cast %rsqrt3A : vector<1024xf32> to vector<1024x1xf32>
    %mul3A = vector.broadcast %broadcast_in_dim3A : vector<1024x1xf32> to vector<1024x128xf32>
    %mul3A_19 = arith.mulf %mul3A, %dot_general3A_18 : vector<1024x128xf32>
    %swap3A = arith.constant 0 : index
    %swap3A_20 = arith.constant 0 : index
    %swap3A_21 = vector.load %arg5[%swap3A, %swap3A_20] : memref<1024x128xf32, #tpu.memory_space<vmem>>, vector<1024x128xf32>
    tpu.vector_store %arg5[%swap3A, %swap3A_20], %mul3A_19 {strides = array<i32>} : memref<1024x128xf32, #tpu.memory_space<vmem>>, vector<1024x128xf32>,
    %swap3A_22 = arith.constant 0 : index
    %swap3A_23 = arith.constant 0 : index
    %swap3A_24 = arith.constant 0 : index
    %swap3A_25 = vector.load %arg6[%swap3A_22, %swap3A_23, %swap3A_24] : memref<1x1x1024xf32, #tpu.memory_space<vmem>>, vector<1x1x1024xf32>
    %swap3A_26 = vector.shape_cast %swap3A_25 : vector<1x1x1024xf32> to vector<1024xf32>
    %swap3A_27 = vector.shape_cast %rsqrt3A : vector<1024xf32> to vector<1x1x1024xf32>
    tpu.vector_store %arg6[%swap3A_22, %swap3A_23, %swap3A_24], %swap3A_27 {strides = array<i32>} : memref<1x1x1024xf32, #tpu.memory_space<vmem>>, vector<1x1x1024xf32>,
    return
  }
  func.func @transform_0(%arg0: i32) -> (i32, i32, i32) {
    %c0_i32 = arith.constant 0 : i32
    %c0_i32_0 = arith.constant 0 : i32
    %c0_i32_1 = arith.constant 0 : i32
    return %arg0, %c0_i32, %c0_i32_0 : i32, i32, i32
  }
  func.func @transform_1(%arg0: i32) -> (i32, i32, i32) {
    %c0_i32 = arith.constant 0 : i32
    %c0_i32_0 = arith.constant 0 : i32
    %c0_i32_1 = arith.constant 0 : i32
    return %arg0, %c0_i32, %c0_i32_0 : i32, i32, i32
  }
  func.func @transform_2(%arg0: i32) -> (i32, i32) {
    %c0_i32 = arith.constant 0 : i32
    %c0_i32_0 = arith.constant 0 : i32
    return %arg0, %c0_i32 : i32, i32
  }
  func.func @transform_3(%arg0: i32) -> (i32, i32) {
    %c0_i32 = arith.constant 0 : i32
    %c0_i32_0 = arith.constant 0 : i32
    %c0_i32_1 = arith.constant 0 : i32
    return %c0_i32, %c0_i32_0 : i32, i32
  }
  func.func @transform_4(%arg0: i32) -> (i32, i32) {
    %c0_i32 = arith.constant 0 : i32
    %c0_i32_0 = arith.constant 0 : i32
    return %arg0, %c0_i32 : i32, i32
  }
  func.func @transform_5(%arg0: i32) -> (i32, i32, i32) {
    %c0_i32 = arith.constant 0 : i32
    %c0_i32_0 = arith.constant 0 : i32
    %c0_i32_1 = arith.constant 0 : i32
    return %arg0, %c0_i32, %c0_i32_0 : i32, i32, i32
  }
}

module attributes {stable_mosaic.version = 14 : i64} {
  func.func @_tc2_body(%arg0: i32, %arg1: memref<1024x128xf32, #tpu.memory_space<vmem>>, %arg2: memref<1024x128xf32, #tpu.memory_space<vmem>>, %arg3: memref<1x1x1024xf32, #tpu.memory_space<vmem>>, %arg4: memref<128xf32, #tpu.memory_space<vmem>>, %arg5: memref<1024x128xf32, #tpu.memory_space<vmem>>) attributes {dimension_semantics = [#tpu.dimension_semantics<arbitrary>], iteration_bounds = array<i64: 10>, scalar_prefetch = 0 : i64, scratch_operands = 0 : i64, tpu.core_type = #tpu.core_type<tc>, window_params = [{transform_indices = @transform_0, window_bounds = array<i64: 1024, 128>}, {transform_indices = @transform_1, window_bounds = array<i64: 1024, 128>}, {transform_indices = @transform_2, window_bounds = array<i64: 1, 1, 1024>}, {pipeline_mode = #tpu.pipeline_mode<synchronous>, transform_indices = @transform_3, window_bounds = array<i64: 128>}, {transform_indices = @transform_4, window_bounds = array<i64: 1024, 128>}]} {
    %get3A = arith.constant 0 : index
    %get3A_0 = arith.constant 0 : index
    %get3A_1 = arith.constant 0 : index
    %get3A_2 = vector.load %arg3[%get3A, %get3A_0, %get3A_1] : memref<1x1x1024xf32, #tpu.memory_space<vmem>>, vector<1x1x1024xf32>
    %get3A_3 = vector.shape_cast %get3A_2 : vector<1x1x1024xf32> to vector<1024xf32>
    %broadcast_in_dim3A = vector.shape_cast %get3A_3 : vector<1024xf32> to vector<1024x1xf32>
    %get3A_4 = arith.constant 0 : index
    %get3A_5 = arith.constant 0 : index
    %get3A_6 = vector.load %arg1[%get3A_4, %get3A_5] : memref<1024x128xf32, #tpu.memory_space<vmem>>, vector<1024x128xf32>
    %get3A_7 = arith.constant 0 : index
    %get3A_8 = arith.constant 0 : index
    %get3A_9 = vector.load %arg2[%get3A_7, %get3A_8] : memref<1024x128xf32, #tpu.memory_space<vmem>>, vector<1024x128xf32>
    %add3A = arith.addf %get3A_6, %get3A_9 : vector<1024x128xf32>
    %mul3A = vector.broadcast %broadcast_in_dim3A : vector<1024x1xf32> to vector<1024x128xf32>
    %mul3A_10 = arith.mulf %mul3A, %add3A : vector<1024x128xf32>
    %get3A_11 = arith.constant 0 : index
    %get3A_12 = vector.load %arg4[%get3A_11] : memref<128xf32, #tpu.memory_space<vmem>>, vector<128xf32>
    %broadcast_in_dim3A_13 = vector.shape_cast %get3A_12 : vector<128xf32> to vector<1x128xf32>
    %add3A_14 = vector.broadcast %broadcast_in_dim3A_13 : vector<1x128xf32> to vector<1024x128xf32>
    %add3A_15 = arith.addf %mul3A_10, %add3A_14 : vector<1024x128xf32>
    %max3A = arith.constant 0.000000e+00 : f32
    %max3A_16 = vector.broadcast %max3A : f32 to vector<1024x128xf32>
    %max3A_17 = arith.maximumf %add3A_15, %max3A_16 : vector<1024x128xf32>
    %mul3A_18 = vector.broadcast %broadcast_in_dim3A : vector<1024x1xf32> to vector<1024x128xf32>
    %mul3A_19 = arith.mulf %mul3A_18, %max3A_17 : vector<1024x128xf32>
    %swap3A = arith.constant 0 : index
    %swap3A_20 = arith.constant 0 : index
    %swap3A_21 = vector.load %arg5[%swap3A, %swap3A_20] : memref<1024x128xf32, #tpu.memory_space<vmem>>, vector<1024x128xf32>
    tpu.vector_store %arg5[%swap3A, %swap3A_20], %mul3A_19 {strides = array<i32>} : memref<1024x128xf32, #tpu.memory_space<vmem>>, vector<1024x128xf32>,
    return
  }
  func.func @transform_0(%arg0: i32) -> (i32, i32) {
    %c0_i32 = arith.constant 0 : i32
    %c0_i32_0 = arith.constant 0 : i32
    return %arg0, %c0_i32 : i32, i32
  }
  func.func @transform_1(%arg0: i32) -> (i32, i32) {
    %c0_i32 = arith.constant 0 : i32
    %c0_i32_0 = arith.constant 0 : i32
    return %arg0, %c0_i32 : i32, i32
  }
  func.func @transform_2(%arg0: i32) -> (i32, i32, i32) {
    %c0_i32 = arith.constant 0 : i32
    %c0_i32_0 = arith.constant 0 : i32
    %c0_i32_1 = arith.constant 0 : i32
    return %arg0, %c0_i32, %c0_i32_0 : i32, i32, i32
  }
  func.func @transform_3(%arg0: i32) -> i32 {
    %c0_i32 = arith.constant 0 : i32
    %c0_i32_0 = arith.constant 0 : i32
    return %c0_i32 : i32
  }
  func.func @transform_4(%arg0: i32) -> (i32, i32) {
    %c0_i32 = arith.constant 0 : i32
    %c0_i32_0 = arith.constant 0 : i32
    return %arg0, %c0_i32 : i32, i32
  }
}

module attributes {stable_mosaic.version = 14 : i64} {
  func.func @_tc3_body(%arg0: i32, %arg1: memref<1024x128xf32, #tpu.memory_space<vmem>>, %arg2: memref<1024x128xf32, #tpu.memory_space<vmem>>, %arg3: memref<1x1x1024xf32, #tpu.memory_space<vmem>>, %arg4: memref<128x128xf32, #tpu.memory_space<vmem>>, %arg5: memref<128xf32, #tpu.memory_space<vmem>>, %arg6: memref<1024x64xf32, #tpu.memory_space<vmem>>, %arg7: memref<1024x64xf32, #tpu.memory_space<vmem>>) attributes {dimension_semantics = [#tpu.dimension_semantics<arbitrary>], iteration_bounds = array<i64: 10>, scalar_prefetch = 0 : i64, scratch_operands = 0 : i64, tpu.core_type = #tpu.core_type<tc>, window_params = [{transform_indices = @transform_0, window_bounds = array<i64: 1024, 128>}, {transform_indices = @transform_1, window_bounds = array<i64: 1024, 128>}, {transform_indices = @transform_2, window_bounds = array<i64: 1, 1, 1024>}, {pipeline_mode = #tpu.pipeline_mode<synchronous>, transform_indices = @transform_3, window_bounds = array<i64: 128, 128>}, {pipeline_mode = #tpu.pipeline_mode<synchronous>, transform_indices = @transform_4, window_bounds = array<i64: 128>}, {transform_indices = @transform_5, window_bounds = array<i64: 1024, 64>}, {transform_indices = @transform_6, window_bounds = array<i64: 1024, 64>}]} {
    %get3A = arith.constant 0 : index
    %get3A_0 = arith.constant 0 : index
    %get3A_1 = arith.constant 0 : index
    %get3A_2 = vector.load %arg3[%get3A, %get3A_0, %get3A_1] : memref<1x1x1024xf32, #tpu.memory_space<vmem>>, vector<1x1x1024xf32>
    %get3A_3 = vector.shape_cast %get3A_2 : vector<1x1x1024xf32> to vector<1024xf32>
    %broadcast_in_dim3A = vector.shape_cast %get3A_3 : vector<1024xf32> to vector<1024x1xf32>
    %get3A_4 = arith.constant 0 : index
    %get3A_5 = arith.constant 0 : index
    %get3A_6 = vector.load %arg1[%get3A_4, %get3A_5] : memref<1024x128xf32, #tpu.memory_space<vmem>>, vector<1024x128xf32>
    %get3A_7 = arith.constant 0 : index
    %get3A_8 = arith.constant 0 : index
    %get3A_9 = vector.load %arg2[%get3A_7, %get3A_8] : memref<1024x128xf32, #tpu.memory_space<vmem>>, vector<1024x128xf32>
    %add3A = arith.addf %get3A_6, %get3A_9 : vector<1024x128xf32>
    %mul3A = vector.broadcast %broadcast_in_dim3A : vector<1024x1xf32> to vector<1024x128xf32>
    %mul3A_10 = arith.mulf %mul3A, %add3A : vector<1024x128xf32>
    %get3A_11 = arith.constant 0 : index
    %get3A_12 = arith.constant 0 : index
    %get3A_13 = vector.load %arg4[%get3A_11, %get3A_12] : memref<128x128xf32, #tpu.memory_space<vmem>>, vector<128x128xf32>
    %dot_general3A = arith.constant dense<0.000000e+00> : vector<1024x128xf32>
    %dot_general3A_14 = tpu.matmul %mul3A_10, %get3A_13, %dot_general3A {dimension_numbers = #tpu.dot_dimension_numbers<[1], [0], [0], [1], [0, 0, 1, 1], [], []>, precision = #tpu.contract_precision<fp32>, transpose_lhs_hint = false} : vector<1024x128xf32>, vector<128x128xf32>, vector<1024x128xf32> -> vector<1024x128xf32>
    %get3A_15 = arith.constant 0 : index
    %get3A_16 = vector.load %arg5[%get3A_15] : memref<128xf32, #tpu.memory_space<vmem>>, vector<128xf32>
    %broadcast_in_dim3A_17 = vector.shape_cast %get3A_16 : vector<128xf32> to vector<1x128xf32>
    %add3A_18 = vector.broadcast %broadcast_in_dim3A_17 : vector<1x128xf32> to vector<1024x128xf32>
    %add3A_19 = arith.addf %dot_general3A_14, %add3A_18 : vector<1024x128xf32>
    %slice3A = vector.extract_strided_slice %add3A_19 {offsets = [0, 0], sizes = [1024, 64], strides = [1, 1]} : vector<1024x128xf32> to vector<1024x64xf32>
    %swap3A = arith.constant 0 : index
    %swap3A_20 = arith.constant 0 : index
    %swap3A_21 = vector.load %arg6[%swap3A, %swap3A_20] : memref<1024x64xf32, #tpu.memory_space<vmem>>, vector<1024x64xf32>
    tpu.vector_store %arg6[%swap3A, %swap3A_20], %slice3A {strides = array<i32>} : memref<1024x64xf32, #tpu.memory_space<vmem>>, vector<1024x64xf32>,
    %slice3A_22 = vector.extract_strided_slice %add3A_19 {offsets = [0, 64], sizes = [1024, 64], strides = [1, 1]} : vector<1024x128xf32> to vector<1024x64xf32>
    %swap3A_23 = arith.constant 0 : index
    %swap3A_24 = arith.constant 0 : index
    %swap3A_25 = vector.load %arg7[%swap3A_23, %swap3A_24] : memref<1024x64xf32, #tpu.memory_space<vmem>>, vector<1024x64xf32>
    tpu.vector_store %arg7[%swap3A_23, %swap3A_24], %slice3A_22 {strides = array<i32>} : memref<1024x64xf32, #tpu.memory_space<vmem>>, vector<1024x64xf32>,
    return
  }
  func.func @transform_0(%arg0: i32) -> (i32, i32) {
    %c0_i32 = arith.constant 0 : i32
    %c0_i32_0 = arith.constant 0 : i32
    return %arg0, %c0_i32 : i32, i32
  }
  func.func @transform_1(%arg0: i32) -> (i32, i32) {
    %c0_i32 = arith.constant 0 : i32
    %c0_i32_0 = arith.constant 0 : i32
    return %arg0, %c0_i32 : i32, i32
  }
  func.func @transform_2(%arg0: i32) -> (i32, i32, i32) {
    %c0_i32 = arith.constant 0 : i32
    %c0_i32_0 = arith.constant 0 : i32
    %c0_i32_1 = arith.constant 0 : i32
    return %arg0, %c0_i32, %c0_i32_0 : i32, i32, i32
  }
  func.func @transform_3(%arg0: i32) -> (i32, i32) {
    %c0_i32 = arith.constant 0 : i32
    %c0_i32_0 = arith.constant 0 : i32
    %c0_i32_1 = arith.constant 0 : i32
    return %c0_i32, %c0_i32_0 : i32, i32
  }
  func.func @transform_4(%arg0: i32) -> i32 {
    %c0_i32 = arith.constant 0 : i32
    %c0_i32_0 = arith.constant 0 : i32
    return %c0_i32 : i32
  }
  func.func @transform_5(%arg0: i32) -> (i32, i32) {
    %c0_i32 = arith.constant 0 : i32
    %c0_i32_0 = arith.constant 0 : i32
    return %arg0, %c0_i32 : i32, i32
  }
  func.func @transform_6(%arg0: i32) -> (i32, i32) {
    %c0_i32 = arith.constant 0 : i32
    %c0_i32_0 = arith.constant 0 : i32
    return %arg0, %c0_i32 : i32, i32
  }
}

</mosaic_0001>

<sc_bundles>
// kernel: _full.11.cloned.1.call-start
scs
__scs_entry_jumppad:
0x0: {  	(pc) =	sbr.rel $0x88, $3  }
0x1: {  	(tag) =	ssettag $0x0;
	lr =	simm.s32 $0x1  }
0x2: {  	[smem:$0x3F99] =	sst lr;
	_ =	strace $0xD0000000  }
0x3: {  	_ = 	snop  }
0x4: {  	_ = 	snop  }
0x5: {  	_ = 	snop  }
0x6: {  	_ = 	snop  }
0x7: {  	_ = 	snop  }
__scs_overlays_trampoline_lowered:
0x8: {  	[smem:$0x3FA8] =	sst s0  }
0x9: {  	[smem:$0x3FA9] =	sst s1  }
0xa: {  	[smem:$0x3FAA] =	sst s2  }
0xb: {  	[smem:$0x3FAB] =	sst s3  }
0xc: {  	[smem:$0x3FAC] =	sst s4  }
0xd: {  	[smem:$0x3FAD] =	sst s5  }
0xe: {  	[smem:$0x3FAE] =	sst s6  }
0xf: {  	[smem:$0x3FAF] =	sst s7  }
0x10: {  	[smem:$0x3FB0] =	sst s8  }
0x11: {  	[smem:$0x3FB1] =	sst s9;
	s0 =	simm.s32 @!p0 $0x0  }
0x12: {  	s1 =	sld [smem:$0x3F97];
	s0 =	simm.s32 @p0 $0x1  }
0x13: {  	[smem:$0x3FB2] =	sst s0;
	s0 =	simm.s32 @!p1 $0x0  }
0x14: {  	s2 =	sld [smem:$0x3F96];
	s0 =	simm.s32 @p1 $0x1  }
0x15: {  	[smem:$0x3FB3] =	sst s0;
	s0 =	simm.s32 @!p2 $0x0  }
0x16: {  	s3 =	sld [smem:$0x3FDB];
	s0 =	simm.s32 @p2 $0x1  }
0x17: {  	s4 =	simm.s32 $0x1BF5;
	[smem:$0x3FB5] =	sst s0  }
0x18: {  	s0 =	sld [smem:$0x3F98];
	_ =	swait.ge [sflag:s4], $0x0  }
0x19: {  	s7 =	sld [smem:$0x3F99]  }
0x1a: {  	s8 =	sadd.s32 $0xFFFFE003, lr  }
0x1b: {  	s9 =	sadd.s32 $0xFFFFFEF7, lr;
	s5 =	simm.s32 $0xFFFFFFFF;
	p2 =	slt.u32 s8, $0xFFFFF086  }
0x1c: {  	p1 =	slt.u32 s9, $0xF7A;
	s5 =	simm.s32 @!p2 $0x0  }
0x1d: {  	s5 =	simm.s32 @p1 $0x1;
	p0 =	seq.s32 s7, s2  }
0x1e: {  	s7 =	smul.u32 @!p0 $0xF7A, s2;
	p2 =	seq.s32 @!p0 s5, $0x0  }
0x1f: {  	s9 =	smul.u32 $0xF7A, s1;
	s8 =	simm.s32 @!p0 $0x1BF5;
	p2 =	por !p2, p0  }
0x20: {  	[sflag:s8] =	ssyncset.s32 @!p0 $0xFFFFF086;
	s6 =	sadd.s32 @!p0 s3, s7;
	s7 =	simm.s32 @!p0 $0x108  }
0x21: {  	s3 =	sadd.s32 s3, s9;
	s6 =	sadd.s32 @!p0 $0x88, s6;
	s7 =	simm.s32 @p2 $0x1082  }
0x22: {  	[simem:s7], [sflag:s8] =	dma.local @!p0 [hbm:s6], $0xF7A  }
0x23: {  	s9 =	sor.u32 $0xD0000000, s2;
	s6 =	simm.s32 $0x108;
	_ =	swait.ge @!p0 [sflag:s8], $0x0  }
0x24: {  	s3 =	sadd.s32 $0x88, s3;
	s6 =	simm.s32 @!p1 $0x1082;
	[sflag:s4] =	ssyncset.s32 $0xFFFFF086  }
0x25: {  	[simem:s6], [sflag:s4] =	dma.local [hbm:s3], $0xF7A  }
0x26: {  	[smem:$0x3F99] =	sst s1;
	(tag) =	ssettag s2;
	_ =	strace s9  }
0x27: {  	s1 =	sld [smem:$0x3FA9]  }
0x28: {  	s2 =	sld [smem:$0x3FAA]  }
0x29: {  	s4 =	sld [smem:$0x3FAC]  }
0x2a: {  	p0 =	seq.s32 s5, $0x0;
	s5 =	sld [smem:$0x3FAD]  }
0x2b: {  	s6 =	sld [smem:$0x3FAE]  }
0x2c: {  	s7 =	sld [smem:$0x3FAF]  }
0x2d: {  	s3 =	simm.s32 $0x108;
	s8 =	sld [smem:$0x3FB0]  }
0x2e: {  	s3 =	simm.s32 @!p0 $0x1082;
	s9 =	sld [smem:$0x3FB1]  }
0x2f: {  	lr =	sadd.s32 s0, s3;
	s0 =	sld [smem:$0x3FA8]  }
0x30: {  	s3 =	sld [smem:$0x3FAB]  }
0x31: {  	[smem:$0x3FB4] =	sst s10  }
0x32: {  	s10 =	sld [smem:$0x3FB2];
	_ =	sdelay $0x3  }
0x33: {  	p0 =	seq.s32 s10, $0x1;
	s10 =	sld [smem:$0x3FB4];
	_ =	sdelay $0x3  }
0x34: {  	[smem:$0x3FB4] =	sst s10  }
0x35: {  	s10 =	sld [smem:$0x3FB3];
	_ =	sdelay $0x3  }
0x36: {  	p1 =	seq.s32 s10, $0x1;
	s10 =	sld [smem:$0x3FB4];
	_ =	sdelay $0x3  }
0x37: {  	[smem:$0x3FB4] =	sst s10  }
0x38: {  	s10 =	sld [smem:$0x3FB5]  }
0x39: {  	_ = 	snop;
	(pc) =	sbr.ind lr, $3  }
0x3a: {  	_ = 	snop  }
0x3b: {  	_ = 	snop  }
0x3c: {  	p2 =	seq.s32 s10, $0x1;
	s10 =	sld [smem:$0x3FB4]  }
0x3d: {  	_ =	shalt  }
0x3e: {  	_ =	shalt  }
0x3f: {  	_ =	shalt  }
0x40: {  	_ =	shalt  }
0x41: {  	_ =	shalt  }
0x42: {  	_ =	shalt  }
0x43: {  	_ =	shalt  }
0x44: {  	_ =	shalt  }
0x45: {  	_ =	shalt  }
0x46: {  	_ =	shalt  }
0x47: {  	_ =	shalt  }
0x48: {  	_ =	shalt  }
0x49: {  	_ =	shalt  }
0x4a: {  	_ =	shalt  }
0x4b: {  	_ =	shalt  }
0x4c: {  	_ =	shalt  }
0x4d: {  	_ =	shalt  }
0x4e: {  	_ =	shalt  }
0x4f: {  	_ =	shalt  }
0x50: {  	_ =	shalt  }
0x51: {  	_ =	shalt  }
0x52: {  	_ =	shalt  }
0x53: {  	_ =	shalt  }
0x54: {  	_ =	shalt  }
0x55: {  	_ =	shalt  }
0x56: {  	_ =	shalt  }
0x57: {  	_ =	shalt  }
0x58: {  	_ =	shalt  }
0x59: {  	_ =	shalt  }
0x5a: {  	_ =	shalt  }
0x5b: {  	_ =	shalt  }
0x5c: {  	_ =	shalt  }
0x5d: {  	_ =	shalt  }
0x5e: {  	_ =	shalt  }
0x5f: {  	_ =	shalt  }
0x60: {  	_ =	shalt  }
0x61: {  	_ =	shalt  }
0x62: {  	_ =	shalt  }
0x63: {  	_ =	shalt  }
0x64: {  	_ =	shalt  }
0x65: {  	_ =	shalt  }
0x66: {  	_ =	shalt  }
0x67: {  	_ =	shalt  }
0x68: {  	_ =	shalt  }
0x69: {  	_ =	shalt  }
0x6a: {  	_ =	shalt  }
0x6b: {  	_ =	shalt  }
0x6c: {  	_ =	shalt  }
0x6d: {  	_ =	shalt  }
0x6e: {  	_ =	shalt  }
0x6f: {  	_ =	shalt  }
0x70: {  	_ =	shalt  }
0x71: {  	_ =	shalt  }
0x72: {  	_ =	shalt  }
0x73: {  	_ =	shalt  }
0x74: {  	_ =	shalt  }
0x75: {  	_ =	shalt  }
0x76: {  	_ =	shalt  }
0x77: {  	_ =	shalt  }
0x78: {  	_ =	shalt  }
0x79: {  	_ =	shalt  }
0x7a: {  	_ =	shalt  }
0x7b: {  	_ =	shalt  }
0x7c: {  	_ =	shalt  }
0x7d: {  	_ =	shalt  }
0x7e: {  	_ =	shalt  }
0x7f: {  	_ =	shalt  }
0x80: {  	_ =	shalt  }
0x81: {  	_ =	shalt  }
0x82: {  	_ =	shalt  }
0x83: {  	_ =	shalt  }
0x84: {  	_ =	shalt  }
0x85: {  	_ =	shalt  }
0x86: {  	_ =	shalt  }
0x87: {  	_ =	shalt  }
.Lfunc_end0:
.L_simem_size_0:
called_computation.1_lowered:
.L_overlay_start_0:
0x88: {  	s2 =	sld [smem:$0x3FD9]  }
0x89: {  	s3 =	sld [smem:$0x3FFE];
	_ =	sdelay $0x1  }
0x8a: {  	s1 =	srdreg.scid  }
0x8b: {  	s0 =	sand.u32 $0x1, s1  }
0x8c: {  	s14 =	sshll.u32 s0, $0xA;
	s2 =	sadd.s32 s3, s2  }
0x8d: {  	s2 =	sadd.s32 s2, s14  }
0x8e: {  	[smem:$0x3FC0] =	sst s2  }
0x8f: {  	_ = 	snop  }
0x90: {  	s2 =	sld [smem:$0x3FD0];
	_ =	sdelay $0x2  }
0x91: {  	s15 =	simm.s32 $0xA;
	s4 =	simm.s32 $0x10  }
0x92: {  	[smem:s4], [sflag:s15] =	dma.local [hbm:s2], $0x1  }
0x93: {  	_ =	swait.eq [sflag:s15], $0x1  }
0x94: {  	[sflag:s15] =	ssyncset.done $0x0  }
0x95: {  	s16 =	sld [smem:$0x10];
	[sflag:s15] =	ssyncadd.s32 $0xFFFFFFFF  }
0x96: {  	s17 =	sld [smem:$0x11];
	(tm) =	ssettm $0x1  }
0x97: {  	s18 =	sld [smem:$0x3FFB];
	_ =	sdelay $0x3  }
0x98: {  	_ =	strace s18  }
0x99: {  	s4 =	sld [smem:$0x3FFC];
	_ =	sdelay $0x3  }
0x9a: {  	_ =	strace s4  }
0x9b: {  	s4 =	sld [smem:$0x3FFD];
	_ =	sdelay $0x3  }
0x9c: {  	_ =	strace s4  }
0x9d: {  	_ =	strace $0x8FFFFFFF  }
0x9e: {  	s19 =	sld [smem:$0x3FDB];
	_ =	sdelay $0x1  }
0x9f: {  	s5 =	simm.s32 $_scs_section_size  }
0xa0: {  	s6 =	simm.s32 $_size__tile_overlayer_lowered;
	s7 =	simm.s32 $_tile_overlayer_lowered  }
0xa1: {  	s22 =	simm.s32 $0x1BFF;
	s21 =	sshll.u32 s7, $0x1;
	s4 =	sadd.s32 s5, s19  }
0xa2: {  	s8 =	simm.s32 $0x0;
	s20 =	sshll.u32 s6, $0x1;
	s6 =	sadd.s32 s21, s4  }
0xa3: {  	[timem:s8], [sflag:s22] =	dma.local [hbm:s6], s20  }
0xa4: {  	_ =	swait.ge [sflag:s22], s20  }
0xa5: {  	s5 =	ssub.s32 $0x0, s20;
	[sflag:s22] =	ssyncset.done $0x0  }
0xa6: {  	[sflag:s22] =	ssyncadd.s32 s5;
	_ =	sdelay $0x1  }
0xa7: {  	s23 =	simm.s32 $0x1B8B  }
0xa8: {  	_ =	swait.ge [sflag:s23], $0x1  }
0xa9: {  	[sflag:s23] =	ssyncset.done $0x0  }
0xaa: {  	s25 =	simm.s32 $0x1B8E;
	s24 =	sld [smem:$0x3FFE];
	[sflag:s23] =	ssyncadd.s32 $0xFFFFFFFF  }
0xab: {  	s26 =	simm.s32 $execute0_lowered;
	[smem:$0x3FD2] =	sst s25  }
0xac: {  	s6 =	sshll.u32 s26, $0x1;
	_ =	strace $0x80000049;
	[dreg:$0x1] =	wrdreg $0xFFFFFFFF  }
0xad: {  	s28 =	simm.s32 $_size_execute0_lowered;
	s4 =	sadd.s32 s4, s6;
	[dreg:$0x0] =	wrdreg $0x0  }
0xae: {  	s6 =	sshll.u32 s28, $0x1;
	[dreg:$0x2] =	wrdreg s4  }
0xaf: {  	[dreg:$0x3] =	wrdreg s6  }
0xb0: {  	[dreg:$0x4] =	wrdreg $0xC0  }
0xb1: {  	_ =	task [dreg:s8], $0x5FFFF  }
0xb2: {  	[dreg:$0x1] =	wrdreg $0xFFFFFFFF  }
0xb3: {  	[dreg:$0x0] =	wrdreg $0x60  }
0xb4: {  	[dreg:$0x2] =	wrdreg s24  }
0xb5: {  	[dreg:$0x3] =	wrdreg s16  }
0xb6: {  	[dreg:$0x4] =	wrdreg s17  }
0xb7: {  	[dreg:$0x5] =	wrdreg $0xA0000  }
0xb8: {  	[dreg:$0x6] =	wrdreg $0x9  }
0xb9: {  	_ =	task.clear_ibuf [dreg:s8], $0x7FFFF;
	_ =	strace $0x90000049  }
0xba: {  	s29 =	simm.s32 $0x9;
	_ =	strace $0x8000004B  }
0xbb: {  	_ =	swait.ge [sflag:s29], $0x1  }
0xbc: {  	[sflag:s29] =	ssyncadd.s32 $0xFFFFFFFF  }
0xbd: {  	_ =	strace $0x9000004B  }
0xbe: {  	_ =	sfence  }
0xbf: {  	s30 =	sld [smem:$0x0];
	_ =	sdelay $0x2  }
0xc0: {  	s31 =	sshll.u32 s1, $0xD;
	s1 =	sshrl.u32 s1, $0x2  }
0xc1: {  	s3 =	sand.u32 $0x4000, s31;
	s1 =	sadd.s32 s1, s30  }
0xc2: {  	s0 =	sor.u32 s3, s0;
	s1 =	sshll.u32 s1, $0x11  }
0xc3: {  	s0 =	sor.u32 s1, s0  }
0xc4: {  	s0 =	sadd.s32 $0x8F2B, s0  }
0xc5: {  	[sflag:s0] =	ssyncadd.remote.s32 $0x1  }
0xc6: {  	_ =	sfence.sel $0xFFFF  }
0xc7: {  	[dreg:$0x0] =	wrdreg $0xFFFFFFFF;
	(pc) =	sbr.abs _section_cstart, $3  }
0xc8: {  	[dreg:$0x1] =	wrdreg $0xFFFFFFFF  }
0xc9: {  	_ =	task.clear_ibuf [dreg:s8], $0x2FFFF;
	_ =	strace $0x9FFFFFFF  }
0xca: {  	(tm) =	ssettm $0x7FFFFFFF  }
0xcb: {  	_ =	shalt  }
tec
execute0_lowered:
.L_overlay_start_1:
0x0: {  	(tag) =	ssettag $0x1  }
0x1: {  	s0 =	rddreg [dreg:$0x0]  }
0x2: {  	s1 =	rddreg [dreg:$0x1]  }
0x3: {  	s2 =	rddreg [dreg:$0x2]  }
0x4: {  	s4 =	rddreg [dreg:$0x3];
	s3 =	srdreg.scid  }
0x5: {  	s5 =	simm.s32 $0x0;
	s10 =	stileid.u32;
	s17 =	simm.s32 $0x2B800  }
0x6: {  	s20 =	simm.s32 $0x4;
	s21 =	simm.s32 $0x1000;
	s22 =	simm.s32 $0x80  }
0x7: {  	s28 =	simm.s32 $0x0;
	s3 =	sand.u32 $0x1, s3;
	s7 =	smul.u32 $0x50000, s10  }
0x8: {  	[smem:$0x7FF] =	sst s5;
	s6 =	sadd.s32 $0x3800, s0;
	s9 =	smul.u32 $0x2800, s10  }
0x9: {  	s31 =	sshll.u32 s10, $0x6;
	s23 =	ssub.s32 $0x2, s3;
	_ =	strace $0x8000004A  }
0xa: {  	s24 =	sshll.u32 s3, $0x4;
	p0 =	seq.s32 s3, $0x0;
	s18 =	sor.u32 $0x1C04, s31  }
0xb: {  	s8 =	sshrl.u32 s23, $0x1;
	s7 =	sshrl.u32 s7, $0x2;
	s30 =	sadd.s32 s6, s9  }
0xc: {  	s17 =	simm.s32 @!p0 $0x53800;
	p0 =	sne.s32 s3, $0x0;
	s5 =	ssub.s32 s23, s8  }
0xd: {  	s8 =	sor.u32 s10, s24;
	s7 =	sadd.s32 s7, s4;
	[dreg:$0x9] =	wrdreg s30  }
0xe: {  	s0 =	sadd.s32 s17, s0;
	s23 =	simm.s32 $0x2000;
	s24 =	simm.s32 $0x2  }
0xf: {  	s11 =	sadd.s32 $0x4000, s7;
	s14 =	smul.u32 $0x500, s8;
	s25 =	sadd.s32 $0x8000, s7  }
.Ltmp0:
0x10: {  	s26 =	sadd.s32 $0xC000, s7;
	[dreg:$0x5] =	wrdreg s11;
	(pc) =	sbr.rel .LBB2_1-.Ltmp0, $4  }
0x11: {  	s29 =	sadd.s32 $0x10000, s7;
	s15 =	smul.u32 $0x2800, s8;
	[dreg:$0x6] =	wrdreg s25  }
0x12: {  	s16 =	smax.u32 s5, $0x1;
	s17 =	sadd.s32 s0, s9;
	[dreg:$0x7] =	wrdreg s26  }
0x13: {  	s19 =	sshrl.u32 s7, $0x3;
	[dreg:$0x8] =	wrdreg s29;
	s25 =	simm.s32 $0x6000  }
0x14: {  	v0 =	vimm.f32 $0.0e+00;
	s26 =	simm.s32 $0x3;
	s13 =	sadd.s32 s1, s14;
	s14 =	sadd.s32 s2, s14  }
.LBB2_11:
0x15: {  	s28 =	sadd.s32 $0x1, s28  }
0x16: {  	p1 =	sne.s32 s28, s16  }
.Ltmp1:
0x17: {  	[bflag:$0x0] =	sbarrier.arrive $0xFFFF;
	(pc) =	sbr.rel @!p1 .LBB2_12-.Ltmp1, $4  }
0x18: {  	[hbm:s17], [sflag:s18] =	dma.local [spmem:s19], $0x2800  }
0x19: {  	_ =	swait.ge [sflag:s20], $0x2800  }
0x1a: {  	[sflag:s20] =	ssyncset.done $0x0  }
0x1b: {  	[sflag:s20] =	ssyncadd.s32 $0xFFFFD800  }
.LBB2_1:
.Ltmp2:
0x1c: {  	(pc) =	sbr.rel @p0 .LBB2_3-.Ltmp2, $1  }
0x1d: {  	_ =	sdelay $0x3  }
.Ltmp3:
0x1e: {  	s0 =	rddreg [dreg:$0x9];
	(pc) =	sbr.rel .LBB2_6-.Ltmp3, $4  }
0x1f: {  	[spmem:s19], [sflag:s18] =	dma.local [hbm:s0], $0x2800  }
0x20: {  	_ =	swait.ge [sflag:s20], $0x2800  }
0x21: {  	[sflag:s20] =	ssyncset.done $0x0  }
0x22: {  	[sflag:s20] =	ssyncadd.s32 $0xFFFFD800  }
.LBB2_3:
0x23: {  	s3 =	simm.s32 $0x0  }
0x24: {  	s0 =	sshra.s32 s3, $0x2;
	s3 =	sadd.s32 $0x200, s3  }
.LBB2_4:
0x25: {  	p1 =	sne.s32 s3, $0xFE00;
	[tilespmem:s0+$0x2070] =	vst v0  }
0x26: {  	[tilespmem:s0+$0x2000] =	vst v0  }
0x27: {  	[tilespmem:s0+$0x2010] =	vst v0  }
.Ltmp4:
0x28: {  	[tilespmem:s0+$0x2020] =	vst v0;
	(pc) =	sbr.rel @p1 .LBB2_4-.Ltmp4, $4  }
0x29: {  	[tilespmem:s0+$0x2030] =	vst v0  }
0x2a: {  	[tilespmem:s0+$0x2040] =	vst v0  }
0x2b: {  	[tilespmem:s0+$0x2050] =	vst v0  }
0x2c: {  	[tilespmem:s0+$0x2060] =	vst v0;
	s0 =	sshra.s32 s3, $0x2;
	s3 =	sadd.s32 $0x200, s3  }
0x2d: {  	[tilespmem:s0+$0x2070] =	vst v0  }
0x2e: {  	[tilespmem:s0+$0x2000] =	vst v0  }
0x2f: {  	[tilespmem:s0+$0x2010] =	vst v0  }
0x30: {  	[tilespmem:s0+$0x2020] =	vst v0  }
0x31: {  	[tilespmem:s0+$0x2030] =	vst v0  }
0x32: {  	[tilespmem:s0+$0x2040] =	vst v0  }
0x33: {  	[tilespmem:s0+$0x2050] =	vst v0  }
0x34: {  	[tilespmem:s0+$0x2060] =	vst v0  }
0x35: {  	[spmem:s7] =	stream.linear.scatter [tilespmem:s23], [sflag:$0x4], $0x4000, $0x38;
	[tilespmem:$0x1E000] =	vst v63  }
0x36: {  	_ =	swait.ge [sflag:s20], $0x4000  }
0x37: {  	[sflag:s20] =	ssyncset.done $0x0  }
0x38: {  	s12 =	rddreg [dreg:$0x5];
	[sflag:s20] =	ssyncadd.s32 $0xFFFFC000  }
0x39: {  	[spmem:s12] =	stream.linear.scatter [tilespmem:s23], [sflag:$0x4], $0x4000, $0x38;
	[tilespmem:$0x1E000] =	vst v63  }
0x3a: {  	_ =	swait.ge [sflag:s20], $0x4000  }
0x3b: {  	[sflag:s20] =	ssyncset.done $0x0  }
0x3c: {  	s29 =	rddreg [dreg:$0x6];
	[sflag:s20] =	ssyncadd.s32 $0xFFFFC000  }
0x3d: {  	[spmem:s29] =	stream.linear.scatter [tilespmem:s23], [sflag:$0x4], $0x4000, $0x38;
	[tilespmem:$0x1E000] =	vst v63  }
0x3e: {  	_ =	swait.ge [sflag:s20], $0x4000  }
0x3f: {  	[sflag:s20] =	ssyncset.done $0x0  }
0x40: {  	s30 =	rddreg [dreg:$0x7];
	[sflag:s20] =	ssyncadd.s32 $0xFFFFC000  }
0x41: {  	[spmem:s30] =	stream.linear.scatter [tilespmem:s23], [sflag:$0x4], $0x4000, $0x38;
	[tilespmem:$0x1E000] =	vst v63  }
0x42: {  	_ =	swait.ge [sflag:s20], $0x4000  }
0x43: {  	[sflag:s20] =	ssyncset.done $0x0  }
0x44: {  	s31 =	rddreg [dreg:$0x8];
	[sflag:s20] =	ssyncadd.s32 $0xFFFFC000  }
0x45: {  	[spmem:s31] =	stream.linear.scatter [tilespmem:s23], [sflag:$0x4], $0x4000, $0x38;
	[tilespmem:$0x1E000] =	vst v63  }
0x46: {  	_ =	swait.ge [sflag:s20], $0x4000  }
0x47: {  	[sflag:s20] =	ssyncset.done $0x0  }
0x48: {  	[sflag:s20] =	ssyncadd.s32 $0xFFFFC000  }
.LBB2_6:
0x49: {  	s29 =	simm.s32 $0x0  }
0x4a: {  	[tilespmem:s29], [sflag:$0x4] =	stream.linear.gather [hbm4b:s13+s29], $0x800, $0x38;
	[tilespmem:$0x1E000] =	vst v63  }
0x4b: {  	_ =	swait.ge [sflag:s20], $0x800  }
0x4c: {  	[sflag:s20] =	ssyncset.done $0x0  }
0x4d: {  	[sflag:s20] =	ssyncadd.s32 $0xFFFFF800  }
0x4e: {  	[tilespmem:s21], [sflag:$0x4] =	stream.linear.gather [hbm4b:s14+s29], $0x800, $0x38;
	[tilespmem:$0x1E000] =	vst v63  }
0x4f: {  	_ =	swait.ge [sflag:s20], $0x800  }
0x50: {  	[sflag:s20] =	ssyncset.done $0x0  }
0x51: {  	[sflag:s20] =	ssyncadd.s32 $0xFFFFF800  }
0x52: {  	[tilespmem:s23], [sflag:$0x1] =	stream.indirect.gather [hbm4b:s6+s22], $0x80, s29, s22, $0xb8;
	[tilespmem:$0x1E000] =	vst v63  }
0x53: {  	p1 =	por $0x0, $0x0;
	[bflag:$0x0] =	sbarrier.arrive $0xFFFF  }
.LBB2_7:
0x54: {  	s0 =	smov.u32 s29  }
0x55: {  	s29 =	sadd.s32 $0x1, s29;
	p2 =	seq.s32 s0, $0x4  }
0x56: {  	s3 =	sshll.u32 @!p2 s29, $0xB  }
0x57: {  	s3 =	sadd.s32 @!p2 s15, s3  }
0x58: {  	s10 =	simm.s32 $0x1;
	s30 =	sand.u32 $0x1, s29;
	s3 =	sshrl.u32 @!p2 s3, $0x3  }
0x59: {  	s5 =	sshll.u32 @!p2 s30, $0xB;
	s9 =	simm.s32 @!p2 $0x0;
	s8 =	sadd.s32 @!p2 s1, s3  }
0x5a: {  	[tilespmem:s5], [sflag:$0x3] =	stream.linear.gather @!p2 [hbm4b:s8+s9], $0x800, $0x38;
	[tilespmem:$0x1E000] =	vst v63  }
0x5b: {  	s12 =	simm.s32 $0x0;
	s0 =	sshll.u32 s0, $0xB;
	s8 =	simm.s32 $0x1  }
0x5c: {  	s3 =	sadd.s32 @!p2 s2, s3;
	s5 =	sor.u32 @!p2 $0x1000, s5;
	s8 =	simm.s32 @!p1 $0x0  }
0x5d: {  	[tilespmem:s5], [sflag:$0x3] =	stream.linear.gather @!p2 [hbm4b:s3+s9], $0x800, $0x38;
	[tilespmem:$0x1E000] =	vst v63  }
0x5e: {  	s11 =	sshll.u32 s8, $0xB;
	s3 =	sand.u32 $0x1, s10;
	s8 =	sand.u32 $0x1, s12  }
0x5f: {  	s5 =	simm.s32 $0x2;
	s9 =	sor.u32 $0x80, s11;
	s31 =	sshll.u32 s3, $0xE  }
0x60: {  	s3 =	sadd.s32 $0x1, s3;
	s10 =	sadd.s32 $0x1, s8;
	s31 =	sor.u32 $0x2000, s31  }
0x61: {  	[tilespmem:s31], [sflag:s3] =	stream.indirect.gather [hbm4b:s6+s22], $0x80, s9, s22, $0xb8;
	[tilespmem:$0x1E000] =	vst v63  }
0x62: {  	s11 =	sor.u32 $0x1000, s11;
	s8 =	sshll.u32 s8, $0xE;
	_ =	swait.ge [sflag:s10], $0x4000  }
0x63: {  	s12 =	sor.u32 $0x2000, s8;
	s8 =	simm.s32 $0x3;
	[sflag:s10] =	ssyncset.done $0x0  }
0x64: {  	s31 =	sand.u32 $0x800, s0;
	s3 =	sadd.s32 $0x80, s9;
	[sflag:s10] =	ssyncadd.s32 $0xFFFFC000  }
0x65: {  	[spmem:s4] =	stream.indirect.scatter.add.f32 [tilespmem:s12], [sflag:$0x4], $0x80, s11, s22, $0xb8;
	[tilespmem:$0x1E000] =	vst v63  }
0x66: {  	s9 =	sand.u32 $0x1, s5;
	s0 =	sadd.s32 $0x80, s11;
	_ =	swait.ge [sflag:s20], $0x4000  }
.LBB2_8:
0x67: {  	s10 =	sadd.s32 $0xFFFFFFFF, s5;
	s11 =	sshll.u32 s9, $0xE  }
0x68: {  	[sflag:s20] =	ssyncset.done $0x0;
	s5 =	smov.u32 s8;
	s9 =	sadd.s32 $0x1, s9  }
0x69: {  	p3 =	sne.s32 s8, $0xF;
	s10 =	sand.u32 $0x1, s10;
	s11 =	sor.u32 $0x2000, s11  }
0x6a: {  	s12 =	sshll.u32 s10, $0xE;
	s10 =	sadd.s32 $0x1, s10;
	[sflag:s20] =	ssyncadd.s32 $0xFFFFC000  }
0x6b: {  	[tilespmem:s11], [sflag:s9] =	stream.indirect.gather [hbm4b:s6+s22], $0x80, s3, s22, $0xb8;
	[tilespmem:$0x1E000] =	vst v63  }
.Ltmp5:
0x6c: {  	s11 =	sadd.s32 $0x1, s8;
	_ =	swait.ge [sflag:s10], $0x4000;
	(pc) =	sbr.rel @p3 .LBB2_8-.Ltmp5, $4  }
0x6d: {  	s8 =	sor.u32 $0x2000, s12;
	[sflag:s10] =	ssyncset.done $0x0  }
0x6e: {  	s3 =	sadd.s32 $0x80, s3;
	s9 =	sand.u32 $0x1, s5;
	[sflag:s10] =	ssyncadd.s32 $0xFFFFC000  }
0x6f: {  	[spmem:s4] =	stream.indirect.scatter.add.f32 [tilespmem:s8], [sflag:$0x4], $0x80, s0, s22, $0xb8;
	[tilespmem:$0x1E000] =	vst v63  }
0x70: {  	s0 =	sadd.s32 $0x80, s0;
	s8 =	smov.u32 s11;
	_ =	swait.ge [sflag:s20], $0x4000  }
0x71: {  	s5 =	sadd.s32 $0xFFFFFFFF, s5;
	s8 =	sshll.u32 s9, $0xE  }
0x72: {  	[sflag:s20] =	ssyncset.done $0x0;
	s11 =	sadd.s32 $0x1, s9;
	s5 =	sand.u32 $0x1, s5  }
0x73: {  	s8 =	sor.u32 $0x2000, s8;
	[sflag:s20] =	ssyncadd.s32 $0xFFFFC000;
	s10 =	sadd.s32 $0x1, s5  }
0x74: {  	[tilespmem:s8], [sflag:s11] =	stream.indirect.gather [hbm4b:s6+s22], $0x80, s3, s22, $0xb8;
	[tilespmem:$0x1E000] =	vst v63  }
0x75: {  	_ =	swait.ge [sflag:s10], $0x4000  }
0x76: {  	s12 =	sshll.u32 s5, $0xE;
	[sflag:s10] =	ssyncset.done $0x0  }
0x77: {  	s3 =	sor.u32 $0x2000, s12;
	[sflag:s10] =	ssyncadd.s32 $0xFFFFC000  }
0x78: {  	[spmem:s4] =	stream.indirect.scatter.add.f32 [tilespmem:s3], [sflag:$0x4], $0x80, s0, s22, $0xb8;
	[tilespmem:$0x1E000] =	vst v63  }
0x79: {  	_ =	swait.ge [sflag:s20], $0x4000  }
0x7a: {  	[sflag:s20] =	ssyncset.done $0x0  }
0x7b: {  	[sflag:s20] =	ssyncadd.s32 $0xFFFFC000  }
0x7c: {  	_ =	swait.ge [sflag:s24], $0x4000  }
0x7d: {  	[sflag:s24] =	ssyncset.done $0x0  }
.Ltmp6:
0x7e: {  	s31 =	sadd.s32 $0x1780, s31;
	[sflag:s24] =	ssyncadd.s32 $0xFFFFC000;
	(pc) =	sbr.rel @p2 .LBB2_11-.Ltmp6, $4  }
0x7f: {  	[spmem:s4] =	stream.indirect.scatter.add.f32 [tilespmem:s25], [sflag:$0x4], $0x80, s31, s22, $0xb8;
	[tilespmem:$0x1E000] =	vst v63  }
0x80: {  	_ =	swait.ge [sflag:s20], $0x4000  }
0x81: {  	[sflag:s20] =	ssyncset.done $0x0  }
0x82: {  	[sflag:s20] =	ssyncadd.s32 $0xFFFFC000  }
0x83: {  	_ =	swait.ge [sflag:s26], $0x800  }
0x84: {  	[sflag:s26] =	ssyncset.done $0x0  }
.Ltmp7:
0x85: {  	[sflag:s26] =	ssyncadd.s32 $0xFFFFF800;
	(pc) =	sbr.rel .LBB2_7-.Ltmp7, $4  }
0x86: {  	_ =	swait.ge [sflag:s26], $0x800  }
0x87: {  	[sflag:s26] =	ssyncset.done $0x0  }
0x88: {  	s0 =	sshll.u32 s30, $0xB;
	p1 =	por !p1, !p1;
	[sflag:s26] =	ssyncadd.s32 $0xFFFFF800  }
0x89: {  	[tilespmem:s23], [sflag:$0x1] =	stream.indirect.gather [hbm4b:s6+s22], $0x80, s0, s22, $0xb8;
	[tilespmem:$0x1E000] =	vst v63  }
.LBB2_12:
0x8a: {  	_ =	sfence.sel $0x180000  }
0x8b: {  	[bflag:$0x0] =	sbarrier.arrive $0xFFFF  }
0x8c: {  	_ =	strace $0x9000004A  }
0x8d: {  	s0 =	stileid.u32;
	[bflag:$0x2] =	sbarrier.arrive $0xFFFF  }
0x8e: {  	p0 =	sne.s32 s0, $0x0;
	s0 =	rddreg [dreg:$0x4]  }
0x8f: {  	s0 =	sadd.s32 @!p0 $0x100000, s0  }
0x90: {  	[sflag:s0] =	ssyncadd.tile.s32 @!p0 $0x1;
	_ =	shalt  }
.Lfunc_end2:
_tile_overlayer_lowered:
.L_overlay_start_2:
0x91: {  	(tag) =	ssettag $0x2  }
0x92: {  	s0 =	rddreg [dreg:$0x0];
	s2 =	stileid.u32  }
0x93: {  	s1 =	rddreg [dreg:$0x1];
	p0 =	sne.s32 s2, $0x0  }
0x94: {  	s3 =	rddreg [dreg:$0x2];
	[bflag:$0x3] =	sbarrier.arrive $0xFFFF;
	s2 =	simm.s32 @!p0 $0x1C04  }
0x95: {  	[timem:s3], [sflag:s2] =	dma.local @!p0 [hbm:s0], s1  }
0x96: {  	s0 =	simm.s32 @!p0 $0x4  }
0x97: {  	_ =	swait.ge @!p0 [sflag:s0], s1  }
0x98: {  	s1 =	ssub.s32 @!p0 $0x0, s1;
	[sflag:s0] =	ssyncset.done @!p0 $0x0  }
0x99: {  	[sflag:s0] =	ssyncadd.s32 @!p0 s1  }
0x9a: {  	[bflag:$0x3] =	sbarrier.arrive $0xFFFF  }
0x9b: {  	_ =	shalt  }

// kernel: _full.14.cloned.1.call-start
scs
__scs_entry_jumppad:
0x0: {  	(pc) =	sbr.rel $0x88, $3  }
0x1: {  	(tag) =	ssettag $0x0;
	lr =	simm.s32 $0x1  }
0x2: {  	[smem:$0x3F99] =	sst lr;
	_ =	strace $0xD0000000  }
0x3: {  	_ = 	snop  }
0x4: {  	_ = 	snop  }
0x5: {  	_ = 	snop  }
0x6: {  	_ = 	snop  }
0x7: {  	_ = 	snop  }
__scs_overlays_trampoline_lowered:
0x8: {  	[smem:$0x3FA8] =	sst s0  }
0x9: {  	[smem:$0x3FA9] =	sst s1  }
0xa: {  	[smem:$0x3FAA] =	sst s2  }
0xb: {  	[smem:$0x3FAB] =	sst s3  }
0xc: {  	[smem:$0x3FAC] =	sst s4  }
0xd: {  	[smem:$0x3FAD] =	sst s5  }
0xe: {  	[smem:$0x3FAE] =	sst s6  }
0xf: {  	[smem:$0x3FAF] =	sst s7  }
0x10: {  	[smem:$0x3FB0] =	sst s8  }
0x11: {  	[smem:$0x3FB1] =	sst s9;
	s0 =	simm.s32 @!p0 $0x0  }
0x12: {  	s1 =	sld [smem:$0x3F97];
	s0 =	simm.s32 @p0 $0x1  }
0x13: {  	[smem:$0x3FB2] =	sst s0;
	s0 =	simm.s32 @!p1 $0x0  }
0x14: {  	s2 =	sld [smem:$0x3F96];
	s0 =	simm.s32 @p1 $0x1  }
0x15: {  	[smem:$0x3FB3] =	sst s0;
	s0 =	simm.s32 @!p2 $0x0  }
0x16: {  	s3 =	sld [smem:$0x3FDB];
	s0 =	simm.s32 @p2 $0x1  }
0x17: {  	s4 =	simm.s32 $0x1BF5;
	[smem:$0x3FB5] =	sst s0  }
0x18: {  	s0 =	sld [smem:$0x3F98];
	_ =	swait.ge [sflag:s4], $0x0  }
0x19: {  	s7 =	sld [smem:$0x3F99]  }
0x1a: {  	s8 =	sadd.s32 $0xFFFFE003, lr  }
0x1b: {  	s9 =	sadd.s32 $0xFFFFFEF7, lr;
	s5 =	simm.s32 $0xFFFFFFFF;
	p2 =	slt.u32 s8, $0xFFFFF086  }
0x1c: {  	p1 =	slt.u32 s9, $0xF7A;
	s5 =	simm.s32 @!p2 $0x0  }
0x1d: {  	s5 =	simm.s32 @p1 $0x1;
	p0 =	seq.s32 s7, s2  }
0x1e: {  	s7 =	smul.u32 @!p0 $0xF7A, s2;
	p2 =	seq.s32 @!p0 s5, $0x0  }
0x1f: {  	s9 =	smul.u32 $0xF7A, s1;
	s8 =	simm.s32 @!p0 $0x1BF5;
	p2 =	por !p2, p0  }
0x20: {  	[sflag:s8] =	ssyncset.s32 @!p0 $0xFFFFF086;
	s6 =	sadd.s32 @!p0 s3, s7;
	s7 =	simm.s32 @!p0 $0x108  }
0x21: {  	s3 =	sadd.s32 s3, s9;
	s6 =	sadd.s32 @!p0 $0x88, s6;
	s7 =	simm.s32 @p2 $0x1082  }
0x22: {  	[simem:s7], [sflag:s8] =	dma.local @!p0 [hbm:s6], $0xF7A  }
0x23: {  	s9 =	sor.u32 $0xD0000000, s2;
	s6 =	simm.s32 $0x108;
	_ =	swait.ge @!p0 [sflag:s8], $0x0  }
0x24: {  	s3 =	sadd.s32 $0x88, s3;
	s6 =	simm.s32 @!p1 $0x1082;
	[sflag:s4] =	ssyncset.s32 $0xFFFFF086  }
0x25: {  	[simem:s6], [sflag:s4] =	dma.local [hbm:s3], $0xF7A  }
0x26: {  	[smem:$0x3F99] =	sst s1;
	(tag) =	ssettag s2;
	_ =	strace s9  }
0x27: {  	s1 =	sld [smem:$0x3FA9]  }
0x28: {  	s2 =	sld [smem:$0x3FAA]  }
0x29: {  	s4 =	sld [smem:$0x3FAC]  }
0x2a: {  	p0 =	seq.s32 s5, $0x0;
	s5 =	sld [smem:$0x3FAD]  }
0x2b: {  	s6 =	sld [smem:$0x3FAE]  }
0x2c: {  	s7 =	sld [smem:$0x3FAF]  }
0x2d: {  	s3 =	simm.s32 $0x108;
	s8 =	sld [smem:$0x3FB0]  }
0x2e: {  	s3 =	simm.s32 @!p0 $0x1082;
	s9 =	sld [smem:$0x3FB1]  }
0x2f: {  	lr =	sadd.s32 s0, s3;
	s0 =	sld [smem:$0x3FA8]  }
0x30: {  	s3 =	sld [smem:$0x3FAB]  }
0x31: {  	[smem:$0x3FB4] =	sst s10  }
0x32: {  	s10 =	sld [smem:$0x3FB2];
	_ =	sdelay $0x3  }
0x33: {  	p0 =	seq.s32 s10, $0x1;
	s10 =	sld [smem:$0x3FB4];
	_ =	sdelay $0x3  }
0x34: {  	[smem:$0x3FB4] =	sst s10  }
0x35: {  	s10 =	sld [smem:$0x3FB3];
	_ =	sdelay $0x3  }
0x36: {  	p1 =	seq.s32 s10, $0x1;
	s10 =	sld [smem:$0x3FB4];
	_ =	sdelay $0x3  }
0x37: {  	[smem:$0x3FB4] =	sst s10  }
0x38: {  	s10 =	sld [smem:$0x3FB5]  }
0x39: {  	_ = 	snop;
	(pc) =	sbr.ind lr, $3  }
0x3a: {  	_ = 	snop  }
0x3b: {  	_ = 	snop  }
0x3c: {  	p2 =	seq.s32 s10, $0x1;
	s10 =	sld [smem:$0x3FB4]  }
0x3d: {  	_ =	shalt  }
0x3e: {  	_ =	shalt  }
0x3f: {  	_ =	shalt  }
0x40: {  	_ =	shalt  }
0x41: {  	_ =	shalt  }
0x42: {  	_ =	shalt  }
0x43: {  	_ =	shalt  }
0x44: {  	_ =	shalt  }
0x45: {  	_ =	shalt  }
0x46: {  	_ =	shalt  }
0x47: {  	_ =	shalt  }
0x48: {  	_ =	shalt  }
0x49: {  	_ =	shalt  }
0x4a: {  	_ =	shalt  }
0x4b: {  	_ =	shalt  }
0x4c: {  	_ =	shalt  }
0x4d: {  	_ =	shalt  }
0x4e: {  	_ =	shalt  }
0x4f: {  	_ =	shalt  }
0x50: {  	_ =	shalt  }
0x51: {  	_ =	shalt  }
0x52: {  	_ =	shalt  }
0x53: {  	_ =	shalt  }
0x54: {  	_ =	shalt  }
0x55: {  	_ =	shalt  }
0x56: {  	_ =	shalt  }
0x57: {  	_ =	shalt  }
0x58: {  	_ =	shalt  }
0x59: {  	_ =	shalt  }
0x5a: {  	_ =	shalt  }
0x5b: {  	_ =	shalt  }
0x5c: {  	_ =	shalt  }
0x5d: {  	_ =	shalt  }
0x5e: {  	_ =	shalt  }
0x5f: {  	_ =	shalt  }
0x60: {  	_ =	shalt  }
0x61: {  	_ =	shalt  }
0x62: {  	_ =	shalt  }
0x63: {  	_ =	shalt  }
0x64: {  	_ =	shalt  }
0x65: {  	_ =	shalt  }
0x66: {  	_ =	shalt  }
0x67: {  	_ =	shalt  }
0x68: {  	_ =	shalt  }
0x69: {  	_ =	shalt  }
0x6a: {  	_ =	shalt  }
0x6b: {  	_ =	shalt  }
0x6c: {  	_ =	shalt  }
0x6d: {  	_ =	shalt  }
0x6e: {  	_ =	shalt  }
0x6f: {  	_ =	shalt  }
0x70: {  	_ =	shalt  }
0x71: {  	_ =	shalt  }
0x72: {  	_ =	shalt  }
0x73: {  	_ =	shalt  }
0x74: {  	_ =	shalt  }
0x75: {  	_ =	shalt  }
0x76: {  	_ =	shalt  }
0x77: {  	_ =	shalt  }
0x78: {  	_ =	shalt  }
0x79: {  	_ =	shalt  }
0x7a: {  	_ =	shalt  }
0x7b: {  	_ =	shalt  }
0x7c: {  	_ =	shalt  }
0x7d: {  	_ =	shalt  }
0x7e: {  	_ =	shalt  }
0x7f: {  	_ =	shalt  }
0x80: {  	_ =	shalt  }
0x81: {  	_ =	shalt  }
0x82: {  	_ =	shalt  }
0x83: {  	_ =	shalt  }
0x84: {  	_ =	shalt  }
0x85: {  	_ =	shalt  }
0x86: {  	_ =	shalt  }
0x87: {  	_ =	shalt  }
.Lfunc_end0:
.L_simem_size_0:
called_computation.2_lowered:
.L_overlay_start_0:
0x88: {  	s2 =	sld [smem:$0x3FD9]  }
0x89: {  	s3 =	sld [smem:$0x3FFE];
	_ =	sdelay $0x1  }
0x8a: {  	s1 =	srdreg.scid  }
0x8b: {  	s0 =	sand.u32 $0x1, s1  }
0x8c: {  	s14 =	sshll.u32 s0, $0xA;
	s2 =	sadd.s32 s3, s2  }
0x8d: {  	s2 =	sadd.s32 s2, s14  }
0x8e: {  	[smem:$0x3FC0] =	sst s2  }
0x8f: {  	_ = 	snop  }
0x90: {  	s2 =	sld [smem:$0x3FD0];
	_ =	sdelay $0x2  }
0x91: {  	s15 =	simm.s32 $0xA;
	s4 =	simm.s32 $0x10  }
0x92: {  	[smem:s4], [sflag:s15] =	dma.local [hbm:s2], $0x1  }
0x93: {  	_ =	swait.eq [sflag:s15], $0x1  }
0x94: {  	[sflag:s15] =	ssyncset.done $0x0  }
0x95: {  	s16 =	sld [smem:$0x10];
	[sflag:s15] =	ssyncadd.s32 $0xFFFFFFFF  }
0x96: {  	s17 =	sld [smem:$0x11];
	(tm) =	ssettm $0x1  }
0x97: {  	s18 =	sld [smem:$0x3FFB];
	_ =	sdelay $0x3  }
0x98: {  	_ =	strace s18  }
0x99: {  	s4 =	sld [smem:$0x3FFC];
	_ =	sdelay $0x3  }
0x9a: {  	_ =	strace s4  }
0x9b: {  	s4 =	sld [smem:$0x3FFD];
	_ =	sdelay $0x3  }
0x9c: {  	_ =	strace s4  }
0x9d: {  	_ =	strace $0x8FFFFFFF  }
0x9e: {  	s19 =	sld [smem:$0x3FDB];
	_ =	sdelay $0x1  }
0x9f: {  	s5 =	simm.s32 $_scs_section_size  }
0xa0: {  	s6 =	simm.s32 $_size__tile_overlayer_lowered;
	s7 =	simm.s32 $_tile_overlayer_lowered  }
0xa1: {  	s22 =	simm.s32 $0x1BFF;
	s21 =	sshll.u32 s7, $0x1;
	s4 =	sadd.s32 s5, s19  }
0xa2: {  	s8 =	simm.s32 $0x0;
	s20 =	sshll.u32 s6, $0x1;
	s6 =	sadd.s32 s21, s4  }
0xa3: {  	[timem:s8], [sflag:s22] =	dma.local [hbm:s6], s20  }
0xa4: {  	_ =	swait.ge [sflag:s22], s20  }
0xa5: {  	s5 =	ssub.s32 $0x0, s20;
	[sflag:s22] =	ssyncset.done $0x0  }
0xa6: {  	[sflag:s22] =	ssyncadd.s32 s5;
	_ =	sdelay $0x1  }
0xa7: {  	s23 =	simm.s32 $0x1B8B  }
0xa8: {  	_ =	swait.ge [sflag:s23], $0x1  }
0xa9: {  	[sflag:s23] =	ssyncset.done $0x0  }
0xaa: {  	s25 =	simm.s32 $0x1B8E;
	s24 =	sld [smem:$0x3FFE];
	[sflag:s23] =	ssyncadd.s32 $0xFFFFFFFF  }
0xab: {  	s26 =	simm.s32 $execute0_lowered;
	[smem:$0x3FD2] =	sst s25  }
0xac: {  	s6 =	sshll.u32 s26, $0x1;
	_ =	strace $0x8000004C;
	[dreg:$0x1] =	wrdreg $0xFFFFFFFF  }
0xad: {  	s28 =	simm.s32 $_size_execute0_lowered;
	s4 =	sadd.s32 s4, s6;
	[dreg:$0x0] =	wrdreg $0x0  }
0xae: {  	s6 =	sshll.u32 s28, $0x1;
	[dreg:$0x2] =	wrdreg s4  }
0xaf: {  	[dreg:$0x3] =	wrdreg s6  }
0xb0: {  	[dreg:$0x4] =	wrdreg $0xC0  }
0xb1: {  	_ =	task [dreg:s8], $0x5FFFF  }
0xb2: {  	[dreg:$0x1] =	wrdreg $0xFFFFFFFF  }
0xb3: {  	[dreg:$0x0] =	wrdreg $0x60  }
0xb4: {  	[dreg:$0x2] =	wrdreg s24  }
0xb5: {  	[dreg:$0x3] =	wrdreg s16  }
0xb6: {  	[dreg:$0x4] =	wrdreg s17  }
0xb7: {  	[dreg:$0x5] =	wrdreg $0xA0000  }
0xb8: {  	[dreg:$0x6] =	wrdreg $0x9  }
0xb9: {  	_ =	task.clear_ibuf [dreg:s8], $0x7FFFF;
	_ =	strace $0x9000004C  }
0xba: {  	s29 =	simm.s32 $0x9;
	_ =	strace $0x8000004E  }
0xbb: {  	_ =	swait.ge [sflag:s29], $0x1  }
0xbc: {  	[sflag:s29] =	ssyncadd.s32 $0xFFFFFFFF  }
0xbd: {  	_ =	strace $0x9000004E  }
0xbe: {  	_ =	sfence  }
0xbf: {  	s30 =	sld [smem:$0x0];
	_ =	sdelay $0x2  }
0xc0: {  	s31 =	sshll.u32 s1, $0xD;
	s1 =	sshrl.u32 s1, $0x2  }
0xc1: {  	s3 =	sand.u32 $0x4000, s31;
	s1 =	sadd.s32 s1, s30  }
0xc2: {  	s0 =	sor.u32 s3, s0;
	s1 =	sshll.u32 s1, $0x11  }
0xc3: {  	s0 =	sor.u32 s1, s0  }
0xc4: {  	s0 =	sadd.s32 $0x8F2B, s0  }
0xc5: {  	[sflag:s0] =	ssyncadd.remote.s32 $0x1  }
0xc6: {  	_ =	sfence.sel $0xFFFF  }
0xc7: {  	[dreg:$0x0] =	wrdreg $0xFFFFFFFF;
	(pc) =	sbr.abs _section_cstart, $3  }
0xc8: {  	[dreg:$0x1] =	wrdreg $0xFFFFFFFF  }
0xc9: {  	_ =	task.clear_ibuf [dreg:s8], $0x2FFFF;
	_ =	strace $0x9FFFFFFF  }
0xca: {  	(tm) =	ssettm $0x7FFFFFFF  }
0xcb: {  	_ =	shalt  }
tec
execute0_lowered:
.L_overlay_start_1:
0x0: {  	(tag) =	ssettag $0x1  }
0x1: {  	s0 =	rddreg [dreg:$0x0]  }
0x2: {  	s1 =	rddreg [dreg:$0x1]  }
0x3: {  	s2 =	rddreg [dreg:$0x2]  }
0x4: {  	s4 =	rddreg [dreg:$0x3];
	s3 =	srdreg.scid  }
0x5: {  	s5 =	simm.s32 $0x0;
	s10 =	stileid.u32;
	s17 =	simm.s32 $0x2B800  }
0x6: {  	s20 =	simm.s32 $0x4;
	s21 =	simm.s32 $0x1000;
	s22 =	simm.s32 $0x80  }
0x7: {  	s28 =	simm.s32 $0x0;
	s3 =	sand.u32 $0x1, s3;
	s7 =	smul.u32 $0x50000, s10  }
0x8: {  	[smem:$0x7FF] =	sst s5;
	s6 =	sadd.s32 $0x3800, s0;
	s9 =	smul.u32 $0x2800, s10  }
0x9: {  	s31 =	sshll.u32 s10, $0x6;
	s23 =	ssub.s32 $0x2, s3;
	_ =	strace $0x8000004D  }
0xa: {  	s24 =	sshll.u32 s3, $0x4;
	p0 =	seq.s32 s3, $0x0;
	s18 =	sor.u32 $0x1C04, s31  }
0xb: {  	s8 =	sshrl.u32 s23, $0x1;
	s7 =	sshrl.u32 s7, $0x2;
	s30 =	sadd.s32 s6, s9  }
0xc: {  	s17 =	simm.s32 @!p0 $0x53800;
	p0 =	sne.s32 s3, $0x0;
	s5 =	ssub.s32 s23, s8  }
0xd: {  	s8 =	sor.u32 s10, s24;
	s7 =	sadd.s32 s7, s4;
	[dreg:$0x9] =	wrdreg s30  }
0xe: {  	s0 =	sadd.s32 s17, s0;
	s23 =	simm.s32 $0x2000;
	s24 =	simm.s32 $0x2  }
0xf: {  	s11 =	sadd.s32 $0x4000, s7;
	s14 =	smul.u32 $0x500, s8;
	s25 =	sadd.s32 $0x8000, s7  }
.Ltmp0:
0x10: {  	s26 =	sadd.s32 $0xC000, s7;
	[dreg:$0x5] =	wrdreg s11;
	(pc) =	sbr.rel .LBB2_1-.Ltmp0, $4  }
0x11: {  	s29 =	sadd.s32 $0x10000, s7;
	s15 =	smul.u32 $0x2800, s8;
	[dreg:$0x6] =	wrdreg s25  }
0x12: {  	s16 =	smax.u32 s5, $0x1;
	s17 =	sadd.s32 s0, s9;
	[dreg:$0x7] =	wrdreg s26  }
0x13: {  	s19 =	sshrl.u32 s7, $0x3;
	[dreg:$0x8] =	wrdreg s29;
	s25 =	simm.s32 $0x6000  }
0x14: {  	v0 =	vimm.f32 $0.0e+00;
	s26 =	simm.s32 $0x3;
	s13 =	sadd.s32 s1, s14;
	s14 =	sadd.s32 s2, s14  }
.LBB2_11:
0x15: {  	s28 =	sadd.s32 $0x1, s28  }
0x16: {  	p1 =	sne.s32 s28, s16  }
.Ltmp1:
0x17: {  	[bflag:$0x0] =	sbarrier.arrive $0xFFFF;
	(pc) =	sbr.rel @!p1 .LBB2_12-.Ltmp1, $4  }
0x18: {  	[hbm:s17], [sflag:s18] =	dma.local [spmem:s19], $0x2800  }
0x19: {  	_ =	swait.ge [sflag:s20], $0x2800  }
0x1a: {  	[sflag:s20] =	ssyncset.done $0x0  }
0x1b: {  	[sflag:s20] =	ssyncadd.s32 $0xFFFFD800  }
.LBB2_1:
.Ltmp2:
0x1c: {  	(pc) =	sbr.rel @p0 .LBB2_3-.Ltmp2, $1  }
0x1d: {  	_ =	sdelay $0x3  }
.Ltmp3:
0x1e: {  	s0 =	rddreg [dreg:$0x9];
	(pc) =	sbr.rel .LBB2_6-.Ltmp3, $4  }
0x1f: {  	[spmem:s19], [sflag:s18] =	dma.local [hbm:s0], $0x2800  }
0x20: {  	_ =	swait.ge [sflag:s20], $0x2800  }
0x21: {  	[sflag:s20] =	ssyncset.done $0x0  }
0x22: {  	[sflag:s20] =	ssyncadd.s32 $0xFFFFD800  }
.LBB2_3:
0x23: {  	s3 =	simm.s32 $0x0  }
0x24: {  	s0 =	sshra.s32 s3, $0x2;
	s3 =	sadd.s32 $0x200, s3  }
.LBB2_4:
0x25: {  	p1 =	sne.s32 s3, $0xFE00;
	[tilespmem:s0+$0x2070] =	vst v0  }
0x26: {  	[tilespmem:s0+$0x2000] =	vst v0  }
0x27: {  	[tilespmem:s0+$0x2010] =	vst v0  }
.Ltmp4:
0x28: {  	[tilespmem:s0+$0x2020] =	vst v0;
	(pc) =	sbr.rel @p1 .LBB2_4-.Ltmp4, $4  }
0x29: {  	[tilespmem:s0+$0x2030] =	vst v0  }
0x2a: {  	[tilespmem:s0+$0x2040] =	vst v0  }
0x2b: {  	[tilespmem:s0+$0x2050] =	vst v0  }
0x2c: {  	[tilespmem:s0+$0x2060] =	vst v0;
	s0 =	sshra.s32 s3, $0x2;
	s3 =	sadd.s32 $0x200, s3  }
0x2d: {  	[tilespmem:s0+$0x2070] =	vst v0  }
0x2e: {  	[tilespmem:s0+$0x2000] =	vst v0  }
0x2f: {  	[tilespmem:s0+$0x2010] =	vst v0  }
0x30: {  	[tilespmem:s0+$0x2020] =	vst v0  }
0x31: {  	[tilespmem:s0+$0x2030] =	vst v0  }
0x32: {  	[tilespmem:s0+$0x2040] =	vst v0  }
0x33: {  	[tilespmem:s0+$0x2050] =	vst v0  }
0x34: {  	[tilespmem:s0+$0x2060] =	vst v0  }
0x35: {  	[spmem:s7] =	stream.linear.scatter [tilespmem:s23], [sflag:$0x4], $0x4000, $0x38;
	[tilespmem:$0x1E000] =	vst v63  }
0x36: {  	_ =	swait.ge [sflag:s20], $0x4000  }
0x37: {  	[sflag:s20] =	ssyncset.done $0x0  }
0x38: {  	s12 =	rddreg [dreg:$0x5];
	[sflag:s20] =	ssyncadd.s32 $0xFFFFC000  }
0x39: {  	[spmem:s12] =	stream.linear.scatter [tilespmem:s23], [sflag:$0x4], $0x4000, $0x38;
	[tilespmem:$0x1E000] =	vst v63  }
0x3a: {  	_ =	swait.ge [sflag:s20], $0x4000  }
0x3b: {  	[sflag:s20] =	ssyncset.done $0x0  }
0x3c: {  	s29 =	rddreg [dreg:$0x6];
	[sflag:s20] =	ssyncadd.s32 $0xFFFFC000  }
0x3d: {  	[spmem:s29] =	stream.linear.scatter [tilespmem:s23], [sflag:$0x4], $0x4000, $0x38;
	[tilespmem:$0x1E000] =	vst v63  }
0x3e: {  	_ =	swait.ge [sflag:s20], $0x4000  }
0x3f: {  	[sflag:s20] =	ssyncset.done $0x0  }
0x40: {  	s30 =	rddreg [dreg:$0x7];
	[sflag:s20] =	ssyncadd.s32 $0xFFFFC000  }
0x41: {  	[spmem:s30] =	stream.linear.scatter [tilespmem:s23], [sflag:$0x4], $0x4000, $0x38;
	[tilespmem:$0x1E000] =	vst v63  }
0x42: {  	_ =	swait.ge [sflag:s20], $0x4000  }
0x43: {  	[sflag:s20] =	ssyncset.done $0x0  }
0x44: {  	s31 =	rddreg [dreg:$0x8];
	[sflag:s20] =	ssyncadd.s32 $0xFFFFC000  }
0x45: {  	[spmem:s31] =	stream.linear.scatter [tilespmem:s23], [sflag:$0x4], $0x4000, $0x38;
	[tilespmem:$0x1E000] =	vst v63  }
0x46: {  	_ =	swait.ge [sflag:s20], $0x4000  }
0x47: {  	[sflag:s20] =	ssyncset.done $0x0  }
0x48: {  	[sflag:s20] =	ssyncadd.s32 $0xFFFFC000  }
.LBB2_6:
0x49: {  	s29 =	simm.s32 $0x0  }
0x4a: {  	[tilespmem:s29], [sflag:$0x4] =	stream.linear.gather [hbm4b:s13+s29], $0x800, $0x38;
	[tilespmem:$0x1E000] =	vst v63  }
0x4b: {  	_ =	swait.ge [sflag:s20], $0x800  }
0x4c: {  	[sflag:s20] =	ssyncset.done $0x0  }
0x4d: {  	[sflag:s20] =	ssyncadd.s32 $0xFFFFF800  }
0x4e: {  	[tilespmem:s21], [sflag:$0x4] =	stream.linear.gather [hbm4b:s14+s29], $0x800, $0x38;
	[tilespmem:$0x1E000] =	vst v63  }
0x4f: {  	_ =	swait.ge [sflag:s20], $0x800  }
0x50: {  	[sflag:s20] =	ssyncset.done $0x0  }
0x51: {  	[sflag:s20] =	ssyncadd.s32 $0xFFFFF800  }
0x52: {  	[tilespmem:s23], [sflag:$0x1] =	stream.indirect.gather [hbm4b:s6+s22], $0x80, s29, s22, $0xb8;
	[tilespmem:$0x1E000] =	vst v63  }
0x53: {  	p1 =	por $0x0, $0x0;
	[bflag:$0x0] =	sbarrier.arrive $0xFFFF  }
.LBB2_7:
0x54: {  	s0 =	smov.u32 s29  }
0x55: {  	s29 =	sadd.s32 $0x1, s29;
	p2 =	seq.s32 s0, $0x4  }
0x56: {  	s3 =	sshll.u32 @!p2 s29, $0xB  }
0x57: {  	s3 =	sadd.s32 @!p2 s15, s3  }
0x58: {  	s10 =	simm.s32 $0x1;
	s30 =	sand.u32 $0x1, s29;
	s3 =	sshrl.u32 @!p2 s3, $0x3  }
0x59: {  	s5 =	sshll.u32 @!p2 s30, $0xB;
	s9 =	simm.s32 @!p2 $0x0;
	s8 =	sadd.s32 @!p2 s1, s3  }
0x5a: {  	[tilespmem:s5], [sflag:$0x3] =	stream.linear.gather @!p2 [hbm4b:s8+s9], $0x800, $0x38;
	[tilespmem:$0x1E000] =	vst v63  }
0x5b: {  	s12 =	simm.s32 $0x0;
	s0 =	sshll.u32 s0, $0xB;
	s8 =	simm.s32 $0x1  }
0x5c: {  	s3 =	sadd.s32 @!p2 s2, s3;
	s5 =	sor.u32 @!p2 $0x1000, s5;
	s8 =	simm.s32 @!p1 $0x0  }
0x5d: {  	[tilespmem:s5], [sflag:$0x3] =	stream.linear.gather @!p2 [hbm4b:s3+s9], $0x800, $0x38;
	[tilespmem:$0x1E000] =	vst v63  }
0x5e: {  	s11 =	sshll.u32 s8, $0xB;
	s3 =	sand.u32 $0x1, s10;
	s8 =	sand.u32 $0x1, s12  }
0x5f: {  	s5 =	simm.s32 $0x2;
	s9 =	sor.u32 $0x80, s11;
	s31 =	sshll.u32 s3, $0xE  }
0x60: {  	s3 =	sadd.s32 $0x1, s3;
	s10 =	sadd.s32 $0x1, s8;
	s31 =	sor.u32 $0x2000, s31  }
0x61: {  	[tilespmem:s31], [sflag:s3] =	stream.indirect.gather [hbm4b:s6+s22], $0x80, s9, s22, $0xb8;
	[tilespmem:$0x1E000] =	vst v63  }
0x62: {  	s11 =	sor.u32 $0x1000, s11;
	s8 =	sshll.u32 s8, $0xE;
	_ =	swait.ge [sflag:s10], $0x4000  }
0x63: {  	s12 =	sor.u32 $0x2000, s8;
	s8 =	simm.s32 $0x3;
	[sflag:s10] =	ssyncset.done $0x0  }
0x64: {  	s31 =	sand.u32 $0x800, s0;
	s3 =	sadd.s32 $0x80, s9;
	[sflag:s10] =	ssyncadd.s32 $0xFFFFC000  }
0x65: {  	[spmem:s4] =	stream.indirect.scatter.add.f32 [tilespmem:s12], [sflag:$0x4], $0x80, s11, s22, $0xb8;
	[tilespmem:$0x1E000] =	vst v63  }
0x66: {  	s9 =	sand.u32 $0x1, s5;
	s0 =	sadd.s32 $0x80, s11;
	_ =	swait.ge [sflag:s20], $0x4000  }
.LBB2_8:
0x67: {  	s10 =	sadd.s32 $0xFFFFFFFF, s5;
	s11 =	sshll.u32 s9, $0xE  }
0x68: {  	[sflag:s20] =	ssyncset.done $0x0;
	s5 =	smov.u32 s8;
	s9 =	sadd.s32 $0x1, s9  }
0x69: {  	p3 =	sne.s32 s8, $0xF;
	s10 =	sand.u32 $0x1, s10;
	s11 =	sor.u32 $0x2000, s11  }
0x6a: {  	s12 =	sshll.u32 s10, $0xE;
	s10 =	sadd.s32 $0x1, s10;
	[sflag:s20] =	ssyncadd.s32 $0xFFFFC000  }
0x6b: {  	[tilespmem:s11], [sflag:s9] =	stream.indirect.gather [hbm4b:s6+s22], $0x80, s3, s22, $0xb8;
	[tilespmem:$0x1E000] =	vst v63  }
.Ltmp5:
0x6c: {  	s11 =	sadd.s32 $0x1, s8;
	_ =	swait.ge [sflag:s10], $0x4000;
	(pc) =	sbr.rel @p3 .LBB2_8-.Ltmp5, $4  }
0x6d: {  	s8 =	sor.u32 $0x2000, s12;
	[sflag:s10] =	ssyncset.done $0x0  }
0x6e: {  	s3 =	sadd.s32 $0x80, s3;
	s9 =	sand.u32 $0x1, s5;
	[sflag:s10] =	ssyncadd.s32 $0xFFFFC000  }
0x6f: {  	[spmem:s4] =	stream.indirect.scatter.add.f32 [tilespmem:s8], [sflag:$0x4], $0x80, s0, s22, $0xb8;
	[tilespmem:$0x1E000] =	vst v63  }
0x70: {  	s0 =	sadd.s32 $0x80, s0;
	s8 =	smov.u32 s11;
	_ =	swait.ge [sflag:s20], $0x4000  }
0x71: {  	s5 =	sadd.s32 $0xFFFFFFFF, s5;
	s8 =	sshll.u32 s9, $0xE  }
0x72: {  	[sflag:s20] =	ssyncset.done $0x0;
	s11 =	sadd.s32 $0x1, s9;
	s5 =	sand.u32 $0x1, s5  }
0x73: {  	s8 =	sor.u32 $0x2000, s8;
	[sflag:s20] =	ssyncadd.s32 $0xFFFFC000;
	s10 =	sadd.s32 $0x1, s5  }
0x74: {  	[tilespmem:s8], [sflag:s11] =	stream.indirect.gather [hbm4b:s6+s22], $0x80, s3, s22, $0xb8;
	[tilespmem:$0x1E000] =	vst v63  }
0x75: {  	_ =	swait.ge [sflag:s10], $0x4000  }
0x76: {  	s12 =	sshll.u32 s5, $0xE;
	[sflag:s10] =	ssyncset.done $0x0  }
0x77: {  	s3 =	sor.u32 $0x2000, s12;
	[sflag:s10] =	ssyncadd.s32 $0xFFFFC000  }
0x78: {  	[spmem:s4] =	stream.indirect.scatter.add.f32 [tilespmem:s3], [sflag:$0x4], $0x80, s0, s22, $0xb8;
	[tilespmem:$0x1E000] =	vst v63  }
0x79: {  	_ =	swait.ge [sflag:s20], $0x4000  }
0x7a: {  	[sflag:s20] =	ssyncset.done $0x0  }
0x7b: {  	[sflag:s20] =	ssyncadd.s32 $0xFFFFC000  }
0x7c: {  	_ =	swait.ge [sflag:s24], $0x4000  }
0x7d: {  	[sflag:s24] =	ssyncset.done $0x0  }
.Ltmp6:
0x7e: {  	s31 =	sadd.s32 $0x1780, s31;
	[sflag:s24] =	ssyncadd.s32 $0xFFFFC000;
	(pc) =	sbr.rel @p2 .LBB2_11-.Ltmp6, $4  }
0x7f: {  	[spmem:s4] =	stream.indirect.scatter.add.f32 [tilespmem:s25], [sflag:$0x4], $0x80, s31, s22, $0xb8;
	[tilespmem:$0x1E000] =	vst v63  }
0x80: {  	_ =	swait.ge [sflag:s20], $0x4000  }
0x81: {  	[sflag:s20] =	ssyncset.done $0x0  }
0x82: {  	[sflag:s20] =	ssyncadd.s32 $0xFFFFC000  }
0x83: {  	_ =	swait.ge [sflag:s26], $0x800  }
0x84: {  	[sflag:s26] =	ssyncset.done $0x0  }
.Ltmp7:
0x85: {  	[sflag:s26] =	ssyncadd.s32 $0xFFFFF800;
	(pc) =	sbr.rel .LBB2_7-.Ltmp7, $4  }
0x86: {  	_ =	swait.ge [sflag:s26], $0x800  }
0x87: {  	[sflag:s26] =	ssyncset.done $0x0  }
0x88: {  	s0 =	sshll.u32 s30, $0xB;
	p1 =	por !p1, !p1;
	[sflag:s26] =	ssyncadd.s32 $0xFFFFF800  }
0x89: {  	[tilespmem:s23], [sflag:$0x1] =	stream.indirect.gather [hbm4b:s6+s22], $0x80, s0, s22, $0xb8;
	[tilespmem:$0x1E000] =	vst v63  }
.LBB2_12:
0x8a: {  	_ =	sfence.sel $0x180000  }
0x8b: {  	[bflag:$0x0] =	sbarrier.arrive $0xFFFF  }
0x8c: {  	_ =	strace $0x9000004D  }
0x8d: {  	s0 =	stileid.u32;
	[bflag:$0x2] =	sbarrier.arrive $0xFFFF  }
0x8e: {  	p0 =	sne.s32 s0, $0x0;
	s0 =	rddreg [dreg:$0x4]  }
0x8f: {  	s0 =	sadd.s32 @!p0 $0x100000, s0  }
0x90: {  	[sflag:s0] =	ssyncadd.tile.s32 @!p0 $0x1;
	_ =	shalt  }
.Lfunc_end2:
_tile_overlayer_lowered:
.L_overlay_start_2:
0x91: {  	(tag) =	ssettag $0x2  }
0x92: {  	s0 =	rddreg [dreg:$0x0];
	s2 =	stileid.u32  }
0x93: {  	s1 =	rddreg [dreg:$0x1];
	p0 =	sne.s32 s2, $0x0  }
0x94: {  	s3 =	rddreg [dreg:$0x2];
	[bflag:$0x3] =	sbarrier.arrive $0xFFFF;
	s2 =	simm.s32 @!p0 $0x1C04  }
0x95: {  	[timem:s3], [sflag:s2] =	dma.local @!p0 [hbm:s0], s1  }
0x96: {  	s0 =	simm.s32 @!p0 $0x4  }
0x97: {  	_ =	swait.ge @!p0 [sflag:s0], s1  }
0x98: {  	s1 =	ssub.s32 @!p0 $0x0, s1;
	[sflag:s0] =	ssyncset.done @!p0 $0x0  }
0x99: {  	[sflag:s0] =	ssyncadd.s32 @!p0 s1  }
0x9a: {  	[bflag:$0x3] =	sbarrier.arrive $0xFFFF  }
0x9b: {  	_ =	shalt  }

// kernel: _full.8.cloned.1.call-start
scs
__scs_entry_jumppad:
0x0: {  	(pc) =	sbr.rel $0x88, $3  }
0x1: {  	(tag) =	ssettag $0x0;
	lr =	simm.s32 $0x1  }
0x2: {  	[smem:$0x3F99] =	sst lr;
	_ =	strace $0xD0000000  }
0x3: {  	_ = 	snop  }
0x4: {  	_ = 	snop  }
0x5: {  	_ = 	snop  }
0x6: {  	_ = 	snop  }
0x7: {  	_ = 	snop  }
__scs_overlays_trampoline_lowered:
0x8: {  	[smem:$0x3FA8] =	sst s0  }
0x9: {  	[smem:$0x3FA9] =	sst s1  }
0xa: {  	[smem:$0x3FAA] =	sst s2  }
0xb: {  	[smem:$0x3FAB] =	sst s3  }
0xc: {  	[smem:$0x3FAC] =	sst s4  }
0xd: {  	[smem:$0x3FAD] =	sst s5  }
0xe: {  	[smem:$0x3FAE] =	sst s6  }
0xf: {  	[smem:$0x3FAF] =	sst s7  }
0x10: {  	[smem:$0x3FB0] =	sst s8  }
0x11: {  	[smem:$0x3FB1] =	sst s9;
	s0 =	simm.s32 @!p0 $0x0  }
0x12: {  	s1 =	sld [smem:$0x3F97];
	s0 =	simm.s32 @p0 $0x1  }
0x13: {  	[smem:$0x3FB2] =	sst s0;
	s0 =	simm.s32 @!p1 $0x0  }
0x14: {  	s2 =	sld [smem:$0x3F96];
	s0 =	simm.s32 @p1 $0x1  }
0x15: {  	[smem:$0x3FB3] =	sst s0;
	s0 =	simm.s32 @!p2 $0x0  }
0x16: {  	s3 =	sld [smem:$0x3FDB];
	s0 =	simm.s32 @p2 $0x1  }
0x17: {  	s4 =	simm.s32 $0x1BF5;
	[smem:$0x3FB5] =	sst s0  }
0x18: {  	s0 =	sld [smem:$0x3F98];
	_ =	swait.ge [sflag:s4], $0x0  }
0x19: {  	s7 =	sld [smem:$0x3F99]  }
0x1a: {  	s8 =	sadd.s32 $0xFFFFE003, lr  }
0x1b: {  	s9 =	sadd.s32 $0xFFFFFEF7, lr;
	s5 =	simm.s32 $0xFFFFFFFF;
	p2 =	slt.u32 s8, $0xFFFFF086  }
0x1c: {  	p1 =	slt.u32 s9, $0xF7A;
	s5 =	simm.s32 @!p2 $0x0  }
0x1d: {  	s5 =	simm.s32 @p1 $0x1;
	p0 =	seq.s32 s7, s2  }
0x1e: {  	s7 =	smul.u32 @!p0 $0xF7A, s2;
	p2 =	seq.s32 @!p0 s5, $0x0  }
0x1f: {  	s9 =	smul.u32 $0xF7A, s1;
	s8 =	simm.s32 @!p0 $0x1BF5;
	p2 =	por !p2, p0  }
0x20: {  	[sflag:s8] =	ssyncset.s32 @!p0 $0xFFFFF086;
	s6 =	sadd.s32 @!p0 s3, s7;
	s7 =	simm.s32 @!p0 $0x108  }
0x21: {  	s3 =	sadd.s32 s3, s9;
	s6 =	sadd.s32 @!p0 $0x88, s6;
	s7 =	simm.s32 @p2 $0x1082  }
0x22: {  	[simem:s7], [sflag:s8] =	dma.local @!p0 [hbm:s6], $0xF7A  }
0x23: {  	s9 =	sor.u32 $0xD0000000, s2;
	s6 =	simm.s32 $0x108;
	_ =	swait.ge @!p0 [sflag:s8], $0x0  }
0x24: {  	s3 =	sadd.s32 $0x88, s3;
	s6 =	simm.s32 @!p1 $0x1082;
	[sflag:s4] =	ssyncset.s32 $0xFFFFF086  }
0x25: {  	[simem:s6], [sflag:s4] =	dma.local [hbm:s3], $0xF7A  }
0x26: {  	[smem:$0x3F99] =	sst s1;
	(tag) =	ssettag s2;
	_ =	strace s9  }
0x27: {  	s1 =	sld [smem:$0x3FA9]  }
0x28: {  	s2 =	sld [smem:$0x3FAA]  }
0x29: {  	s4 =	sld [smem:$0x3FAC]  }
0x2a: {  	p0 =	seq.s32 s5, $0x0;
	s5 =	sld [smem:$0x3FAD]  }
0x2b: {  	s6 =	sld [smem:$0x3FAE]  }
0x2c: {  	s7 =	sld [smem:$0x3FAF]  }
0x2d: {  	s3 =	simm.s32 $0x108;
	s8 =	sld [smem:$0x3FB0]  }
0x2e: {  	s3 =	simm.s32 @!p0 $0x1082;
	s9 =	sld [smem:$0x3FB1]  }
0x2f: {  	lr =	sadd.s32 s0, s3;
	s0 =	sld [smem:$0x3FA8]  }
0x30: {  	s3 =	sld [smem:$0x3FAB]  }
0x31: {  	[smem:$0x3FB4] =	sst s10  }
0x32: {  	s10 =	sld [smem:$0x3FB2];
	_ =	sdelay $0x3  }
0x33: {  	p0 =	seq.s32 s10, $0x1;
	s10 =	sld [smem:$0x3FB4];
	_ =	sdelay $0x3  }
0x34: {  	[smem:$0x3FB4] =	sst s10  }
0x35: {  	s10 =	sld [smem:$0x3FB3];
	_ =	sdelay $0x3  }
0x36: {  	p1 =	seq.s32 s10, $0x1;
	s10 =	sld [smem:$0x3FB4];
	_ =	sdelay $0x3  }
0x37: {  	[smem:$0x3FB4] =	sst s10  }
0x38: {  	s10 =	sld [smem:$0x3FB5]  }
0x39: {  	_ = 	snop;
	(pc) =	sbr.ind lr, $3  }
0x3a: {  	_ = 	snop  }
0x3b: {  	_ = 	snop  }
0x3c: {  	p2 =	seq.s32 s10, $0x1;
	s10 =	sld [smem:$0x3FB4]  }
0x3d: {  	_ =	shalt  }
0x3e: {  	_ =	shalt  }
0x3f: {  	_ =	shalt  }
0x40: {  	_ =	shalt  }
0x41: {  	_ =	shalt  }
0x42: {  	_ =	shalt  }
0x43: {  	_ =	shalt  }
0x44: {  	_ =	shalt  }
0x45: {  	_ =	shalt  }
0x46: {  	_ =	shalt  }
0x47: {  	_ =	shalt  }
0x48: {  	_ =	shalt  }
0x49: {  	_ =	shalt  }
0x4a: {  	_ =	shalt  }
0x4b: {  	_ =	shalt  }
0x4c: {  	_ =	shalt  }
0x4d: {  	_ =	shalt  }
0x4e: {  	_ =	shalt  }
0x4f: {  	_ =	shalt  }
0x50: {  	_ =	shalt  }
0x51: {  	_ =	shalt  }
0x52: {  	_ =	shalt  }
0x53: {  	_ =	shalt  }
0x54: {  	_ =	shalt  }
0x55: {  	_ =	shalt  }
0x56: {  	_ =	shalt  }
0x57: {  	_ =	shalt  }
0x58: {  	_ =	shalt  }
0x59: {  	_ =	shalt  }
0x5a: {  	_ =	shalt  }
0x5b: {  	_ =	shalt  }
0x5c: {  	_ =	shalt  }
0x5d: {  	_ =	shalt  }
0x5e: {  	_ =	shalt  }
0x5f: {  	_ =	shalt  }
0x60: {  	_ =	shalt  }
0x61: {  	_ =	shalt  }
0x62: {  	_ =	shalt  }
0x63: {  	_ =	shalt  }
0x64: {  	_ =	shalt  }
0x65: {  	_ =	shalt  }
0x66: {  	_ =	shalt  }
0x67: {  	_ =	shalt  }
0x68: {  	_ =	shalt  }
0x69: {  	_ =	shalt  }
0x6a: {  	_ =	shalt  }
0x6b: {  	_ =	shalt  }
0x6c: {  	_ =	shalt  }
0x6d: {  	_ =	shalt  }
0x6e: {  	_ =	shalt  }
0x6f: {  	_ =	shalt  }
0x70: {  	_ =	shalt  }
0x71: {  	_ =	shalt  }
0x72: {  	_ =	shalt  }
0x73: {  	_ =	shalt  }
0x74: {  	_ =	shalt  }
0x75: {  	_ =	shalt  }
0x76: {  	_ =	shalt  }
0x77: {  	_ =	shalt  }
0x78: {  	_ =	shalt  }
0x79: {  	_ =	shalt  }
0x7a: {  	_ =	shalt  }
0x7b: {  	_ =	shalt  }
0x7c: {  	_ =	shalt  }
0x7d: {  	_ =	shalt  }
0x7e: {  	_ =	shalt  }
0x7f: {  	_ =	shalt  }
0x80: {  	_ =	shalt  }
0x81: {  	_ =	shalt  }
0x82: {  	_ =	shalt  }
0x83: {  	_ =	shalt  }
0x84: {  	_ =	shalt  }
0x85: {  	_ =	shalt  }
0x86: {  	_ =	shalt  }
0x87: {  	_ =	shalt  }
.Lfunc_end0:
.L_simem_size_0:
called_computation_lowered:
.L_overlay_start_0:
0x88: {  	s2 =	sld [smem:$0x3FD9]  }
0x89: {  	s3 =	sld [smem:$0x3FFE];
	_ =	sdelay $0x1  }
0x8a: {  	s1 =	srdreg.scid  }
0x8b: {  	s0 =	sand.u32 $0x1, s1  }
0x8c: {  	s14 =	sshll.u32 s0, $0xA;
	s2 =	sadd.s32 s3, s2  }
0x8d: {  	s2 =	sadd.s32 s2, s14  }
0x8e: {  	[smem:$0x3FC0] =	sst s2  }
0x8f: {  	_ = 	snop  }
0x90: {  	s2 =	sld [smem:$0x3FD0];
	_ =	sdelay $0x2  }
0x91: {  	s15 =	simm.s32 $0xA;
	s4 =	simm.s32 $0x10  }
0x92: {  	[smem:s4], [sflag:s15] =	dma.local [hbm:s2], $0x1  }
0x93: {  	_ =	swait.eq [sflag:s15], $0x1  }
0x94: {  	[sflag:s15] =	ssyncset.done $0x0  }
0x95: {  	[sflag:s15] =	ssyncadd.s32 $0xFFFFFFFF  }
0x96: {  	s16 =	sld [smem:$0x11];
	(tm) =	ssettm $0x1  }
0x97: {  	s17 =	sld [smem:$0x3FFB];
	_ =	sdelay $0x3  }
0x98: {  	_ =	strace s17  }
0x99: {  	s3 =	sld [smem:$0x3FFC];
	_ =	sdelay $0x3  }
0x9a: {  	_ =	strace s3  }
0x9b: {  	s3 =	sld [smem:$0x3FFD];
	_ =	sdelay $0x3  }
0x9c: {  	_ =	strace s3  }
0x9d: {  	_ =	strace $0x8FFFFFFF  }
0x9e: {  	s18 =	sld [smem:$0x3FDB];
	_ =	sdelay $0x1  }
0x9f: {  	s19 =	simm.s32 $_scs_section_size  }
0xa0: {  	s5 =	simm.s32 $_size__tile_overlayer_lowered;
	s6 =	simm.s32 $_tile_overlayer_lowered  }
0xa1: {  	s22 =	simm.s32 $0x1BFF;
	s21 =	sshll.u32 s6, $0x1;
	s3 =	sadd.s32 s19, s18  }
0xa2: {  	s7 =	simm.s32 $0x0;
	s20 =	sshll.u32 s5, $0x1;
	s5 =	sadd.s32 s21, s3  }
0xa3: {  	[timem:s7], [sflag:s22] =	dma.local [hbm:s5], s20  }
0xa4: {  	_ =	swait.ge [sflag:s22], s20  }
0xa5: {  	s4 =	ssub.s32 $0x0, s20;
	[sflag:s22] =	ssyncset.done $0x0  }
0xa6: {  	[sflag:s22] =	ssyncadd.s32 s4;
	_ =	sdelay $0x1  }
0xa7: {  	s23 =	simm.s32 $0x1B8B  }
0xa8: {  	_ =	swait.ge [sflag:s23], $0x1  }
0xa9: {  	[sflag:s23] =	ssyncset.done $0x0  }
0xaa: {  	s25 =	simm.s32 $0x1B8E;
	s24 =	sld [smem:$0x3FFE];
	[sflag:s23] =	ssyncadd.s32 $0xFFFFFFFF  }
0xab: {  	s26 =	simm.s32 $execute0_lowered;
	[smem:$0x3FD2] =	sst s25  }
0xac: {  	s5 =	sshll.u32 s26, $0x1;
	_ =	strace $0x80000046;
	[dreg:$0x1] =	wrdreg $0xFFFFFFFF  }
0xad: {  	s28 =	simm.s32 $_size_execute0_lowered;
	s3 =	sadd.s32 s3, s5;
	[dreg:$0x0] =	wrdreg $0x0  }
0xae: {  	s5 =	sshll.u32 s28, $0x1;
	[dreg:$0x2] =	wrdreg s3  }
0xaf: {  	[dreg:$0x3] =	wrdreg s5  }
0xb0: {  	[dreg:$0x4] =	wrdreg $0xC0  }
0xb1: {  	_ =	task [dreg:s7], $0x5FFFF  }
0xb2: {  	[dreg:$0x1] =	wrdreg $0xFFFFFFFF  }
0xb3: {  	[dreg:$0x0] =	wrdreg $0x60  }
0xb4: {  	[dreg:$0x2] =	wrdreg s16  }
0xb5: {  	[dreg:$0x3] =	wrdreg s24  }
0xb6: {  	[dreg:$0x4] =	wrdreg $0x2B000  }
0xb7: {  	[dreg:$0x5] =	wrdreg $0x9  }
0xb8: {  	_ =	task.clear_ibuf [dreg:s7], $0x6FFFF;
	_ =	strace $0x90000046  }
0xb9: {  	s29 =	simm.s32 $0x9;
	_ =	strace $0x80000048  }
0xba: {  	_ =	swait.ge [sflag:s29], $0x1  }
0xbb: {  	[sflag:s29] =	ssyncadd.s32 $0xFFFFFFFF  }
0xbc: {  	_ =	strace $0x90000048  }
0xbd: {  	_ =	sfence  }
0xbe: {  	s30 =	sld [smem:$0x0];
	_ =	sdelay $0x2  }
0xbf: {  	s31 =	sshll.u32 s1, $0xD;
	s1 =	sshrl.u32 s1, $0x2  }
0xc0: {  	s3 =	sand.u32 $0x4000, s31;
	s1 =	sadd.s32 s1, s30  }
0xc1: {  	s0 =	sor.u32 s3, s0;
	s1 =	sshll.u32 s1, $0x11  }
0xc2: {  	s0 =	sor.u32 s1, s0  }
0xc3: {  	s0 =	sadd.s32 $0x8F2B, s0  }
0xc4: {  	[sflag:s0] =	ssyncadd.remote.s32 $0x1  }
0xc5: {  	_ =	sfence.sel $0xFFFF  }
0xc6: {  	[dreg:$0x0] =	wrdreg $0xFFFFFFFF;
	(pc) =	sbr.abs _section_cstart, $3  }
0xc7: {  	[dreg:$0x1] =	wrdreg $0xFFFFFFFF  }
0xc8: {  	_ =	task.clear_ibuf [dreg:s7], $0x2FFFF;
	_ =	strace $0x9FFFFFFF  }
0xc9: {  	(tm) =	ssettm $0x7FFFFFFF  }
tec
execute0_lowered:
.L_overlay_start_1:
0x0: {  	(tag) =	ssettag $0x1  }
0x1: {  	s4 =	rddreg [dreg:$0x0]  }
0x2: {  	s7 =	rddreg [dreg:$0x1]  }
0x3: {  	s1 =	rddreg [dreg:$0x2];
	s2 =	srdreg.scid  }
0x4: {  	s0 =	rddreg [dreg:$0x3];
	s3 =	simm.s32 $0x0;
	s11 =	simm.s32 $0x2A80  }
0x5: {  	s14 =	simm.s32 $0x0;
	s5 =	sand.u32 $0x1, s2;
	[smem:$0x7FF] =	sst s3  }
0x6: {  	s2 =	stileid.u32;
	s6 =	sshll.u32 s5, $0x4;
	s8 =	ssub.s32 $0x2, s5  }
0x7: {  	s9 =	smul.u32 $0x280, s2;
	_ =	strace $0x80000047;
	p0 =	seq.s32 s5, $0x1  }
0x8: {  	s12 =	sshll.u32 s2, $0x6;
	s6 =	sor.u32 s2, s6;
	s10 =	sshrl.u32 s8, $0x1  }
0x9: {  	s12 =	sor.u32 $0x1C01, s12;
	s6 =	smul.u32 $0x500, s6;
	s8 =	ssub.s32 s8, s10  }
0xa: {  	s10 =	simm.s32 $0x3E00;
	s5 =	sadd.s32 s9, s1;
	s9 =	sshrl.u32 s9, $0x3  }
0xb: {  	s10 =	simm.s32 @!p0 $0x3800;
	s13 =	sshrl.u32 s5, $0x3;
	s4 =	sadd.s32 s4, s6  }
0xc: {  	s6 =	smax.u32 s8, $0x1;
	s7 =	sadd.s32 s10, s7;
	s8 =	simm.s32 $0x1  }
0xd: {  	v0 =	vimm.f32 $0.0e+00;
	v1 =	vimm.f32 $1.000000000e+00;
	s10 =	simm.s32 $0x80;
	s7 =	sadd.s32 s7, s9;
	s9 =	simm.s32 $0x2800  }
.LBB2_1:
0xe: {  	[tilespmem:$0x2800] =	vst v0  }
0xf: {  	[tilespmem:$0x2810] =	vst v0  }
0x10: {  	[tilespmem:$0x2820] =	vst v0  }
0x11: {  	[tilespmem:$0x2830] =	vst v0  }
0x12: {  	[tilespmem:$0x2840] =	vst v0  }
0x13: {  	[tilespmem:$0x2850] =	vst v0  }
0x14: {  	[tilespmem:$0x2860] =	vst v0  }
0x15: {  	[tilespmem:$0x2870] =	vst v0  }
0x16: {  	[tilespmem:$0x2880] =	vst v0  }
0x17: {  	[tilespmem:$0x2890] =	vst v0  }
0x18: {  	[tilespmem:$0x28A0] =	vst v0  }
0x19: {  	[tilespmem:$0x28B0] =	vst v0  }
0x1a: {  	[tilespmem:$0x28C0] =	vst v0  }
0x1b: {  	[tilespmem:$0x28D0] =	vst v0  }
0x1c: {  	[tilespmem:$0x28E0] =	vst v0  }
0x1d: {  	[tilespmem:$0x28F0] =	vst v0  }
0x1e: {  	[tilespmem:$0x2900] =	vst v0  }
0x1f: {  	[tilespmem:$0x2910] =	vst v0  }
0x20: {  	[tilespmem:$0x2920] =	vst v0  }
0x21: {  	[tilespmem:$0x2930] =	vst v0  }
0x22: {  	[tilespmem:$0x2940] =	vst v0  }
0x23: {  	[tilespmem:$0x2950] =	vst v0  }
0x24: {  	[tilespmem:$0x2960] =	vst v0  }
0x25: {  	[tilespmem:$0x2970] =	vst v0  }
0x26: {  	[tilespmem:$0x2980] =	vst v0  }
0x27: {  	[tilespmem:$0x2990] =	vst v0  }
0x28: {  	[tilespmem:$0x29A0] =	vst v0  }
0x29: {  	[tilespmem:$0x29B0] =	vst v0  }
0x2a: {  	[tilespmem:$0x29C0] =	vst v0  }
0x2b: {  	[tilespmem:$0x29D0] =	vst v0  }
0x2c: {  	[tilespmem:$0x29E0] =	vst v0  }
0x2d: {  	[tilespmem:$0x29F0] =	vst v0  }
0x2e: {  	[tilespmem:$0x2A00] =	vst v0  }
0x2f: {  	[tilespmem:$0x2A10] =	vst v0  }
0x30: {  	[tilespmem:$0x2A20] =	vst v0  }
0x31: {  	[tilespmem:$0x2A30] =	vst v0  }
0x32: {  	[tilespmem:$0x2A40] =	vst v0  }
0x33: {  	[tilespmem:$0x2A50] =	vst v0  }
0x34: {  	[tilespmem:$0x2A60] =	vst v0  }
0x35: {  	[tilespmem:$0x2A70] =	vst v0  }
0x36: {  	[tilespmem:$0x2A80] =	vst v1  }
0x37: {  	[tilespmem:$0x2A90] =	vst v1  }
0x38: {  	[tilespmem:$0x2AA0] =	vst v1  }
0x39: {  	[tilespmem:$0x2AB0] =	vst v1  }
0x3a: {  	[tilespmem:$0x2AC0] =	vst v1  }
0x3b: {  	[tilespmem:$0x2AD0] =	vst v1  }
0x3c: {  	[tilespmem:$0x2AE0] =	vst v1  }
0x3d: {  	[tilespmem:$0x2AF0] =	vst v1  }
0x3e: {  	[tilespmem:s3], [sflag:$0x1] =	stream.linear.gather [hbm4b:s4+s3], $0x2800, $0x38;
	[tilespmem:$0x2D80] =	vst v63  }
0x3f: {  	_ =	swait.ge [sflag:s8], $0x2800  }
0x40: {  	[sflag:s8] =	ssyncset.done $0x0  }
0x41: {  	[sflag:s8] =	ssyncadd.s32 $0xFFFFD800  }
0x42: {  	[spmem:s5] =	stream.linear.scatter [tilespmem:s9], [sflag:$0x1], $0x280, $0x38;
	[tilespmem:$0x2D80] =	vst v63  }
0x43: {  	_ =	swait.ge [sflag:s8], $0x280  }
0x44: {  	[sflag:s8] =	ssyncset.done $0x0  }
0x45: {  	[sflag:s8] =	ssyncadd.s32 $0xFFFFFD80  }
0x46: {  	s15 =	simm.s32 $0x0;
	[bflag:$0x0] =	sbarrier.arrive $0xFFFF  }
0x47: {  	[spmem:s1] =	stream.indirect.scatter.add.f32 [tilespmem:s11], [sflag:$0x1], $0x1, s15, s10, $0xb8;
	[tilespmem:$0x2D80] =	vst v63  }
0x48: {  	_ =	swait.ge [sflag:s8], $0x80  }
0x49: {  	s15 =	simm.s32 $0x200;
	[sflag:s8] =	ssyncset.done $0x0  }
.LBB2_2:
0x4a: {  	s16 =	sshra.s32 s15, $0x2;
	[sflag:s8] =	ssyncadd.s32 $0xFFFFFF80;
	p0 =	sne.s32 s15, $0x9E00  }
0x4b: {  	[spmem:s1] =	stream.indirect.scatter.add.f32 [tilespmem:s11], [sflag:$0x1], $0x1, s16, s10, $0xb8;
	[tilespmem:$0x2D80] =	vst v63  }
.Ltmp0:
0x4c: {  	_ = 	snop;
	(pc) =	sbr.rel @p0 .LBB2_2-.Ltmp0, $4  }
0x4d: {  	_ = 	snop  }
0x4e: {  	s15 =	sadd.s32 $0x200, s15  }
0x4f: {  	_ =	swait.ge [sflag:s8], $0x80  }
0x50: {  	[sflag:s8] =	ssyncset.done $0x0  }
0x51: {  	s14 =	sadd.s32 $0x1, s14  }
0x52: {  	[sflag:s8] =	ssyncadd.s32 $0xFFFFFF80;
	p0 =	sne.s32 s14, s6  }
.Ltmp1:
0x53: {  	[bflag:$0x0] =	sbarrier.arrive $0xFFFF;
	(pc) =	sbr.rel @p0 .LBB2_1-.Ltmp1, $4  }
0x54: {  	[hbm:s7], [sflag:s12] =	dma.local [spmem:s13], $0x50  }
0x55: {  	_ =	swait.ge [sflag:s8], $0x50  }
0x56: {  	[sflag:s8] =	ssyncset.done $0x0  }
0x57: {  	[sflag:s8] =	ssyncadd.s32 $0xFFFFFFB0  }
0x58: {  	_ =	sfence.sel $0x180000  }
0x59: {  	[bflag:$0x0] =	sbarrier.arrive $0xFFFF  }
0x5a: {  	p0 =	sne.s32 s2, $0x0;
	_ =	strace $0x90000047  }
0x5b: {  	s0 =	sadd.s32 @!p0 $0x100000, s0;
	[bflag:$0x2] =	sbarrier.arrive $0xFFFF  }
0x5c: {  	[sflag:s0] =	ssyncadd.tile.s32 @!p0 $0x1;
	_ =	shalt  }
.Lfunc_end2:
_tile_overlayer_lowered:
.L_overlay_start_2:
0x5d: {  	(tag) =	ssettag $0x2  }
0x5e: {  	s0 =	rddreg [dreg:$0x0];
	s2 =	stileid.u32  }
0x5f: {  	s1 =	rddreg [dreg:$0x1];
	p0 =	sne.s32 s2, $0x0  }
0x60: {  	s3 =	rddreg [dreg:$0x2];
	[bflag:$0x3] =	sbarrier.arrive $0xFFFF;
	s2 =	simm.s32 @!p0 $0x1C01  }
0x61: {  	[timem:s3], [sflag:s2] =	dma.local @!p0 [hbm:s0], s1  }
0x62: {  	s0 =	simm.s32 @!p0 $0x1  }
0x63: {  	_ =	swait.ge @!p0 [sflag:s0], s1  }
0x64: {  	s1 =	ssub.s32 @!p0 $0x0, s1;
	[sflag:s0] =	ssyncset.done @!p0 $0x0  }
0x65: {  	[sflag:s0] =	ssyncadd.s32 @!p0 s1  }
0x66: {  	[bflag:$0x3] =	sbarrier.arrive $0xFFFF  }
0x67: {  	_ =	shalt  }

</sc_bundles>
